<compile_context>
chip_gen: v7x
topology: tpu7x:2x2x1
jax: 0.10.2.dev20260603
libtpu: 0.0.44.dev20260713+nightly
codegen_flags: <defaults>
</compile_context>

<pallas_src>
import functools

import jax
import jax.numpy as jnp
from jax import lax
from jax.experimental import pallas as pl
from jax.experimental.pallas import tpu as pltpu
from jax.experimental.pallas import tpu_sc as plsc

_NUM_WORKERS = 32
_VCHUNK = 64
_NCHUNKS = 4
_BLK = 2048


def _sc_gather(value_table, vids, Bc, H, row0):
    rows_per_w = Bc // _NUM_WORKERS
    nvc = rows_per_w // _VCHUNK
    mesh = plsc.VectorSubcoreMesh(core_axis_name="c", subcore_axis_name="s")

    @functools.partial(
        pl.kernel,
        mesh=mesh,
        out_type=jax.ShapeDtypeStruct((Bc, H), jnp.float32),
        scratch_types=[
            pltpu.VMEM((rows_per_w,), jnp.int32),
            pltpu.VMEM((_VCHUNK, H), jnp.float32),
            pltpu.VMEM((_VCHUNK, H), jnp.float32),
            pltpu.SemaphoreType.DMA,
            pltpu.SemaphoreType.DMA,
        ],
    )
    def k(table_hbm, vids_hbm, emb_hbm, vidx, rows0, rows1, sem0, sem1):
        wid = lax.axis_index("s") * 2 + lax.axis_index("c")
        pltpu.sync_copy(vids_hbm.at[pl.ds(row0 + wid * rows_per_w, rows_per_w)],
                        vidx)
        base = wid * rows_per_w
        bufs = (rows0, rows1)
        sems = (sem0, sem1)
        copies = [
            pltpu.make_async_copy(
                table_hbm.at[vidx.at[pl.ds(c * _VCHUNK, _VCHUNK)]],
                bufs[c % 2], sems[c % 2])
            for c in range(nvc)
        ]
        copies[0].start()
        for c in range(nvc):
            copies[c].wait()
            if c + 1 < nvc:
                copies[c + 1].start()
            pltpu.sync_copy(bufs[c % 2], emb_hbm.at[pl.ds(base + c * _VCHUNK, _VCHUNK)])

    return k(value_table, vids)


def _tc_dense(emb_c, W, b, g, be, eids_c, etab, node_acc, eattr_acc, row0, Btot):
    Bc, H = emb_c.shape
    n_types, EA = etab.shape
    nsteps = Bc // _BLK
    base = row0 // _BLK
    aliased = node_acc is not None

    def body(*refs):
        if aliased:
            refs = refs[2:]
        (emb_ref, w_ref, b_ref, g_ref, be_ref, eid_ref, etab_t_ref,
         out_ref, eattr_ref) = refs
        h = jnp.dot(emb_ref[...].astype(jnp.bfloat16), w_ref[...],
                    preferred_element_type=jnp.float32)
        h = h + b_ref[...]
        mean = jnp.mean(h, axis=-1, keepdims=True)
        var = jnp.mean((h - mean) ** 2, axis=-1, keepdims=True)
        out_ref[...] = (h - mean) * lax.rsqrt(var + 1e-5) * g_ref[...] + be_ref[...]
        ids = eid_ref[0, 0, :][None, :]
        onehot = (ids == lax.broadcasted_iota(jnp.int32, (n_types, _BLK), 0))
        eattr_ref[...] = jnp.dot(etab_t_ref[...], onehot.astype(jnp.float32),
                                 preferred_element_type=jnp.float32)

    in_specs = [
        pl.BlockSpec((_BLK, H), lambda i: (i, 0)),
        pl.BlockSpec((H, H), lambda i: (0, 0)),
        pl.BlockSpec((1, H), lambda i: (0, 0)),
        pl.BlockSpec((1, H), lambda i: (0, 0)),
        pl.BlockSpec((1, H), lambda i: (0, 0)),
        pl.BlockSpec((1, 1, _BLK), lambda i: (base + i, 0, 0)),
        pl.BlockSpec((EA, n_types), lambda i: (0, 0)),
    ]
    args = [emb_c, W.astype(jnp.bfloat16), b.reshape(1, H), g.reshape(1, H),
            be.reshape(1, H), eids_c, etab.T]
    aliases = {}
    if aliased:
        in_specs = [pl.BlockSpec(memory_space=pl.ANY),
                    pl.BlockSpec(memory_space=pl.ANY)] + in_specs
        args = [node_acc, eattr_acc] + args
        aliases = {0: 0, 1: 1}
    return pl.pallas_call(
        body,
        grid=(nsteps,),
        in_specs=in_specs,
        out_specs=[
            pl.BlockSpec((_BLK, H), lambda i: (base + i, 0)),
            pl.BlockSpec((EA, _BLK), lambda i: (0, base + i)),
        ],
        out_shape=[
            jax.ShapeDtypeStruct((Btot, H), jnp.float32),
            jax.ShapeDtypeStruct((EA, Btot), jnp.float32),
        ],
        input_output_aliases=aliases,
    )(*args)


def kernel(value_ids, edge_type_ids, value_table, W_proj, b_proj, ln_gamma,
           ln_beta, edge_type_table):
    B = value_ids.shape[0]
    E = edge_type_ids.shape[0]
    H = value_table.shape[1]
    vids = value_ids.astype(jnp.int32)
    eids = edge_type_ids.astype(jnp.int32)

    eids3 = eids.reshape(E // _BLK, 1, _BLK)

    sizes = [B // _NCHUNKS] * _NCHUNKS
    offs = [0]
    for s in sizes[:-1]:
        offs.append(offs[-1] + s)

    embs = [_sc_gather(value_table, vids, s, H, o)
            for s, o in zip(sizes, offs)]

    node_acc, eattr_acc = None, None
    for emb_c, o in zip(embs, offs):
        node_acc, eattr_acc = _tc_dense(
            emb_c, W_proj, b_proj, ln_gamma, ln_beta, eids3,
            edge_type_table, node_acc, eattr_acc, o, B)
    return node_acc, eattr_acc.T

# --- scband reference (transcript-rebuilt; emitter-appended) ---
"""Pipeline reference for scband-schema-graph-builder-49606872269030 (READ-ONLY COPY).

The authoritative reference and input builder live on the scoring server;
editing this copy changes nothing except your own understanding.
"""

import jax, jax.numpy as jnp
import numpy as np

VOCAB = 100000
HIDDEN = 768
EDGE_ATTR_DIM = 32
N_EDGE_TYPES = 4
B = 16384
E = 16384


def _layer_norm(x, gamma, beta, eps=1e-5):
    mean = jnp.mean(x, axis=-1, keepdims=True)
    var = jnp.var(x, axis=-1, keepdims=True)
    return (x - mean) / jnp.sqrt(var + eps) * gamma + beta


def setup_inputs(seed: int = 0) -> dict:
    key = jax.random.key(seed)
    ks = jax.random.split(key, 8)
    value_ids = jax.random.randint(ks[0], (B,), 0, VOCAB, dtype=jnp.int64 if jax.config.jax_enable_x64 else jnp.int32)
    edge_type_ids = jax.random.randint(ks[1], (E,), 0, N_EDGE_TYPES, dtype=jnp.int64 if jax.config.jax_enable_x64 else jnp.int32)
    # value_embeddings table (xavier-uniform-like init)
    limit = float(np.sqrt(6.0 / (VOCAB + HIDDEN)))
    value_table = jax.random.uniform(ks[2], (VOCAB, HIDDEN), jnp.float32, -limit, limit)
    # value_projector: Linear(hidden, hidden)
    wlim = float(np.sqrt(1.0 / HIDDEN))
    W_proj = jax.random.uniform(ks[3], (HIDDEN, HIDDEN), jnp.float32, -wlim, wlim)
    b_proj = jax.random.uniform(ks[4], (HIDDEN,), jnp.float32, -wlim, wlim)
    # LayerNorm params
    ln_gamma = jnp.ones((HIDDEN,), jnp.float32)
    ln_beta = jnp.zeros((HIDDEN,), jnp.float32)
    # edge_type_embedding: Embedding(len(SchemaEdgeType)=4, edge_attr_dim)
    edge_type_table = jax.random.normal(ks[5], (N_EDGE_TYPES, EDGE_ATTR_DIM), jnp.float32)
    return {
        "value_ids": value_ids,
        "edge_type_ids": edge_type_ids,
        "value_table": value_table,
        "W_proj": W_proj,
        "b_proj": b_proj,
        "ln_gamma": ln_gamma,
        "ln_beta": ln_beta,
        "edge_type_table": edge_type_table,
    }


def reference(value_ids, edge_type_ids, value_table, W_proj, b_proj, ln_gamma, ln_beta, edge_type_table):
    # node feature construction: embedding lookup -> linear projector -> layer norm
    emb = jnp.take(value_table, value_ids, axis=0)          # [B, H] gather
    h = emb @ W_proj + b_proj                                # projector
    node_feat = _layer_norm(h, ln_gamma, ln_beta)            # layer_norm
    # edge attributes: edge-type embedding lookup
    edge_attr = jnp.take(edge_type_table, edge_type_ids, axis=0)  # [E, edge_attr_dim]
    return node_feat, edge_attr

if __name__ == "__main__":
    import jax
    _d = setup_inputs()
    print(jax.jit(kernel)(*tuple(_d.values())))

</pallas_src>

<mosaic_0001>
#map = affine_map<(d0, d1) -> (0, 0)>
#map1 = affine_map<(d0, d1) -> (0)>
module attributes {stable_mosaic.version = 14 : i64} {
  func.func @k(%arg0: i32, %arg1: i32, %arg2: memref<100000x768xf32, #tpu.memory_space<hbm>>, %arg3: memref<16384xi32, #tpu.memory_space<hbm>>, %arg4: memref<4096x768xf32, #tpu.memory_space<hbm>>, %arg5: memref<128xi32, #tpu.memory_space<vmem>>, %arg6: memref<64x768xf32, #tpu.memory_space<vmem>>, %arg7: memref<64x768xf32, #tpu.memory_space<vmem>>, %arg8: memref<!tpu.dma_semaphore, #tpu.memory_space<semaphore_mem>>, %arg9: memref<!tpu.dma_semaphore, #tpu.memory_space<semaphore_mem>>) attributes {dimension_semantics = [#tpu.dimension_semantics<core_parallel>, #tpu.dimension_semantics<subcore_parallel>], iteration_bounds = array<i64: 2, 16>, scalar_prefetch = 0 : i64, scratch_operands = 5 : i64, tpu.core_type = #tpu.core_type<sc_vector_subcore>, window_params = [{transform_indices = #map}, {transform_indices = #map1}, {transform_indices = #map}]} {
    %mul3A = arith.constant 2 : i32
    %mul3A_0 = arith.muli %arg1, %mul3A : i32
    %add3A = arith.addi %mul3A_0, %arg0 : i32
    %mul3A_1 = arith.constant 128 : i32
    %mul3A_2 = arith.muli %add3A, %mul3A_1 : i32
    %add3A_3 = arith.constant 0 : i32
    %add3A_4 = arith.addi %add3A_3, %mul3A_2 : i32
    "tpu.region"() ({
      %run_scoped3A = tpu.sem_alloc : memref<!tpu.dma_semaphore, #tpu.memory_space<semaphore_mem>>
      %dma_start3A_29 = tpu.memref_slice %arg3[%add3A_4] : memref<16384xi32, #tpu.memory_space<hbm>> -> memref<128xi32, #tpu.memory_space<hbm>>
      %dma_start3A_30 = tpu.memref_slice %arg3[%add3A_4] : memref<16384xi32, #tpu.memory_space<hbm>> -> memref<128xi32, #tpu.memory_space<hbm>>
      tpu.enqueue_dma source(%dma_start3A_30 : memref<128xi32, #tpu.memory_space<hbm>>) target(%arg5 : memref<128xi32, #tpu.memory_space<vmem>>) target_semaphore(%run_scoped3A : memref<!tpu.dma_semaphore, #tpu.memory_space<semaphore_mem>>)
      %dma_wait3A_31 = tpu.memref_slice %arg3[%add3A_4] : memref<16384xi32, #tpu.memory_space<hbm>> -> memref<128xi32, #tpu.memory_space<hbm>>
      %dma_wait3A_32 = tpu.memref_slice %arg3[%add3A_4] : memref<16384xi32, #tpu.memory_space<hbm>> -> memref<128xi32, #tpu.memory_space<hbm>>
      tpu.wait_dma2 semaphore(%run_scoped3A : memref<!tpu.dma_semaphore, #tpu.memory_space<semaphore_mem>>) src(%dma_wait3A_32 : memref<128xi32, #tpu.memory_space<hbm>>) dst(%arg5 : memref<128xi32, #tpu.memory_space<vmem>>)
      tpu.yield
    }) : () -> ()
    %mul3A_5 = arith.constant 128 : i32
    %mul3A_6 = arith.muli %add3A, %mul3A_5 : i32
    %dma_start3A = arith.constant 0 : i32
    %dma_start3A_7 = tpu.memref_slice %arg5[%dma_start3A] : memref<128xi32, #tpu.memory_space<vmem>> -> memref<64xi32, #tpu.memory_space<vmem>>
    %dma_start3A_8 = arith.constant 0 : i32
    %dma_start3A_9 = arith.constant 0 : i32
    %dma_start3A_10 = tpu.memref_slice %arg2[%dma_start3A_8, %dma_start3A_9] : memref<100000x768xf32, #tpu.memory_space<hbm>> -> memref<100000x768xf32, #tpu.memory_space<hbm>>
    tpu.enqueue_indirect_dma source(%dma_start3A_10 : memref<100000x768xf32, #tpu.memory_space<hbm>>) target(%arg6 : memref<64x768xf32, #tpu.memory_space<vmem>>) offsets(%dma_start3A_7 : memref<64xi32, #tpu.memory_space<vmem>>) semaphore(%arg8 : memref<!tpu.dma_semaphore, #tpu.memory_space<semaphore_mem>>)
    %dma_wait3A = arith.constant 0 : i32
    %dma_wait3A_11 = tpu.memref_slice %arg5[%dma_wait3A] : memref<128xi32, #tpu.memory_space<vmem>> -> memref<64xi32, #tpu.memory_space<vmem>>
    %dma_wait3A_12 = arith.constant 0 : i32
    %dma_wait3A_13 = arith.constant 0 : i32
    %dma_wait3A_14 = tpu.memref_slice %arg2[%dma_wait3A_12, %dma_wait3A_13] : memref<100000x768xf32, #tpu.memory_space<hbm>> -> memref<100000x768xf32, #tpu.memory_space<hbm>>
    tpu.wait_indirect_dma semaphore(%arg8 : memref<!tpu.dma_semaphore, #tpu.memory_space<semaphore_mem>>) src(%dma_wait3A_14 : memref<100000x768xf32, #tpu.memory_space<hbm>>) dst(%arg6 : memref<64x768xf32, #tpu.memory_space<vmem>>)
    %dma_start3A_15 = arith.constant 64 : i32
    %dma_start3A_16 = tpu.memref_slice %arg5[%dma_start3A_15] : memref<128xi32, #tpu.memory_space<vmem>> -> memref<64xi32, #tpu.memory_space<vmem>>
    %dma_start3A_17 = arith.constant 0 : i32
    %dma_start3A_18 = arith.constant 0 : i32
    %dma_start3A_19 = tpu.memref_slice %arg2[%dma_start3A_17, %dma_start3A_18] : memref<100000x768xf32, #tpu.memory_space<hbm>> -> memref<100000x768xf32, #tpu.memory_space<hbm>>
    tpu.enqueue_indirect_dma source(%dma_start3A_19 : memref<100000x768xf32, #tpu.memory_space<hbm>>) target(%arg7 : memref<64x768xf32, #tpu.memory_space<vmem>>) offsets(%dma_start3A_16 : memref<64xi32, #tpu.memory_space<vmem>>) semaphore(%arg9 : memref<!tpu.dma_semaphore, #tpu.memory_space<semaphore_mem>>)
    %add3A_20 = arith.constant 0 : i32
    %add3A_21 = arith.addi %mul3A_6, %add3A_20 : i32
    "tpu.region"() ({
      %run_scoped3A = tpu.sem_alloc : memref<!tpu.dma_semaphore, #tpu.memory_space<semaphore_mem>>
      %dma_start3A_29 = arith.constant 0 : i32
      %dma_start3A_30 = tpu.memref_slice %arg4[%add3A_21, %dma_start3A_29] : memref<4096x768xf32, #tpu.memory_space<hbm>> -> memref<64x768xf32, #tpu.memory_space<hbm>>
      %dma_start3A_31 = arith.constant 0 : i32
      %dma_start3A_32 = tpu.memref_slice %arg4[%add3A_21, %dma_start3A_31] : memref<4096x768xf32, #tpu.memory_space<hbm>> -> memref<64x768xf32, #tpu.memory_space<hbm>>
      tpu.enqueue_dma source(%arg6 : memref<64x768xf32, #tpu.memory_space<vmem>>) target(%dma_start3A_32 : memref<64x768xf32, #tpu.memory_space<hbm>>) target_semaphore(%run_scoped3A : memref<!tpu.dma_semaphore, #tpu.memory_space<semaphore_mem>>)
      %dma_wait3A_33 = arith.constant 0 : i32
      %dma_wait3A_34 = tpu.memref_slice %arg4[%add3A_21, %dma_wait3A_33] : memref<4096x768xf32, #tpu.memory_space<hbm>> -> memref<64x768xf32, #tpu.memory_space<hbm>>
      %dma_wait3A_35 = arith.constant 0 : i32
      %dma_wait3A_36 = tpu.memref_slice %arg4[%add3A_21, %dma_wait3A_35] : memref<4096x768xf32, #tpu.memory_space<hbm>> -> memref<64x768xf32, #tpu.memory_space<hbm>>
      tpu.wait_dma2 semaphore(%run_scoped3A : memref<!tpu.dma_semaphore, #tpu.memory_space<semaphore_mem>>) src(%arg6 : memref<64x768xf32, #tpu.memory_space<vmem>>) dst(%dma_wait3A_36 : memref<64x768xf32, #tpu.memory_space<hbm>>)
      tpu.yield
    }) : () -> ()
    %dma_wait3A_22 = arith.constant 64 : i32
    %dma_wait3A_23 = tpu.memref_slice %arg5[%dma_wait3A_22] : memref<128xi32, #tpu.memory_space<vmem>> -> memref<64xi32, #tpu.memory_space<vmem>>
    %dma_wait3A_24 = arith.constant 0 : i32
    %dma_wait3A_25 = arith.constant 0 : i32
    %dma_wait3A_26 = tpu.memref_slice %arg2[%dma_wait3A_24, %dma_wait3A_25] : memref<100000x768xf32, #tpu.memory_space<hbm>> -> memref<100000x768xf32, #tpu.memory_space<hbm>>
    tpu.wait_indirect_dma semaphore(%arg9 : memref<!tpu.dma_semaphore, #tpu.memory_space<semaphore_mem>>) src(%dma_wait3A_26 : memref<100000x768xf32, #tpu.memory_space<hbm>>) dst(%arg7 : memref<64x768xf32, #tpu.memory_space<vmem>>)
    %add3A_27 = arith.constant 64 : i32
    %add3A_28 = arith.addi %mul3A_6, %add3A_27 : i32
    "tpu.region"() ({
      %run_scoped3A = tpu.sem_alloc : memref<!tpu.dma_semaphore, #tpu.memory_space<semaphore_mem>>
      %dma_start3A_29 = arith.constant 0 : i32
      %dma_start3A_30 = tpu.memref_slice %arg4[%add3A_28, %dma_start3A_29] : memref<4096x768xf32, #tpu.memory_space<hbm>> -> memref<64x768xf32, #tpu.memory_space<hbm>>
      %dma_start3A_31 = arith.constant 0 : i32
      %dma_start3A_32 = tpu.memref_slice %arg4[%add3A_28, %dma_start3A_31] : memref<4096x768xf32, #tpu.memory_space<hbm>> -> memref<64x768xf32, #tpu.memory_space<hbm>>
      tpu.enqueue_dma source(%arg7 : memref<64x768xf32, #tpu.memory_space<vmem>>) target(%dma_start3A_32 : memref<64x768xf32, #tpu.memory_space<hbm>>) target_semaphore(%run_scoped3A : memref<!tpu.dma_semaphore, #tpu.memory_space<semaphore_mem>>)
      %dma_wait3A_33 = arith.constant 0 : i32
      %dma_wait3A_34 = tpu.memref_slice %arg4[%add3A_28, %dma_wait3A_33] : memref<4096x768xf32, #tpu.memory_space<hbm>> -> memref<64x768xf32, #tpu.memory_space<hbm>>
      %dma_wait3A_35 = arith.constant 0 : i32
      %dma_wait3A_36 = tpu.memref_slice %arg4[%add3A_28, %dma_wait3A_35] : memref<4096x768xf32, #tpu.memory_space<hbm>> -> memref<64x768xf32, #tpu.memory_space<hbm>>
      tpu.wait_dma2 semaphore(%run_scoped3A : memref<!tpu.dma_semaphore, #tpu.memory_space<semaphore_mem>>) src(%arg7 : memref<64x768xf32, #tpu.memory_space<vmem>>) dst(%dma_wait3A_36 : memref<64x768xf32, #tpu.memory_space<hbm>>)
      tpu.yield
    }) : () -> ()
    return
  }
}

#map = affine_map<(d0, d1) -> (0, 0)>
#map1 = affine_map<(d0, d1) -> (0)>
module attributes {stable_mosaic.version = 14 : i64} {
  func.func @k(%arg0: i32, %arg1: i32, %arg2: memref<100000x768xf32, #tpu.memory_space<hbm>>, %arg3: memref<16384xi32, #tpu.memory_space<hbm>>, %arg4: memref<4096x768xf32, #tpu.memory_space<hbm>>, %arg5: memref<128xi32, #tpu.memory_space<vmem>>, %arg6: memref<64x768xf32, #tpu.memory_space<vmem>>, %arg7: memref<64x768xf32, #tpu.memory_space<vmem>>, %arg8: memref<!tpu.dma_semaphore, #tpu.memory_space<semaphore_mem>>, %arg9: memref<!tpu.dma_semaphore, #tpu.memory_space<semaphore_mem>>) attributes {dimension_semantics = [#tpu.dimension_semantics<core_parallel>, #tpu.dimension_semantics<subcore_parallel>], iteration_bounds = array<i64: 2, 16>, scalar_prefetch = 0 : i64, scratch_operands = 5 : i64, tpu.core_type = #tpu.core_type<sc_vector_subcore>, window_params = [{transform_indices = #map}, {transform_indices = #map1}, {transform_indices = #map}]} {
    %mul3A = arith.constant 2 : i32
    %mul3A_0 = arith.muli %arg1, %mul3A : i32
    %add3A = arith.addi %mul3A_0, %arg0 : i32
    %mul3A_1 = arith.constant 128 : i32
    %mul3A_2 = arith.muli %add3A, %mul3A_1 : i32
    %add3A_3 = arith.constant 4096 : i32
    %add3A_4 = arith.addi %add3A_3, %mul3A_2 : i32
    "tpu.region"() ({
      %run_scoped3A = tpu.sem_alloc : memref<!tpu.dma_semaphore, #tpu.memory_space<semaphore_mem>>
      %dma_start3A_29 = tpu.memref_slice %arg3[%add3A_4] : memref<16384xi32, #tpu.memory_space<hbm>> -> memref<128xi32, #tpu.memory_space<hbm>>
      %dma_start3A_30 = tpu.memref_slice %arg3[%add3A_4] : memref<16384xi32, #tpu.memory_space<hbm>> -> memref<128xi32, #tpu.memory_space<hbm>>
      tpu.enqueue_dma source(%dma_start3A_30 : memref<128xi32, #tpu.memory_space<hbm>>) target(%arg5 : memref<128xi32, #tpu.memory_space<vmem>>) target_semaphore(%run_scoped3A : memref<!tpu.dma_semaphore, #tpu.memory_space<semaphore_mem>>)
      %dma_wait3A_31 = tpu.memref_slice %arg3[%add3A_4] : memref<16384xi32, #tpu.memory_space<hbm>> -> memref<128xi32, #tpu.memory_space<hbm>>
      %dma_wait3A_32 = tpu.memref_slice %arg3[%add3A_4] : memref<16384xi32, #tpu.memory_space<hbm>> -> memref<128xi32, #tpu.memory_space<hbm>>
      tpu.wait_dma2 semaphore(%run_scoped3A : memref<!tpu.dma_semaphore, #tpu.memory_space<semaphore_mem>>) src(%dma_wait3A_32 : memref<128xi32, #tpu.memory_space<hbm>>) dst(%arg5 : memref<128xi32, #tpu.memory_space<vmem>>)
      tpu.yield
    }) : () -> ()
    %mul3A_5 = arith.constant 128 : i32
    %mul3A_6 = arith.muli %add3A, %mul3A_5 : i32
    %dma_start3A = arith.constant 0 : i32
    %dma_start3A_7 = tpu.memref_slice %arg5[%dma_start3A] : memref<128xi32, #tpu.memory_space<vmem>> -> memref<64xi32, #tpu.memory_space<vmem>>
    %dma_start3A_8 = arith.constant 0 : i32
    %dma_start3A_9 = arith.constant 0 : i32
    %dma_start3A_10 = tpu.memref_slice %arg2[%dma_start3A_8, %dma_start3A_9] : memref<100000x768xf32, #tpu.memory_space<hbm>> -> memref<100000x768xf32, #tpu.memory_space<hbm>>
    tpu.enqueue_indirect_dma source(%dma_start3A_10 : memref<100000x768xf32, #tpu.memory_space<hbm>>) target(%arg6 : memref<64x768xf32, #tpu.memory_space<vmem>>) offsets(%dma_start3A_7 : memref<64xi32, #tpu.memory_space<vmem>>) semaphore(%arg8 : memref<!tpu.dma_semaphore, #tpu.memory_space<semaphore_mem>>)
    %dma_wait3A = arith.constant 0 : i32
    %dma_wait3A_11 = tpu.memref_slice %arg5[%dma_wait3A] : memref<128xi32, #tpu.memory_space<vmem>> -> memref<64xi32, #tpu.memory_space<vmem>>
    %dma_wait3A_12 = arith.constant 0 : i32
    %dma_wait3A_13 = arith.constant 0 : i32
    %dma_wait3A_14 = tpu.memref_slice %arg2[%dma_wait3A_12, %dma_wait3A_13] : memref<100000x768xf32, #tpu.memory_space<hbm>> -> memref<100000x768xf32, #tpu.memory_space<hbm>>
    tpu.wait_indirect_dma semaphore(%arg8 : memref<!tpu.dma_semaphore, #tpu.memory_space<semaphore_mem>>) src(%dma_wait3A_14 : memref<100000x768xf32, #tpu.memory_space<hbm>>) dst(%arg6 : memref<64x768xf32, #tpu.memory_space<vmem>>)
    %dma_start3A_15 = arith.constant 64 : i32
    %dma_start3A_16 = tpu.memref_slice %arg5[%dma_start3A_15] : memref<128xi32, #tpu.memory_space<vmem>> -> memref<64xi32, #tpu.memory_space<vmem>>
    %dma_start3A_17 = arith.constant 0 : i32
    %dma_start3A_18 = arith.constant 0 : i32
    %dma_start3A_19 = tpu.memref_slice %arg2[%dma_start3A_17, %dma_start3A_18] : memref<100000x768xf32, #tpu.memory_space<hbm>> -> memref<100000x768xf32, #tpu.memory_space<hbm>>
    tpu.enqueue_indirect_dma source(%dma_start3A_19 : memref<100000x768xf32, #tpu.memory_space<hbm>>) target(%arg7 : memref<64x768xf32, #tpu.memory_space<vmem>>) offsets(%dma_start3A_16 : memref<64xi32, #tpu.memory_space<vmem>>) semaphore(%arg9 : memref<!tpu.dma_semaphore, #tpu.memory_space<semaphore_mem>>)
    %add3A_20 = arith.constant 0 : i32
    %add3A_21 = arith.addi %mul3A_6, %add3A_20 : i32
    "tpu.region"() ({
      %run_scoped3A = tpu.sem_alloc : memref<!tpu.dma_semaphore, #tpu.memory_space<semaphore_mem>>
      %dma_start3A_29 = arith.constant 0 : i32
      %dma_start3A_30 = tpu.memref_slice %arg4[%add3A_21, %dma_start3A_29] : memref<4096x768xf32, #tpu.memory_space<hbm>> -> memref<64x768xf32, #tpu.memory_space<hbm>>
      %dma_start3A_31 = arith.constant 0 : i32
      %dma_start3A_32 = tpu.memref_slice %arg4[%add3A_21, %dma_start3A_31] : memref<4096x768xf32, #tpu.memory_space<hbm>> -> memref<64x768xf32, #tpu.memory_space<hbm>>
      tpu.enqueue_dma source(%arg6 : memref<64x768xf32, #tpu.memory_space<vmem>>) target(%dma_start3A_32 : memref<64x768xf32, #tpu.memory_space<hbm>>) target_semaphore(%run_scoped3A : memref<!tpu.dma_semaphore, #tpu.memory_space<semaphore_mem>>)
      %dma_wait3A_33 = arith.constant 0 : i32
      %dma_wait3A_34 = tpu.memref_slice %arg4[%add3A_21, %dma_wait3A_33] : memref<4096x768xf32, #tpu.memory_space<hbm>> -> memref<64x768xf32, #tpu.memory_space<hbm>>
      %dma_wait3A_35 = arith.constant 0 : i32
      %dma_wait3A_36 = tpu.memref_slice %arg4[%add3A_21, %dma_wait3A_35] : memref<4096x768xf32, #tpu.memory_space<hbm>> -> memref<64x768xf32, #tpu.memory_space<hbm>>
      tpu.wait_dma2 semaphore(%run_scoped3A : memref<!tpu.dma_semaphore, #tpu.memory_space<semaphore_mem>>) src(%arg6 : memref<64x768xf32, #tpu.memory_space<vmem>>) dst(%dma_wait3A_36 : memref<64x768xf32, #tpu.memory_space<hbm>>)
      tpu.yield
    }) : () -> ()
    %dma_wait3A_22 = arith.constant 64 : i32
    %dma_wait3A_23 = tpu.memref_slice %arg5[%dma_wait3A_22] : memref<128xi32, #tpu.memory_space<vmem>> -> memref<64xi32, #tpu.memory_space<vmem>>
    %dma_wait3A_24 = arith.constant 0 : i32
    %dma_wait3A_25 = arith.constant 0 : i32
    %dma_wait3A_26 = tpu.memref_slice %arg2[%dma_wait3A_24, %dma_wait3A_25] : memref<100000x768xf32, #tpu.memory_space<hbm>> -> memref<100000x768xf32, #tpu.memory_space<hbm>>
    tpu.wait_indirect_dma semaphore(%arg9 : memref<!tpu.dma_semaphore, #tpu.memory_space<semaphore_mem>>) src(%dma_wait3A_26 : memref<100000x768xf32, #tpu.memory_space<hbm>>) dst(%arg7 : memref<64x768xf32, #tpu.memory_space<vmem>>)
    %add3A_27 = arith.constant 64 : i32
    %add3A_28 = arith.addi %mul3A_6, %add3A_27 : i32
    "tpu.region"() ({
      %run_scoped3A = tpu.sem_alloc : memref<!tpu.dma_semaphore, #tpu.memory_space<semaphore_mem>>
      %dma_start3A_29 = arith.constant 0 : i32
      %dma_start3A_30 = tpu.memref_slice %arg4[%add3A_28, %dma_start3A_29] : memref<4096x768xf32, #tpu.memory_space<hbm>> -> memref<64x768xf32, #tpu.memory_space<hbm>>
      %dma_start3A_31 = arith.constant 0 : i32
      %dma_start3A_32 = tpu.memref_slice %arg4[%add3A_28, %dma_start3A_31] : memref<4096x768xf32, #tpu.memory_space<hbm>> -> memref<64x768xf32, #tpu.memory_space<hbm>>
      tpu.enqueue_dma source(%arg7 : memref<64x768xf32, #tpu.memory_space<vmem>>) target(%dma_start3A_32 : memref<64x768xf32, #tpu.memory_space<hbm>>) target_semaphore(%run_scoped3A : memref<!tpu.dma_semaphore, #tpu.memory_space<semaphore_mem>>)
      %dma_wait3A_33 = arith.constant 0 : i32
      %dma_wait3A_34 = tpu.memref_slice %arg4[%add3A_28, %dma_wait3A_33] : memref<4096x768xf32, #tpu.memory_space<hbm>> -> memref<64x768xf32, #tpu.memory_space<hbm>>
      %dma_wait3A_35 = arith.constant 0 : i32
      %dma_wait3A_36 = tpu.memref_slice %arg4[%add3A_28, %dma_wait3A_35] : memref<4096x768xf32, #tpu.memory_space<hbm>> -> memref<64x768xf32, #tpu.memory_space<hbm>>
      tpu.wait_dma2 semaphore(%run_scoped3A : memref<!tpu.dma_semaphore, #tpu.memory_space<semaphore_mem>>) src(%arg7 : memref<64x768xf32, #tpu.memory_space<vmem>>) dst(%dma_wait3A_36 : memref<64x768xf32, #tpu.memory_space<hbm>>)
      tpu.yield
    }) : () -> ()
    return
  }
}

#map = affine_map<(d0, d1) -> (0, 0)>
#map1 = affine_map<(d0, d1) -> (0)>
module attributes {stable_mosaic.version = 14 : i64} {
  func.func @k(%arg0: i32, %arg1: i32, %arg2: memref<100000x768xf32, #tpu.memory_space<hbm>>, %arg3: memref<16384xi32, #tpu.memory_space<hbm>>, %arg4: memref<4096x768xf32, #tpu.memory_space<hbm>>, %arg5: memref<128xi32, #tpu.memory_space<vmem>>, %arg6: memref<64x768xf32, #tpu.memory_space<vmem>>, %arg7: memref<64x768xf32, #tpu.memory_space<vmem>>, %arg8: memref<!tpu.dma_semaphore, #tpu.memory_space<semaphore_mem>>, %arg9: memref<!tpu.dma_semaphore, #tpu.memory_space<semaphore_mem>>) attributes {dimension_semantics = [#tpu.dimension_semantics<core_parallel>, #tpu.dimension_semantics<subcore_parallel>], iteration_bounds = array<i64: 2, 16>, scalar_prefetch = 0 : i64, scratch_operands = 5 : i64, tpu.core_type = #tpu.core_type<sc_vector_subcore>, window_params = [{transform_indices = #map}, {transform_indices = #map1}, {transform_indices = #map}]} {
    %mul3A = arith.constant 2 : i32
    %mul3A_0 = arith.muli %arg1, %mul3A : i32
    %add3A = arith.addi %mul3A_0, %arg0 : i32
    %mul3A_1 = arith.constant 128 : i32
    %mul3A_2 = arith.muli %add3A, %mul3A_1 : i32
    %add3A_3 = arith.constant 8192 : i32
    %add3A_4 = arith.addi %add3A_3, %mul3A_2 : i32
    "tpu.region"() ({
      %run_scoped3A = tpu.sem_alloc : memref<!tpu.dma_semaphore, #tpu.memory_space<semaphore_mem>>
      %dma_start3A_29 = tpu.memref_slice %arg3[%add3A_4] : memref<16384xi32, #tpu.memory_space<hbm>> -> memref<128xi32, #tpu.memory_space<hbm>>
      %dma_start3A_30 = tpu.memref_slice %arg3[%add3A_4] : memref<16384xi32, #tpu.memory_space<hbm>> -> memref<128xi32, #tpu.memory_space<hbm>>
      tpu.enqueue_dma source(%dma_start3A_30 : memref<128xi32, #tpu.memory_space<hbm>>) target(%arg5 : memref<128xi32, #tpu.memory_space<vmem>>) target_semaphore(%run_scoped3A : memref<!tpu.dma_semaphore, #tpu.memory_space<semaphore_mem>>)
      %dma_wait3A_31 = tpu.memref_slice %arg3[%add3A_4] : memref<16384xi32, #tpu.memory_space<hbm>> -> memref<128xi32, #tpu.memory_space<hbm>>
      %dma_wait3A_32 = tpu.memref_slice %arg3[%add3A_4] : memref<16384xi32, #tpu.memory_space<hbm>> -> memref<128xi32, #tpu.memory_space<hbm>>
      tpu.wait_dma2 semaphore(%run_scoped3A : memref<!tpu.dma_semaphore, #tpu.memory_space<semaphore_mem>>) src(%dma_wait3A_32 : memref<128xi32, #tpu.memory_space<hbm>>) dst(%arg5 : memref<128xi32, #tpu.memory_space<vmem>>)
      tpu.yield
    }) : () -> ()
    %mul3A_5 = arith.constant 128 : i32
    %mul3A_6 = arith.muli %add3A, %mul3A_5 : i32
    %dma_start3A = arith.constant 0 : i32
    %dma_start3A_7 = tpu.memref_slice %arg5[%dma_start3A] : memref<128xi32, #tpu.memory_space<vmem>> -> memref<64xi32, #tpu.memory_space<vmem>>
    %dma_start3A_8 = arith.constant 0 : i32
    %dma_start3A_9 = arith.constant 0 : i32
    %dma_start3A_10 = tpu.memref_slice %arg2[%dma_start3A_8, %dma_start3A_9] : memref<100000x768xf32, #tpu.memory_space<hbm>> -> memref<100000x768xf32, #tpu.memory_space<hbm>>
    tpu.enqueue_indirect_dma source(%dma_start3A_10 : memref<100000x768xf32, #tpu.memory_space<hbm>>) target(%arg6 : memref<64x768xf32, #tpu.memory_space<vmem>>) offsets(%dma_start3A_7 : memref<64xi32, #tpu.memory_space<vmem>>) semaphore(%arg8 : memref<!tpu.dma_semaphore, #tpu.memory_space<semaphore_mem>>)
    %dma_wait3A = arith.constant 0 : i32
    %dma_wait3A_11 = tpu.memref_slice %arg5[%dma_wait3A] : memref<128xi32, #tpu.memory_space<vmem>> -> memref<64xi32, #tpu.memory_space<vmem>>
    %dma_wait3A_12 = arith.constant 0 : i32
    %dma_wait3A_13 = arith.constant 0 : i32
    %dma_wait3A_14 = tpu.memref_slice %arg2[%dma_wait3A_12, %dma_wait3A_13] : memref<100000x768xf32, #tpu.memory_space<hbm>> -> memref<100000x768xf32, #tpu.memory_space<hbm>>
    tpu.wait_indirect_dma semaphore(%arg8 : memref<!tpu.dma_semaphore, #tpu.memory_space<semaphore_mem>>) src(%dma_wait3A_14 : memref<100000x768xf32, #tpu.memory_space<hbm>>) dst(%arg6 : memref<64x768xf32, #tpu.memory_space<vmem>>)
    %dma_start3A_15 = arith.constant 64 : i32
    %dma_start3A_16 = tpu.memref_slice %arg5[%dma_start3A_15] : memref<128xi32, #tpu.memory_space<vmem>> -> memref<64xi32, #tpu.memory_space<vmem>>
    %dma_start3A_17 = arith.constant 0 : i32
    %dma_start3A_18 = arith.constant 0 : i32
    %dma_start3A_19 = tpu.memref_slice %arg2[%dma_start3A_17, %dma_start3A_18] : memref<100000x768xf32, #tpu.memory_space<hbm>> -> memref<100000x768xf32, #tpu.memory_space<hbm>>
    tpu.enqueue_indirect_dma source(%dma_start3A_19 : memref<100000x768xf32, #tpu.memory_space<hbm>>) target(%arg7 : memref<64x768xf32, #tpu.memory_space<vmem>>) offsets(%dma_start3A_16 : memref<64xi32, #tpu.memory_space<vmem>>) semaphore(%arg9 : memref<!tpu.dma_semaphore, #tpu.memory_space<semaphore_mem>>)
    %add3A_20 = arith.constant 0 : i32
    %add3A_21 = arith.addi %mul3A_6, %add3A_20 : i32
    "tpu.region"() ({
      %run_scoped3A = tpu.sem_alloc : memref<!tpu.dma_semaphore, #tpu.memory_space<semaphore_mem>>
      %dma_start3A_29 = arith.constant 0 : i32
      %dma_start3A_30 = tpu.memref_slice %arg4[%add3A_21, %dma_start3A_29] : memref<4096x768xf32, #tpu.memory_space<hbm>> -> memref<64x768xf32, #tpu.memory_space<hbm>>
      %dma_start3A_31 = arith.constant 0 : i32
      %dma_start3A_32 = tpu.memref_slice %arg4[%add3A_21, %dma_start3A_31] : memref<4096x768xf32, #tpu.memory_space<hbm>> -> memref<64x768xf32, #tpu.memory_space<hbm>>
      tpu.enqueue_dma source(%arg6 : memref<64x768xf32, #tpu.memory_space<vmem>>) target(%dma_start3A_32 : memref<64x768xf32, #tpu.memory_space<hbm>>) target_semaphore(%run_scoped3A : memref<!tpu.dma_semaphore, #tpu.memory_space<semaphore_mem>>)
      %dma_wait3A_33 = arith.constant 0 : i32
      %dma_wait3A_34 = tpu.memref_slice %arg4[%add3A_21, %dma_wait3A_33] : memref<4096x768xf32, #tpu.memory_space<hbm>> -> memref<64x768xf32, #tpu.memory_space<hbm>>
      %dma_wait3A_35 = arith.constant 0 : i32
      %dma_wait3A_36 = tpu.memref_slice %arg4[%add3A_21, %dma_wait3A_35] : memref<4096x768xf32, #tpu.memory_space<hbm>> -> memref<64x768xf32, #tpu.memory_space<hbm>>
      tpu.wait_dma2 semaphore(%run_scoped3A : memref<!tpu.dma_semaphore, #tpu.memory_space<semaphore_mem>>) src(%arg6 : memref<64x768xf32, #tpu.memory_space<vmem>>) dst(%dma_wait3A_36 : memref<64x768xf32, #tpu.memory_space<hbm>>)
      tpu.yield
    }) : () -> ()
    %dma_wait3A_22 = arith.constant 64 : i32
    %dma_wait3A_23 = tpu.memref_slice %arg5[%dma_wait3A_22] : memref<128xi32, #tpu.memory_space<vmem>> -> memref<64xi32, #tpu.memory_space<vmem>>
    %dma_wait3A_24 = arith.constant 0 : i32
    %dma_wait3A_25 = arith.constant 0 : i32
    %dma_wait3A_26 = tpu.memref_slice %arg2[%dma_wait3A_24, %dma_wait3A_25] : memref<100000x768xf32, #tpu.memory_space<hbm>> -> memref<100000x768xf32, #tpu.memory_space<hbm>>
    tpu.wait_indirect_dma semaphore(%arg9 : memref<!tpu.dma_semaphore, #tpu.memory_space<semaphore_mem>>) src(%dma_wait3A_26 : memref<100000x768xf32, #tpu.memory_space<hbm>>) dst(%arg7 : memref<64x768xf32, #tpu.memory_space<vmem>>)
    %add3A_27 = arith.constant 64 : i32
    %add3A_28 = arith.addi %mul3A_6, %add3A_27 : i32
    "tpu.region"() ({
      %run_scoped3A = tpu.sem_alloc : memref<!tpu.dma_semaphore, #tpu.memory_space<semaphore_mem>>
      %dma_start3A_29 = arith.constant 0 : i32
      %dma_start3A_30 = tpu.memref_slice %arg4[%add3A_28, %dma_start3A_29] : memref<4096x768xf32, #tpu.memory_space<hbm>> -> memref<64x768xf32, #tpu.memory_space<hbm>>
      %dma_start3A_31 = arith.constant 0 : i32
      %dma_start3A_32 = tpu.memref_slice %arg4[%add3A_28, %dma_start3A_31] : memref<4096x768xf32, #tpu.memory_space<hbm>> -> memref<64x768xf32, #tpu.memory_space<hbm>>
      tpu.enqueue_dma source(%arg7 : memref<64x768xf32, #tpu.memory_space<vmem>>) target(%dma_start3A_32 : memref<64x768xf32, #tpu.memory_space<hbm>>) target_semaphore(%run_scoped3A : memref<!tpu.dma_semaphore, #tpu.memory_space<semaphore_mem>>)
      %dma_wait3A_33 = arith.constant 0 : i32
      %dma_wait3A_34 = tpu.memref_slice %arg4[%add3A_28, %dma_wait3A_33] : memref<4096x768xf32, #tpu.memory_space<hbm>> -> memref<64x768xf32, #tpu.memory_space<hbm>>
      %dma_wait3A_35 = arith.constant 0 : i32
      %dma_wait3A_36 = tpu.memref_slice %arg4[%add3A_28, %dma_wait3A_35] : memref<4096x768xf32, #tpu.memory_space<hbm>> -> memref<64x768xf32, #tpu.memory_space<hbm>>
      tpu.wait_dma2 semaphore(%run_scoped3A : memref<!tpu.dma_semaphore, #tpu.memory_space<semaphore_mem>>) src(%arg7 : memref<64x768xf32, #tpu.memory_space<vmem>>) dst(%dma_wait3A_36 : memref<64x768xf32, #tpu.memory_space<hbm>>)
      tpu.yield
    }) : () -> ()
    return
  }
}

#map = affine_map<(d0, d1) -> (0, 0)>
#map1 = affine_map<(d0, d1) -> (0)>
module attributes {stable_mosaic.version = 14 : i64} {
  func.func @k(%arg0: i32, %arg1: i32, %arg2: memref<100000x768xf32, #tpu.memory_space<hbm>>, %arg3: memref<16384xi32, #tpu.memory_space<hbm>>, %arg4: memref<4096x768xf32, #tpu.memory_space<hbm>>, %arg5: memref<128xi32, #tpu.memory_space<vmem>>, %arg6: memref<64x768xf32, #tpu.memory_space<vmem>>, %arg7: memref<64x768xf32, #tpu.memory_space<vmem>>, %arg8: memref<!tpu.dma_semaphore, #tpu.memory_space<semaphore_mem>>, %arg9: memref<!tpu.dma_semaphore, #tpu.memory_space<semaphore_mem>>) attributes {dimension_semantics = [#tpu.dimension_semantics<core_parallel>, #tpu.dimension_semantics<subcore_parallel>], iteration_bounds = array<i64: 2, 16>, scalar_prefetch = 0 : i64, scratch_operands = 5 : i64, tpu.core_type = #tpu.core_type<sc_vector_subcore>, window_params = [{transform_indices = #map}, {transform_indices = #map1}, {transform_indices = #map}]} {
    %mul3A = arith.constant 2 : i32
    %mul3A_0 = arith.muli %arg1, %mul3A : i32
    %add3A = arith.addi %mul3A_0, %arg0 : i32
    %mul3A_1 = arith.constant 128 : i32
    %mul3A_2 = arith.muli %add3A, %mul3A_1 : i32
    %add3A_3 = arith.constant 12288 : i32
    %add3A_4 = arith.addi %add3A_3, %mul3A_2 : i32
    "tpu.region"() ({
      %run_scoped3A = tpu.sem_alloc : memref<!tpu.dma_semaphore, #tpu.memory_space<semaphore_mem>>
      %dma_start3A_29 = tpu.memref_slice %arg3[%add3A_4] : memref<16384xi32, #tpu.memory_space<hbm>> -> memref<128xi32, #tpu.memory_space<hbm>>
      %dma_start3A_30 = tpu.memref_slice %arg3[%add3A_4] : memref<16384xi32, #tpu.memory_space<hbm>> -> memref<128xi32, #tpu.memory_space<hbm>>
      tpu.enqueue_dma source(%dma_start3A_30 : memref<128xi32, #tpu.memory_space<hbm>>) target(%arg5 : memref<128xi32, #tpu.memory_space<vmem>>) target_semaphore(%run_scoped3A : memref<!tpu.dma_semaphore, #tpu.memory_space<semaphore_mem>>)
      %dma_wait3A_31 = tpu.memref_slice %arg3[%add3A_4] : memref<16384xi32, #tpu.memory_space<hbm>> -> memref<128xi32, #tpu.memory_space<hbm>>
      %dma_wait3A_32 = tpu.memref_slice %arg3[%add3A_4] : memref<16384xi32, #tpu.memory_space<hbm>> -> memref<128xi32, #tpu.memory_space<hbm>>
      tpu.wait_dma2 semaphore(%run_scoped3A : memref<!tpu.dma_semaphore, #tpu.memory_space<semaphore_mem>>) src(%dma_wait3A_32 : memref<128xi32, #tpu.memory_space<hbm>>) dst(%arg5 : memref<128xi32, #tpu.memory_space<vmem>>)
      tpu.yield
    }) : () -> ()
    %mul3A_5 = arith.constant 128 : i32
    %mul3A_6 = arith.muli %add3A, %mul3A_5 : i32
    %dma_start3A = arith.constant 0 : i32
    %dma_start3A_7 = tpu.memref_slice %arg5[%dma_start3A] : memref<128xi32, #tpu.memory_space<vmem>> -> memref<64xi32, #tpu.memory_space<vmem>>
    %dma_start3A_8 = arith.constant 0 : i32
    %dma_start3A_9 = arith.constant 0 : i32
    %dma_start3A_10 = tpu.memref_slice %arg2[%dma_start3A_8, %dma_start3A_9] : memref<100000x768xf32, #tpu.memory_space<hbm>> -> memref<100000x768xf32, #tpu.memory_space<hbm>>
    tpu.enqueue_indirect_dma source(%dma_start3A_10 : memref<100000x768xf32, #tpu.memory_space<hbm>>) target(%arg6 : memref<64x768xf32, #tpu.memory_space<vmem>>) offsets(%dma_start3A_7 : memref<64xi32, #tpu.memory_space<vmem>>) semaphore(%arg8 : memref<!tpu.dma_semaphore, #tpu.memory_space<semaphore_mem>>)
    %dma_wait3A = arith.constant 0 : i32
    %dma_wait3A_11 = tpu.memref_slice %arg5[%dma_wait3A] : memref<128xi32, #tpu.memory_space<vmem>> -> memref<64xi32, #tpu.memory_space<vmem>>
    %dma_wait3A_12 = arith.constant 0 : i32
    %dma_wait3A_13 = arith.constant 0 : i32
    %dma_wait3A_14 = tpu.memref_slice %arg2[%dma_wait3A_12, %dma_wait3A_13] : memref<100000x768xf32, #tpu.memory_space<hbm>> -> memref<100000x768xf32, #tpu.memory_space<hbm>>
    tpu.wait_indirect_dma semaphore(%arg8 : memref<!tpu.dma_semaphore, #tpu.memory_space<semaphore_mem>>) src(%dma_wait3A_14 : memref<100000x768xf32, #tpu.memory_space<hbm>>) dst(%arg6 : memref<64x768xf32, #tpu.memory_space<vmem>>)
    %dma_start3A_15 = arith.constant 64 : i32
    %dma_start3A_16 = tpu.memref_slice %arg5[%dma_start3A_15] : memref<128xi32, #tpu.memory_space<vmem>> -> memref<64xi32, #tpu.memory_space<vmem>>
    %dma_start3A_17 = arith.constant 0 : i32
    %dma_start3A_18 = arith.constant 0 : i32
    %dma_start3A_19 = tpu.memref_slice %arg2[%dma_start3A_17, %dma_start3A_18] : memref<100000x768xf32, #tpu.memory_space<hbm>> -> memref<100000x768xf32, #tpu.memory_space<hbm>>
    tpu.enqueue_indirect_dma source(%dma_start3A_19 : memref<100000x768xf32, #tpu.memory_space<hbm>>) target(%arg7 : memref<64x768xf32, #tpu.memory_space<vmem>>) offsets(%dma_start3A_16 : memref<64xi32, #tpu.memory_space<vmem>>) semaphore(%arg9 : memref<!tpu.dma_semaphore, #tpu.memory_space<semaphore_mem>>)
    %add3A_20 = arith.constant 0 : i32
    %add3A_21 = arith.addi %mul3A_6, %add3A_20 : i32
    "tpu.region"() ({
      %run_scoped3A = tpu.sem_alloc : memref<!tpu.dma_semaphore, #tpu.memory_space<semaphore_mem>>
      %dma_start3A_29 = arith.constant 0 : i32
      %dma_start3A_30 = tpu.memref_slice %arg4[%add3A_21, %dma_start3A_29] : memref<4096x768xf32, #tpu.memory_space<hbm>> -> memref<64x768xf32, #tpu.memory_space<hbm>>
      %dma_start3A_31 = arith.constant 0 : i32
      %dma_start3A_32 = tpu.memref_slice %arg4[%add3A_21, %dma_start3A_31] : memref<4096x768xf32, #tpu.memory_space<hbm>> -> memref<64x768xf32, #tpu.memory_space<hbm>>
      tpu.enqueue_dma source(%arg6 : memref<64x768xf32, #tpu.memory_space<vmem>>) target(%dma_start3A_32 : memref<64x768xf32, #tpu.memory_space<hbm>>) target_semaphore(%run_scoped3A : memref<!tpu.dma_semaphore, #tpu.memory_space<semaphore_mem>>)
      %dma_wait3A_33 = arith.constant 0 : i32
      %dma_wait3A_34 = tpu.memref_slice %arg4[%add3A_21, %dma_wait3A_33] : memref<4096x768xf32, #tpu.memory_space<hbm>> -> memref<64x768xf32, #tpu.memory_space<hbm>>
      %dma_wait3A_35 = arith.constant 0 : i32
      %dma_wait3A_36 = tpu.memref_slice %arg4[%add3A_21, %dma_wait3A_35] : memref<4096x768xf32, #tpu.memory_space<hbm>> -> memref<64x768xf32, #tpu.memory_space<hbm>>
      tpu.wait_dma2 semaphore(%run_scoped3A : memref<!tpu.dma_semaphore, #tpu.memory_space<semaphore_mem>>) src(%arg6 : memref<64x768xf32, #tpu.memory_space<vmem>>) dst(%dma_wait3A_36 : memref<64x768xf32, #tpu.memory_space<hbm>>)
      tpu.yield
    }) : () -> ()
    %dma_wait3A_22 = arith.constant 64 : i32
    %dma_wait3A_23 = tpu.memref_slice %arg5[%dma_wait3A_22] : memref<128xi32, #tpu.memory_space<vmem>> -> memref<64xi32, #tpu.memory_space<vmem>>
    %dma_wait3A_24 = arith.constant 0 : i32
    %dma_wait3A_25 = arith.constant 0 : i32
    %dma_wait3A_26 = tpu.memref_slice %arg2[%dma_wait3A_24, %dma_wait3A_25] : memref<100000x768xf32, #tpu.memory_space<hbm>> -> memref<100000x768xf32, #tpu.memory_space<hbm>>
    tpu.wait_indirect_dma semaphore(%arg9 : memref<!tpu.dma_semaphore, #tpu.memory_space<semaphore_mem>>) src(%dma_wait3A_26 : memref<100000x768xf32, #tpu.memory_space<hbm>>) dst(%arg7 : memref<64x768xf32, #tpu.memory_space<vmem>>)
    %add3A_27 = arith.constant 64 : i32
    %add3A_28 = arith.addi %mul3A_6, %add3A_27 : i32
    "tpu.region"() ({
      %run_scoped3A = tpu.sem_alloc : memref<!tpu.dma_semaphore, #tpu.memory_space<semaphore_mem>>
      %dma_start3A_29 = arith.constant 0 : i32
      %dma_start3A_30 = tpu.memref_slice %arg4[%add3A_28, %dma_start3A_29] : memref<4096x768xf32, #tpu.memory_space<hbm>> -> memref<64x768xf32, #tpu.memory_space<hbm>>
      %dma_start3A_31 = arith.constant 0 : i32
      %dma_start3A_32 = tpu.memref_slice %arg4[%add3A_28, %dma_start3A_31] : memref<4096x768xf32, #tpu.memory_space<hbm>> -> memref<64x768xf32, #tpu.memory_space<hbm>>
      tpu.enqueue_dma source(%arg7 : memref<64x768xf32, #tpu.memory_space<vmem>>) target(%dma_start3A_32 : memref<64x768xf32, #tpu.memory_space<hbm>>) target_semaphore(%run_scoped3A : memref<!tpu.dma_semaphore, #tpu.memory_space<semaphore_mem>>)
      %dma_wait3A_33 = arith.constant 0 : i32
      %dma_wait3A_34 = tpu.memref_slice %arg4[%add3A_28, %dma_wait3A_33] : memref<4096x768xf32, #tpu.memory_space<hbm>> -> memref<64x768xf32, #tpu.memory_space<hbm>>
      %dma_wait3A_35 = arith.constant 0 : i32
      %dma_wait3A_36 = tpu.memref_slice %arg4[%add3A_28, %dma_wait3A_35] : memref<4096x768xf32, #tpu.memory_space<hbm>> -> memref<64x768xf32, #tpu.memory_space<hbm>>
      tpu.wait_dma2 semaphore(%run_scoped3A : memref<!tpu.dma_semaphore, #tpu.memory_space<semaphore_mem>>) src(%arg7 : memref<64x768xf32, #tpu.memory_space<vmem>>) dst(%dma_wait3A_36 : memref<64x768xf32, #tpu.memory_space<hbm>>)
      tpu.yield
    }) : () -> ()
    return
  }
}

module attributes {stable_mosaic.version = 14 : i64} {
  func.func @body(%arg0: i32, %arg1: memref<16384x768xf32, #tpu.memory_space<any>>, %arg2: memref<32x16384xf32, #tpu.memory_space<any>>, %arg3: memref<2048x768xf32, #tpu.memory_space<vmem>>, %arg4: memref<768x768xbf16, #tpu.memory_space<vmem>>, %arg5: memref<1x768xf32, #tpu.memory_space<vmem>>, %arg6: memref<1x768xf32, #tpu.memory_space<vmem>>, %arg7: memref<1x768xf32, #tpu.memory_space<vmem>>, %arg8: memref<1x1x2048xi32, #tpu.memory_space<vmem>>, %arg9: memref<32x4xf32, #tpu.memory_space<vmem>>, %arg10: memref<2048x768xf32, #tpu.memory_space<vmem>>, %arg11: memref<32x2048xf32, #tpu.memory_space<vmem>>) attributes {dimension_semantics = [#tpu.dimension_semantics<arbitrary>], iteration_bounds = array<i64: 2>, scalar_prefetch = 0 : i64, scratch_operands = 0 : i64, tpu.core_type = #tpu.core_type<tc>, window_params = [{}, {}, {transform_indices = @transform_2, window_bounds = array<i64: 2048, 768>}, {pipeline_mode = #tpu.pipeline_mode<synchronous>, transform_indices = @transform_3, window_bounds = array<i64: 768, 768>}, {pipeline_mode = #tpu.pipeline_mode<synchronous>, transform_indices = @transform_4, window_bounds = array<i64: 1, 768>}, {pipeline_mode = #tpu.pipeline_mode<synchronous>, transform_indices = @transform_5, window_bounds = array<i64: 1, 768>}, {pipeline_mode = #tpu.pipeline_mode<synchronous>, transform_indices = @transform_6, window_bounds = array<i64: 1, 768>}, {transform_indices = @transform_7, window_bounds = array<i64: 1, 1, 2048>}, {pipeline_mode = #tpu.pipeline_mode<synchronous>, transform_indices = @transform_8, window_bounds = array<i64: 32, 4>}, {transform_indices = @transform_9, window_bounds = array<i64: 2048, 768>}, {transform_indices = @transform_10, window_bounds = array<i64: 32, 2048>}]} {
    %get3A = arith.constant 0 : index
    %get3A_0 = arith.constant 0 : index
    %get3A_1 = vector.load %arg3[%get3A, %get3A_0] : memref<2048x768xf32, #tpu.memory_space<vmem>>, vector<2048x768xf32>
    %convert_element_type3A = arith.truncf %get3A_1 : vector<2048x768xf32> to vector<2048x768xbf16>
    %get3A_2 = arith.constant 0 : index
    %get3A_3 = arith.constant 0 : index
    %get3A_4 = vector.load %arg4[%get3A_2, %get3A_3] : memref<768x768xbf16, #tpu.memory_space<vmem>>, vector<768x768xbf16>
    %dot_general3A = arith.constant dense<0.000000e+00> : vector<2048x768xf32>
    %dot_general3A_5 = tpu.matmul %convert_element_type3A, %get3A_4, %dot_general3A {dimension_numbers = #tpu.dot_dimension_numbers<[1], [0], [0], [1], [0, 0, 1, 1], [], []>, transpose_lhs_hint = false} : vector<2048x768xbf16>, vector<768x768xbf16>, vector<2048x768xf32> -> vector<2048x768xf32>
    %get3A_6 = arith.constant 0 : index
    %get3A_7 = arith.constant 0 : index
    %get3A_8 = vector.load %arg5[%get3A_6, %get3A_7] : memref<1x768xf32, #tpu.memory_space<vmem>>, vector<1x768xf32>
    %add3A = vector.broadcast %get3A_8 : vector<1x768xf32> to vector<2048x768xf32>
    %add3A_9 = arith.addf %dot_general3A_5, %add3A : vector<2048x768xf32>
    %reduce_sum3A = arith.constant dense<0.000000e+00> : vector<2048xf32>
    %reduce_sum3A_10 = vector.multi_reduction <add>, %add3A_9, %reduce_sum3A [1] : vector<2048x768xf32> to vector<2048xf32>
    %broadcast_in_dim3A = vector.shape_cast %reduce_sum3A_10 : vector<2048xf32> to vector<2048x1xf32>
    %div3A = arith.constant 7.680000e+02 : f32
    %div3A_11 = vector.broadcast %div3A : f32 to vector<2048x1xf32>
    %div3A_12 = arith.divf %broadcast_in_dim3A, %div3A_11 : vector<2048x1xf32>
    %sub3A = vector.broadcast %div3A_12 : vector<2048x1xf32> to vector<2048x768xf32>
    %sub3A_13 = arith.subf %add3A_9, %sub3A : vector<2048x768xf32>
    %integer_pow3A = arith.mulf %sub3A_13, %sub3A_13 : vector<2048x768xf32>
    %reduce_sum3A_14 = arith.constant dense<0.000000e+00> : vector<2048xf32>
    %reduce_sum3A_15 = vector.multi_reduction <add>, %integer_pow3A, %reduce_sum3A_14 [1] : vector<2048x768xf32> to vector<2048xf32>
    %broadcast_in_dim3A_16 = vector.shape_cast %reduce_sum3A_15 : vector<2048xf32> to vector<2048x1xf32>
    %div3A_17 = arith.constant 7.680000e+02 : f32
    %div3A_18 = vector.broadcast %div3A_17 : f32 to vector<2048x1xf32>
    %div3A_19 = arith.divf %broadcast_in_dim3A_16, %div3A_18 : vector<2048x1xf32>
    %sub3A_20 = vector.broadcast %div3A_12 : vector<2048x1xf32> to vector<2048x768xf32>
    %sub3A_21 = arith.subf %add3A_9, %sub3A_20 : vector<2048x768xf32>
    %add3A_22 = arith.constant 9.99999974E-6 : f32
    %add3A_23 = vector.broadcast %add3A_22 : f32 to vector<2048x1xf32>
    %add3A_24 = arith.addf %div3A_19, %add3A_23 : vector<2048x1xf32>
    %rsqrt3A = math.rsqrt %add3A_24 : vector<2048x1xf32>
    %mul3A = vector.broadcast %rsqrt3A : vector<2048x1xf32> to vector<2048x768xf32>
    %mul3A_25 = arith.mulf %sub3A_21, %mul3A : vector<2048x768xf32>
    %get3A_26 = arith.constant 0 : index
    %get3A_27 = arith.constant 0 : index
    %get3A_28 = vector.load %arg6[%get3A_26, %get3A_27] : memref<1x768xf32, #tpu.memory_space<vmem>>, vector<1x768xf32>
    %mul3A_29 = vector.broadcast %get3A_28 : vector<1x768xf32> to vector<2048x768xf32>
    %mul3A_30 = arith.mulf %mul3A_25, %mul3A_29 : vector<2048x768xf32>
    %get3A_31 = arith.constant 0 : index
    %get3A_32 = arith.constant 0 : index
    %get3A_33 = vector.load %arg7[%get3A_31, %get3A_32] : memref<1x768xf32, #tpu.memory_space<vmem>>, vector<1x768xf32>
    %add3A_34 = vector.broadcast %get3A_33 : vector<1x768xf32> to vector<2048x768xf32>
    %add3A_35 = arith.addf %mul3A_30, %add3A_34 : vector<2048x768xf32>
    %swap3A = arith.constant 0 : index
    %swap3A_36 = arith.constant 0 : index
    %swap3A_37 = vector.load %arg10[%swap3A, %swap3A_36] : memref<2048x768xf32, #tpu.memory_space<vmem>>, vector<2048x768xf32>
    tpu.vector_store %arg10[%swap3A, %swap3A_36], %add3A_35 {strides = array<i32>} : memref<2048x768xf32, #tpu.memory_space<vmem>>, vector<2048x768xf32>,
    %get3A_38 = arith.constant 0 : index
    %get3A_39 = arith.constant 0 : index
    %get3A_40 = arith.constant 0 : index
    %get3A_41 = vector.load %arg8[%get3A_38, %get3A_39, %get3A_40] : memref<1x1x2048xi32, #tpu.memory_space<vmem>>, vector<1x1x2048xi32>
    %get3A_42 = vector.shape_cast %get3A_41 : vector<1x1x2048xi32> to vector<2048xi32>
    %broadcast_in_dim3A_43 = vector.shape_cast %get3A_42 : vector<2048xi32> to vector<1x2048xi32>
    %iota3A = tpu.iota {dimensions = array<i32: 0>} : vector<4x2048xi32>
    %eq3A = vector.broadcast %broadcast_in_dim3A_43 : vector<1x2048xi32> to vector<4x2048xi32>
    %eq3A_44 = arith.cmpi eq, %eq3A, %iota3A : vector<4x2048xi32>
    %get3A_45 = arith.constant 0 : index
    %get3A_46 = arith.constant 0 : index
    %get3A_47 = vector.load %arg9[%get3A_45, %get3A_46] : memref<32x4xf32, #tpu.memory_space<vmem>>, vector<32x4xf32>
    %convert_element_type3A_48 = arith.extui %eq3A_44 : vector<4x2048xi1> to vector<4x2048xi32>
    %convert_element_type3A_49 = arith.sitofp %convert_element_type3A_48 : vector<4x2048xi32> to vector<4x2048xf32>
    %dot_general3A_50 = arith.constant dense<0.000000e+00> : vector<32x2048xf32>
    %dot_general3A_51 = tpu.matmul %get3A_47, %convert_element_type3A_49, %dot_general3A_50 {dimension_numbers = #tpu.dot_dimension_numbers<[1], [0], [0], [1], [0, 0, 1, 1], [], []>, transpose_lhs_hint = false} : vector<32x4xf32>, vector<4x2048xf32>, vector<32x2048xf32> -> vector<32x2048xf32>
    %swap3A_52 = arith.constant 0 : index
    %swap3A_53 = arith.constant 0 : index
    %swap3A_54 = vector.load %arg11[%swap3A_52, %swap3A_53] : memref<32x2048xf32, #tpu.memory_space<vmem>>, vector<32x2048xf32>
    tpu.vector_store %arg11[%swap3A_52, %swap3A_53], %dot_general3A_51 {strides = array<i32>} : memref<32x2048xf32, #tpu.memory_space<vmem>>, vector<32x2048xf32>,
    return
  }
  func.func @transform_2(%arg0: i32) -> (i32, i32) {
    %c0_i32 = arith.constant 0 : i32
    %c0_i32_0 = arith.constant 0 : i32
    return %arg0, %c0_i32 : i32, i32
  }
  func.func @transform_3(%arg0: i32) -> (i32, i32) {
    %c0_i32 = arith.constant 0 : i32
    %c0_i32_0 = arith.constant 0 : i32
    %c0_i32_1 = arith.constant 0 : i32
    return %c0_i32, %c0_i32_0 : i32, i32
  }
  func.func @transform_4(%arg0: i32) -> (i32, i32) {
    %c0_i32 = arith.constant 0 : i32
    %c0_i32_0 = arith.constant 0 : i32
    %c0_i32_1 = arith.constant 0 : i32
    return %c0_i32, %c0_i32_0 : i32, i32
  }
  func.func @transform_5(%arg0: i32) -> (i32, i32) {
    %c0_i32 = arith.constant 0 : i32
    %c0_i32_0 = arith.constant 0 : i32
    %c0_i32_1 = arith.constant 0 : i32
    return %c0_i32, %c0_i32_0 : i32, i32
  }
  func.func @transform_6(%arg0: i32) -> (i32, i32) {
    %c0_i32 = arith.constant 0 : i32
    %c0_i32_0 = arith.constant 0 : i32
    %c0_i32_1 = arith.constant 0 : i32
    return %c0_i32, %c0_i32_0 : i32, i32
  }
  func.func @transform_7(%arg0: i32) -> (i32, i32, i32) {
    %add3A = arith.constant 2 : i32
    %add3A_0 = arith.addi %add3A, %arg0 : i32
    %c0_i32 = arith.constant 0 : i32
    %c0_i32_1 = arith.constant 0 : i32
    %c0_i32_2 = arith.constant 0 : i32
    return %add3A_0, %c0_i32, %c0_i32_1 : i32, i32, i32
  }
  func.func @transform_8(%arg0: i32) -> (i32, i32) {
    %c0_i32 = arith.constant 0 : i32
    %c0_i32_0 = arith.constant 0 : i32
    %c0_i32_1 = arith.constant 0 : i32
    return %c0_i32, %c0_i32_0 : i32, i32
  }
  func.func @transform_9(%arg0: i32) -> (i32, i32) {
    %add3A = arith.constant 2 : i32
    %add3A_0 = arith.addi %add3A, %arg0 : i32
    %c0_i32 = arith.constant 0 : i32
    %c0_i32_1 = arith.constant 0 : i32
    return %add3A_0, %c0_i32 : i32, i32
  }
  func.func @transform_10(%arg0: i32) -> (i32, i32) {
    %add3A = arith.constant 2 : i32
    %add3A_0 = arith.addi %add3A, %arg0 : i32
    %c0_i32 = arith.constant 0 : i32
    %c0_i32_1 = arith.constant 0 : i32
    return %c0_i32, %add3A_0 : i32, i32
  }
}

module attributes {stable_mosaic.version = 14 : i64} {
  func.func @body(%arg0: i32, %arg1: memref<2048x768xf32, #tpu.memory_space<vmem>>, %arg2: memref<768x768xbf16, #tpu.memory_space<vmem>>, %arg3: memref<1x768xf32, #tpu.memory_space<vmem>>, %arg4: memref<1x768xf32, #tpu.memory_space<vmem>>, %arg5: memref<1x768xf32, #tpu.memory_space<vmem>>, %arg6: memref<1x1x2048xi32, #tpu.memory_space<vmem>>, %arg7: memref<32x4xf32, #tpu.memory_space<vmem>>, %arg8: memref<2048x768xf32, #tpu.memory_space<vmem>>, %arg9: memref<32x2048xf32, #tpu.memory_space<vmem>>) attributes {dimension_semantics = [#tpu.dimension_semantics<arbitrary>], iteration_bounds = array<i64: 2>, scalar_prefetch = 0 : i64, scratch_operands = 0 : i64, tpu.core_type = #tpu.core_type<tc>, window_params = [{transform_indices = @transform_0, window_bounds = array<i64: 2048, 768>}, {pipeline_mode = #tpu.pipeline_mode<synchronous>, transform_indices = @transform_1, window_bounds = array<i64: 768, 768>}, {pipeline_mode = #tpu.pipeline_mode<synchronous>, transform_indices = @transform_2, window_bounds = array<i64: 1, 768>}, {pipeline_mode = #tpu.pipeline_mode<synchronous>, transform_indices = @transform_3, window_bounds = array<i64: 1, 768>}, {pipeline_mode = #tpu.pipeline_mode<synchronous>, transform_indices = @transform_4, window_bounds = array<i64: 1, 768>}, {transform_indices = @transform_5, window_bounds = array<i64: 1, 1, 2048>}, {pipeline_mode = #tpu.pipeline_mode<synchronous>, transform_indices = @transform_6, window_bounds = array<i64: 32, 4>}, {transform_indices = @transform_7, window_bounds = array<i64: 2048, 768>}, {transform_indices = @transform_8, window_bounds = array<i64: 32, 2048>}]} {
    %get3A = arith.constant 0 : index
    %get3A_0 = arith.constant 0 : index
    %get3A_1 = vector.load %arg1[%get3A, %get3A_0] : memref<2048x768xf32, #tpu.memory_space<vmem>>, vector<2048x768xf32>
    %convert_element_type3A = arith.truncf %get3A_1 : vector<2048x768xf32> to vector<2048x768xbf16>
    %get3A_2 = arith.constant 0 : index
    %get3A_3 = arith.constant 0 : index
    %get3A_4 = vector.load %arg2[%get3A_2, %get3A_3] : memref<768x768xbf16, #tpu.memory_space<vmem>>, vector<768x768xbf16>
    %dot_general3A = arith.constant dense<0.000000e+00> : vector<2048x768xf32>
    %dot_general3A_5 = tpu.matmul %convert_element_type3A, %get3A_4, %dot_general3A {dimension_numbers = #tpu.dot_dimension_numbers<[1], [0], [0], [1], [0, 0, 1, 1], [], []>, transpose_lhs_hint = false} : vector<2048x768xbf16>, vector<768x768xbf16>, vector<2048x768xf32> -> vector<2048x768xf32>
    %get3A_6 = arith.constant 0 : index
    %get3A_7 = arith.constant 0 : index
    %get3A_8 = vector.load %arg3[%get3A_6, %get3A_7] : memref<1x768xf32, #tpu.memory_space<vmem>>, vector<1x768xf32>
    %add3A = vector.broadcast %get3A_8 : vector<1x768xf32> to vector<2048x768xf32>
    %add3A_9 = arith.addf %dot_general3A_5, %add3A : vector<2048x768xf32>
    %reduce_sum3A = arith.constant dense<0.000000e+00> : vector<2048xf32>
    %reduce_sum3A_10 = vector.multi_reduction <add>, %add3A_9, %reduce_sum3A [1] : vector<2048x768xf32> to vector<2048xf32>
    %broadcast_in_dim3A = vector.shape_cast %reduce_sum3A_10 : vector<2048xf32> to vector<2048x1xf32>
    %div3A = arith.constant 7.680000e+02 : f32
    %div3A_11 = vector.broadcast %div3A : f32 to vector<2048x1xf32>
    %div3A_12 = arith.divf %broadcast_in_dim3A, %div3A_11 : vector<2048x1xf32>
    %sub3A = vector.broadcast %div3A_12 : vector<2048x1xf32> to vector<2048x768xf32>
    %sub3A_13 = arith.subf %add3A_9, %sub3A : vector<2048x768xf32>
    %integer_pow3A = arith.mulf %sub3A_13, %sub3A_13 : vector<2048x768xf32>
    %reduce_sum3A_14 = arith.constant dense<0.000000e+00> : vector<2048xf32>
    %reduce_sum3A_15 = vector.multi_reduction <add>, %integer_pow3A, %reduce_sum3A_14 [1] : vector<2048x768xf32> to vector<2048xf32>
    %broadcast_in_dim3A_16 = vector.shape_cast %reduce_sum3A_15 : vector<2048xf32> to vector<2048x1xf32>
    %div3A_17 = arith.constant 7.680000e+02 : f32
    %div3A_18 = vector.broadcast %div3A_17 : f32 to vector<2048x1xf32>
    %div3A_19 = arith.divf %broadcast_in_dim3A_16, %div3A_18 : vector<2048x1xf32>
    %sub3A_20 = vector.broadcast %div3A_12 : vector<2048x1xf32> to vector<2048x768xf32>
    %sub3A_21 = arith.subf %add3A_9, %sub3A_20 : vector<2048x768xf32>
    %add3A_22 = arith.constant 9.99999974E-6 : f32
    %add3A_23 = vector.broadcast %add3A_22 : f32 to vector<2048x1xf32>
    %add3A_24 = arith.addf %div3A_19, %add3A_23 : vector<2048x1xf32>
    %rsqrt3A = math.rsqrt %add3A_24 : vector<2048x1xf32>
    %mul3A = vector.broadcast %rsqrt3A : vector<2048x1xf32> to vector<2048x768xf32>
    %mul3A_25 = arith.mulf %sub3A_21, %mul3A : vector<2048x768xf32>
    %get3A_26 = arith.constant 0 : index
    %get3A_27 = arith.constant 0 : index
    %get3A_28 = vector.load %arg4[%get3A_26, %get3A_27] : memref<1x768xf32, #tpu.memory_space<vmem>>, vector<1x768xf32>
    %mul3A_29 = vector.broadcast %get3A_28 : vector<1x768xf32> to vector<2048x768xf32>
    %mul3A_30 = arith.mulf %mul3A_25, %mul3A_29 : vector<2048x768xf32>
    %get3A_31 = arith.constant 0 : index
    %get3A_32 = arith.constant 0 : index
    %get3A_33 = vector.load %arg5[%get3A_31, %get3A_32] : memref<1x768xf32, #tpu.memory_space<vmem>>, vector<1x768xf32>
    %add3A_34 = vector.broadcast %get3A_33 : vector<1x768xf32> to vector<2048x768xf32>
    %add3A_35 = arith.addf %mul3A_30, %add3A_34 : vector<2048x768xf32>
    %swap3A = arith.constant 0 : index
    %swap3A_36 = arith.constant 0 : index
    %swap3A_37 = vector.load %arg8[%swap3A, %swap3A_36] : memref<2048x768xf32, #tpu.memory_space<vmem>>, vector<2048x768xf32>
    tpu.vector_store %arg8[%swap3A, %swap3A_36], %add3A_35 {strides = array<i32>} : memref<2048x768xf32, #tpu.memory_space<vmem>>, vector<2048x768xf32>,
    %get3A_38 = arith.constant 0 : index
    %get3A_39 = arith.constant 0 : index
    %get3A_40 = arith.constant 0 : index
    %get3A_41 = vector.load %arg6[%get3A_38, %get3A_39, %get3A_40] : memref<1x1x2048xi32, #tpu.memory_space<vmem>>, vector<1x1x2048xi32>
    %get3A_42 = vector.shape_cast %get3A_41 : vector<1x1x2048xi32> to vector<2048xi32>
    %broadcast_in_dim3A_43 = vector.shape_cast %get3A_42 : vector<2048xi32> to vector<1x2048xi32>
    %iota3A = tpu.iota {dimensions = array<i32: 0>} : vector<4x2048xi32>
    %eq3A = vector.broadcast %broadcast_in_dim3A_43 : vector<1x2048xi32> to vector<4x2048xi32>
    %eq3A_44 = arith.cmpi eq, %eq3A, %iota3A : vector<4x2048xi32>
    %get3A_45 = arith.constant 0 : index
    %get3A_46 = arith.constant 0 : index
    %get3A_47 = vector.load %arg7[%get3A_45, %get3A_46] : memref<32x4xf32, #tpu.memory_space<vmem>>, vector<32x4xf32>
    %convert_element_type3A_48 = arith.extui %eq3A_44 : vector<4x2048xi1> to vector<4x2048xi32>
    %convert_element_type3A_49 = arith.sitofp %convert_element_type3A_48 : vector<4x2048xi32> to vector<4x2048xf32>
    %dot_general3A_50 = arith.constant dense<0.000000e+00> : vector<32x2048xf32>
    %dot_general3A_51 = tpu.matmul %get3A_47, %convert_element_type3A_49, %dot_general3A_50 {dimension_numbers = #tpu.dot_dimension_numbers<[1], [0], [0], [1], [0, 0, 1, 1], [], []>, transpose_lhs_hint = false} : vector<32x4xf32>, vector<4x2048xf32>, vector<32x2048xf32> -> vector<32x2048xf32>
    %swap3A_52 = arith.constant 0 : index
    %swap3A_53 = arith.constant 0 : index
    %swap3A_54 = vector.load %arg9[%swap3A_52, %swap3A_53] : memref<32x2048xf32, #tpu.memory_space<vmem>>, vector<32x2048xf32>
    tpu.vector_store %arg9[%swap3A_52, %swap3A_53], %dot_general3A_51 {strides = array<i32>} : memref<32x2048xf32, #tpu.memory_space<vmem>>, vector<32x2048xf32>,
    return
  }
  func.func @transform_0(%arg0: i32) -> (i32, i32) {
    %c0_i32 = arith.constant 0 : i32
    %c0_i32_0 = arith.constant 0 : i32
    return %arg0, %c0_i32 : i32, i32
  }
  func.func @transform_1(%arg0: i32) -> (i32, i32) {
    %c0_i32 = arith.constant 0 : i32
    %c0_i32_0 = arith.constant 0 : i32
    %c0_i32_1 = arith.constant 0 : i32
    return %c0_i32, %c0_i32_0 : i32, i32
  }
  func.func @transform_2(%arg0: i32) -> (i32, i32) {
    %c0_i32 = arith.constant 0 : i32
    %c0_i32_0 = arith.constant 0 : i32
    %c0_i32_1 = arith.constant 0 : i32
    return %c0_i32, %c0_i32_0 : i32, i32
  }
  func.func @transform_3(%arg0: i32) -> (i32, i32) {
    %c0_i32 = arith.constant 0 : i32
    %c0_i32_0 = arith.constant 0 : i32
    %c0_i32_1 = arith.constant 0 : i32
    return %c0_i32, %c0_i32_0 : i32, i32
  }
  func.func @transform_4(%arg0: i32) -> (i32, i32) {
    %c0_i32 = arith.constant 0 : i32
    %c0_i32_0 = arith.constant 0 : i32
    %c0_i32_1 = arith.constant 0 : i32
    return %c0_i32, %c0_i32_0 : i32, i32
  }
  func.func @transform_5(%arg0: i32) -> (i32, i32, i32) {
    %add3A = arith.constant 0 : i32
    %add3A_0 = arith.addi %add3A, %arg0 : i32
    %c0_i32 = arith.constant 0 : i32
    %c0_i32_1 = arith.constant 0 : i32
    %c0_i32_2 = arith.constant 0 : i32
    return %add3A_0, %c0_i32, %c0_i32_1 : i32, i32, i32
  }
  func.func @transform_6(%arg0: i32) -> (i32, i32) {
    %c0_i32 = arith.constant 0 : i32
    %c0_i32_0 = arith.constant 0 : i32
    %c0_i32_1 = arith.constant 0 : i32
    return %c0_i32, %c0_i32_0 : i32, i32
  }
  func.func @transform_7(%arg0: i32) -> (i32, i32) {
    %add3A = arith.constant 0 : i32
    %add3A_0 = arith.addi %add3A, %arg0 : i32
    %c0_i32 = arith.constant 0 : i32
    %c0_i32_1 = arith.constant 0 : i32
    return %add3A_0, %c0_i32 : i32, i32
  }
  func.func @transform_8(%arg0: i32) -> (i32, i32) {
    %add3A = arith.constant 0 : i32
    %add3A_0 = arith.addi %add3A, %arg0 : i32
    %c0_i32 = arith.constant 0 : i32
    %c0_i32_1 = arith.constant 0 : i32
    return %c0_i32, %add3A_0 : i32, i32
  }
}

module attributes {stable_mosaic.version = 14 : i64} {
  func.func @body(%arg0: i32, %arg1: memref<16384x768xf32, #tpu.memory_space<any>>, %arg2: memref<32x16384xf32, #tpu.memory_space<any>>, %arg3: memref<2048x768xf32, #tpu.memory_space<vmem>>, %arg4: memref<768x768xbf16, #tpu.memory_space<vmem>>, %arg5: memref<1x768xf32, #tpu.memory_space<vmem>>, %arg6: memref<1x768xf32, #tpu.memory_space<vmem>>, %arg7: memref<1x768xf32, #tpu.memory_space<vmem>>, %arg8: memref<1x1x2048xi32, #tpu.memory_space<vmem>>, %arg9: memref<32x4xf32, #tpu.memory_space<vmem>>, %arg10: memref<2048x768xf32, #tpu.memory_space<vmem>>, %arg11: memref<32x2048xf32, #tpu.memory_space<vmem>>) attributes {dimension_semantics = [#tpu.dimension_semantics<arbitrary>], iteration_bounds = array<i64: 2>, scalar_prefetch = 0 : i64, scratch_operands = 0 : i64, tpu.core_type = #tpu.core_type<tc>, window_params = [{}, {}, {transform_indices = @transform_2, window_bounds = array<i64: 2048, 768>}, {pipeline_mode = #tpu.pipeline_mode<synchronous>, transform_indices = @transform_3, window_bounds = array<i64: 768, 768>}, {pipeline_mode = #tpu.pipeline_mode<synchronous>, transform_indices = @transform_4, window_bounds = array<i64: 1, 768>}, {pipeline_mode = #tpu.pipeline_mode<synchronous>, transform_indices = @transform_5, window_bounds = array<i64: 1, 768>}, {pipeline_mode = #tpu.pipeline_mode<synchronous>, transform_indices = @transform_6, window_bounds = array<i64: 1, 768>}, {transform_indices = @transform_7, window_bounds = array<i64: 1, 1, 2048>}, {pipeline_mode = #tpu.pipeline_mode<synchronous>, transform_indices = @transform_8, window_bounds = array<i64: 32, 4>}, {transform_indices = @transform_9, window_bounds = array<i64: 2048, 768>}, {transform_indices = @transform_10, window_bounds = array<i64: 32, 2048>}]} {
    %get3A = arith.constant 0 : index
    %get3A_0 = arith.constant 0 : index
    %get3A_1 = vector.load %arg3[%get3A, %get3A_0] : memref<2048x768xf32, #tpu.memory_space<vmem>>, vector<2048x768xf32>
    %convert_element_type3A = arith.truncf %get3A_1 : vector<2048x768xf32> to vector<2048x768xbf16>
    %get3A_2 = arith.constant 0 : index
    %get3A_3 = arith.constant 0 : index
    %get3A_4 = vector.load %arg4[%get3A_2, %get3A_3] : memref<768x768xbf16, #tpu.memory_space<vmem>>, vector<768x768xbf16>
    %dot_general3A = arith.constant dense<0.000000e+00> : vector<2048x768xf32>
    %dot_general3A_5 = tpu.matmul %convert_element_type3A, %get3A_4, %dot_general3A {dimension_numbers = #tpu.dot_dimension_numbers<[1], [0], [0], [1], [0, 0, 1, 1], [], []>, transpose_lhs_hint = false} : vector<2048x768xbf16>, vector<768x768xbf16>, vector<2048x768xf32> -> vector<2048x768xf32>
    %get3A_6 = arith.constant 0 : index
    %get3A_7 = arith.constant 0 : index
    %get3A_8 = vector.load %arg5[%get3A_6, %get3A_7] : memref<1x768xf32, #tpu.memory_space<vmem>>, vector<1x768xf32>
    %add3A = vector.broadcast %get3A_8 : vector<1x768xf32> to vector<2048x768xf32>
    %add3A_9 = arith.addf %dot_general3A_5, %add3A : vector<2048x768xf32>
    %reduce_sum3A = arith.constant dense<0.000000e+00> : vector<2048xf32>
    %reduce_sum3A_10 = vector.multi_reduction <add>, %add3A_9, %reduce_sum3A [1] : vector<2048x768xf32> to vector<2048xf32>
    %broadcast_in_dim3A = vector.shape_cast %reduce_sum3A_10 : vector<2048xf32> to vector<2048x1xf32>
    %div3A = arith.constant 7.680000e+02 : f32
    %div3A_11 = vector.broadcast %div3A : f32 to vector<2048x1xf32>
    %div3A_12 = arith.divf %broadcast_in_dim3A, %div3A_11 : vector<2048x1xf32>
    %sub3A = vector.broadcast %div3A_12 : vector<2048x1xf32> to vector<2048x768xf32>
    %sub3A_13 = arith.subf %add3A_9, %sub3A : vector<2048x768xf32>
    %integer_pow3A = arith.mulf %sub3A_13, %sub3A_13 : vector<2048x768xf32>
    %reduce_sum3A_14 = arith.constant dense<0.000000e+00> : vector<2048xf32>
    %reduce_sum3A_15 = vector.multi_reduction <add>, %integer_pow3A, %reduce_sum3A_14 [1] : vector<2048x768xf32> to vector<2048xf32>
    %broadcast_in_dim3A_16 = vector.shape_cast %reduce_sum3A_15 : vector<2048xf32> to vector<2048x1xf32>
    %div3A_17 = arith.constant 7.680000e+02 : f32
    %div3A_18 = vector.broadcast %div3A_17 : f32 to vector<2048x1xf32>
    %div3A_19 = arith.divf %broadcast_in_dim3A_16, %div3A_18 : vector<2048x1xf32>
    %sub3A_20 = vector.broadcast %div3A_12 : vector<2048x1xf32> to vector<2048x768xf32>
    %sub3A_21 = arith.subf %add3A_9, %sub3A_20 : vector<2048x768xf32>
    %add3A_22 = arith.constant 9.99999974E-6 : f32
    %add3A_23 = vector.broadcast %add3A_22 : f32 to vector<2048x1xf32>
    %add3A_24 = arith.addf %div3A_19, %add3A_23 : vector<2048x1xf32>
    %rsqrt3A = math.rsqrt %add3A_24 : vector<2048x1xf32>
    %mul3A = vector.broadcast %rsqrt3A : vector<2048x1xf32> to vector<2048x768xf32>
    %mul3A_25 = arith.mulf %sub3A_21, %mul3A : vector<2048x768xf32>
    %get3A_26 = arith.constant 0 : index
    %get3A_27 = arith.constant 0 : index
    %get3A_28 = vector.load %arg6[%get3A_26, %get3A_27] : memref<1x768xf32, #tpu.memory_space<vmem>>, vector<1x768xf32>
    %mul3A_29 = vector.broadcast %get3A_28 : vector<1x768xf32> to vector<2048x768xf32>
    %mul3A_30 = arith.mulf %mul3A_25, %mul3A_29 : vector<2048x768xf32>
    %get3A_31 = arith.constant 0 : index
    %get3A_32 = arith.constant 0 : index
    %get3A_33 = vector.load %arg7[%get3A_31, %get3A_32] : memref<1x768xf32, #tpu.memory_space<vmem>>, vector<1x768xf32>
    %add3A_34 = vector.broadcast %get3A_33 : vector<1x768xf32> to vector<2048x768xf32>
    %add3A_35 = arith.addf %mul3A_30, %add3A_34 : vector<2048x768xf32>
    %swap3A = arith.constant 0 : index
    %swap3A_36 = arith.constant 0 : index
    %swap3A_37 = vector.load %arg10[%swap3A, %swap3A_36] : memref<2048x768xf32, #tpu.memory_space<vmem>>, vector<2048x768xf32>
    tpu.vector_store %arg10[%swap3A, %swap3A_36], %add3A_35 {strides = array<i32>} : memref<2048x768xf32, #tpu.memory_space<vmem>>, vector<2048x768xf32>,
    %get3A_38 = arith.constant 0 : index
    %get3A_39 = arith.constant 0 : index
    %get3A_40 = arith.constant 0 : index
    %get3A_41 = vector.load %arg8[%get3A_38, %get3A_39, %get3A_40] : memref<1x1x2048xi32, #tpu.memory_space<vmem>>, vector<1x1x2048xi32>
    %get3A_42 = vector.shape_cast %get3A_41 : vector<1x1x2048xi32> to vector<2048xi32>
    %broadcast_in_dim3A_43 = vector.shape_cast %get3A_42 : vector<2048xi32> to vector<1x2048xi32>
    %iota3A = tpu.iota {dimensions = array<i32: 0>} : vector<4x2048xi32>
    %eq3A = vector.broadcast %broadcast_in_dim3A_43 : vector<1x2048xi32> to vector<4x2048xi32>
    %eq3A_44 = arith.cmpi eq, %eq3A, %iota3A : vector<4x2048xi32>
    %get3A_45 = arith.constant 0 : index
    %get3A_46 = arith.constant 0 : index
    %get3A_47 = vector.load %arg9[%get3A_45, %get3A_46] : memref<32x4xf32, #tpu.memory_space<vmem>>, vector<32x4xf32>
    %convert_element_type3A_48 = arith.extui %eq3A_44 : vector<4x2048xi1> to vector<4x2048xi32>
    %convert_element_type3A_49 = arith.sitofp %convert_element_type3A_48 : vector<4x2048xi32> to vector<4x2048xf32>
    %dot_general3A_50 = arith.constant dense<0.000000e+00> : vector<32x2048xf32>
    %dot_general3A_51 = tpu.matmul %get3A_47, %convert_element_type3A_49, %dot_general3A_50 {dimension_numbers = #tpu.dot_dimension_numbers<[1], [0], [0], [1], [0, 0, 1, 1], [], []>, transpose_lhs_hint = false} : vector<32x4xf32>, vector<4x2048xf32>, vector<32x2048xf32> -> vector<32x2048xf32>
    %swap3A_52 = arith.constant 0 : index
    %swap3A_53 = arith.constant 0 : index
    %swap3A_54 = vector.load %arg11[%swap3A_52, %swap3A_53] : memref<32x2048xf32, #tpu.memory_space<vmem>>, vector<32x2048xf32>
    tpu.vector_store %arg11[%swap3A_52, %swap3A_53], %dot_general3A_51 {strides = array<i32>} : memref<32x2048xf32, #tpu.memory_space<vmem>>, vector<32x2048xf32>,
    return
  }
  func.func @transform_2(%arg0: i32) -> (i32, i32) {
    %c0_i32 = arith.constant 0 : i32
    %c0_i32_0 = arith.constant 0 : i32
    return %arg0, %c0_i32 : i32, i32
  }
  func.func @transform_3(%arg0: i32) -> (i32, i32) {
    %c0_i32 = arith.constant 0 : i32
    %c0_i32_0 = arith.constant 0 : i32
    %c0_i32_1 = arith.constant 0 : i32
    return %c0_i32, %c0_i32_0 : i32, i32
  }
  func.func @transform_4(%arg0: i32) -> (i32, i32) {
    %c0_i32 = arith.constant 0 : i32
    %c0_i32_0 = arith.constant 0 : i32
    %c0_i32_1 = arith.constant 0 : i32
    return %c0_i32, %c0_i32_0 : i32, i32
  }
  func.func @transform_5(%arg0: i32) -> (i32, i32) {
    %c0_i32 = arith.constant 0 : i32
    %c0_i32_0 = arith.constant 0 : i32
    %c0_i32_1 = arith.constant 0 : i32
    return %c0_i32, %c0_i32_0 : i32, i32
  }
  func.func @transform_6(%arg0: i32) -> (i32, i32) {
    %c0_i32 = arith.constant 0 : i32
    %c0_i32_0 = arith.constant 0 : i32
    %c0_i32_1 = arith.constant 0 : i32
    return %c0_i32, %c0_i32_0 : i32, i32
  }
  func.func @transform_7(%arg0: i32) -> (i32, i32, i32) {
    %add3A = arith.constant 4 : i32
    %add3A_0 = arith.addi %add3A, %arg0 : i32
    %c0_i32 = arith.constant 0 : i32
    %c0_i32_1 = arith.constant 0 : i32
    %c0_i32_2 = arith.constant 0 : i32
    return %add3A_0, %c0_i32, %c0_i32_1 : i32, i32, i32
  }
  func.func @transform_8(%arg0: i32) -> (i32, i32) {
    %c0_i32 = arith.constant 0 : i32
    %c0_i32_0 = arith.constant 0 : i32
    %c0_i32_1 = arith.constant 0 : i32
    return %c0_i32, %c0_i32_0 : i32, i32
  }
  func.func @transform_9(%arg0: i32) -> (i32, i32) {
    %add3A = arith.constant 4 : i32
    %add3A_0 = arith.addi %add3A, %arg0 : i32
    %c0_i32 = arith.constant 0 : i32
    %c0_i32_1 = arith.constant 0 : i32
    return %add3A_0, %c0_i32 : i32, i32
  }
  func.func @transform_10(%arg0: i32) -> (i32, i32) {
    %add3A = arith.constant 4 : i32
    %add3A_0 = arith.addi %add3A, %arg0 : i32
    %c0_i32 = arith.constant 0 : i32
    %c0_i32_1 = arith.constant 0 : i32
    return %c0_i32, %add3A_0 : i32, i32
  }
}

module attributes {stable_mosaic.version = 14 : i64} {
  func.func @body(%arg0: i32, %arg1: memref<16384x768xf32, #tpu.memory_space<any>>, %arg2: memref<32x16384xf32, #tpu.memory_space<any>>, %arg3: memref<2048x768xf32, #tpu.memory_space<vmem>>, %arg4: memref<768x768xbf16, #tpu.memory_space<vmem>>, %arg5: memref<1x768xf32, #tpu.memory_space<vmem>>, %arg6: memref<1x768xf32, #tpu.memory_space<vmem>>, %arg7: memref<1x768xf32, #tpu.memory_space<vmem>>, %arg8: memref<1x1x2048xi32, #tpu.memory_space<vmem>>, %arg9: memref<32x4xf32, #tpu.memory_space<vmem>>, %arg10: memref<2048x768xf32, #tpu.memory_space<vmem>>, %arg11: memref<32x2048xf32, #tpu.memory_space<vmem>>) attributes {dimension_semantics = [#tpu.dimension_semantics<arbitrary>], iteration_bounds = array<i64: 2>, scalar_prefetch = 0 : i64, scratch_operands = 0 : i64, tpu.core_type = #tpu.core_type<tc>, window_params = [{}, {}, {transform_indices = @transform_2, window_bounds = array<i64: 2048, 768>}, {pipeline_mode = #tpu.pipeline_mode<synchronous>, transform_indices = @transform_3, window_bounds = array<i64: 768, 768>}, {pipeline_mode = #tpu.pipeline_mode<synchronous>, transform_indices = @transform_4, window_bounds = array<i64: 1, 768>}, {pipeline_mode = #tpu.pipeline_mode<synchronous>, transform_indices = @transform_5, window_bounds = array<i64: 1, 768>}, {pipeline_mode = #tpu.pipeline_mode<synchronous>, transform_indices = @transform_6, window_bounds = array<i64: 1, 768>}, {transform_indices = @transform_7, window_bounds = array<i64: 1, 1, 2048>}, {pipeline_mode = #tpu.pipeline_mode<synchronous>, transform_indices = @transform_8, window_bounds = array<i64: 32, 4>}, {transform_indices = @transform_9, window_bounds = array<i64: 2048, 768>}, {transform_indices = @transform_10, window_bounds = array<i64: 32, 2048>}]} {
    %get3A = arith.constant 0 : index
    %get3A_0 = arith.constant 0 : index
    %get3A_1 = vector.load %arg3[%get3A, %get3A_0] : memref<2048x768xf32, #tpu.memory_space<vmem>>, vector<2048x768xf32>
    %convert_element_type3A = arith.truncf %get3A_1 : vector<2048x768xf32> to vector<2048x768xbf16>
    %get3A_2 = arith.constant 0 : index
    %get3A_3 = arith.constant 0 : index
    %get3A_4 = vector.load %arg4[%get3A_2, %get3A_3] : memref<768x768xbf16, #tpu.memory_space<vmem>>, vector<768x768xbf16>
    %dot_general3A = arith.constant dense<0.000000e+00> : vector<2048x768xf32>
    %dot_general3A_5 = tpu.matmul %convert_element_type3A, %get3A_4, %dot_general3A {dimension_numbers = #tpu.dot_dimension_numbers<[1], [0], [0], [1], [0, 0, 1, 1], [], []>, transpose_lhs_hint = false} : vector<2048x768xbf16>, vector<768x768xbf16>, vector<2048x768xf32> -> vector<2048x768xf32>
    %get3A_6 = arith.constant 0 : index
    %get3A_7 = arith.constant 0 : index
    %get3A_8 = vector.load %arg5[%get3A_6, %get3A_7] : memref<1x768xf32, #tpu.memory_space<vmem>>, vector<1x768xf32>
    %add3A = vector.broadcast %get3A_8 : vector<1x768xf32> to vector<2048x768xf32>
    %add3A_9 = arith.addf %dot_general3A_5, %add3A : vector<2048x768xf32>
    %reduce_sum3A = arith.constant dense<0.000000e+00> : vector<2048xf32>
    %reduce_sum3A_10 = vector.multi_reduction <add>, %add3A_9, %reduce_sum3A [1] : vector<2048x768xf32> to vector<2048xf32>
    %broadcast_in_dim3A = vector.shape_cast %reduce_sum3A_10 : vector<2048xf32> to vector<2048x1xf32>
    %div3A = arith.constant 7.680000e+02 : f32
    %div3A_11 = vector.broadcast %div3A : f32 to vector<2048x1xf32>
    %div3A_12 = arith.divf %broadcast_in_dim3A, %div3A_11 : vector<2048x1xf32>
    %sub3A = vector.broadcast %div3A_12 : vector<2048x1xf32> to vector<2048x768xf32>
    %sub3A_13 = arith.subf %add3A_9, %sub3A : vector<2048x768xf32>
    %integer_pow3A = arith.mulf %sub3A_13, %sub3A_13 : vector<2048x768xf32>
    %reduce_sum3A_14 = arith.constant dense<0.000000e+00> : vector<2048xf32>
    %reduce_sum3A_15 = vector.multi_reduction <add>, %integer_pow3A, %reduce_sum3A_14 [1] : vector<2048x768xf32> to vector<2048xf32>
    %broadcast_in_dim3A_16 = vector.shape_cast %reduce_sum3A_15 : vector<2048xf32> to vector<2048x1xf32>
    %div3A_17 = arith.constant 7.680000e+02 : f32
    %div3A_18 = vector.broadcast %div3A_17 : f32 to vector<2048x1xf32>
    %div3A_19 = arith.divf %broadcast_in_dim3A_16, %div3A_18 : vector<2048x1xf32>
    %sub3A_20 = vector.broadcast %div3A_12 : vector<2048x1xf32> to vector<2048x768xf32>
    %sub3A_21 = arith.subf %add3A_9, %sub3A_20 : vector<2048x768xf32>
    %add3A_22 = arith.constant 9.99999974E-6 : f32
    %add3A_23 = vector.broadcast %add3A_22 : f32 to vector<2048x1xf32>
    %add3A_24 = arith.addf %div3A_19, %add3A_23 : vector<2048x1xf32>
    %rsqrt3A = math.rsqrt %add3A_24 : vector<2048x1xf32>
    %mul3A = vector.broadcast %rsqrt3A : vector<2048x1xf32> to vector<2048x768xf32>
    %mul3A_25 = arith.mulf %sub3A_21, %mul3A : vector<2048x768xf32>
    %get3A_26 = arith.constant 0 : index
    %get3A_27 = arith.constant 0 : index
    %get3A_28 = vector.load %arg6[%get3A_26, %get3A_27] : memref<1x768xf32, #tpu.memory_space<vmem>>, vector<1x768xf32>
    %mul3A_29 = vector.broadcast %get3A_28 : vector<1x768xf32> to vector<2048x768xf32>
    %mul3A_30 = arith.mulf %mul3A_25, %mul3A_29 : vector<2048x768xf32>
    %get3A_31 = arith.constant 0 : index
    %get3A_32 = arith.constant 0 : index
    %get3A_33 = vector.load %arg7[%get3A_31, %get3A_32] : memref<1x768xf32, #tpu.memory_space<vmem>>, vector<1x768xf32>
    %add3A_34 = vector.broadcast %get3A_33 : vector<1x768xf32> to vector<2048x768xf32>
    %add3A_35 = arith.addf %mul3A_30, %add3A_34 : vector<2048x768xf32>
    %swap3A = arith.constant 0 : index
    %swap3A_36 = arith.constant 0 : index
    %swap3A_37 = vector.load %arg10[%swap3A, %swap3A_36] : memref<2048x768xf32, #tpu.memory_space<vmem>>, vector<2048x768xf32>
    tpu.vector_store %arg10[%swap3A, %swap3A_36], %add3A_35 {strides = array<i32>} : memref<2048x768xf32, #tpu.memory_space<vmem>>, vector<2048x768xf32>,
    %get3A_38 = arith.constant 0 : index
    %get3A_39 = arith.constant 0 : index
    %get3A_40 = arith.constant 0 : index
    %get3A_41 = vector.load %arg8[%get3A_38, %get3A_39, %get3A_40] : memref<1x1x2048xi32, #tpu.memory_space<vmem>>, vector<1x1x2048xi32>
    %get3A_42 = vector.shape_cast %get3A_41 : vector<1x1x2048xi32> to vector<2048xi32>
    %broadcast_in_dim3A_43 = vector.shape_cast %get3A_42 : vector<2048xi32> to vector<1x2048xi32>
    %iota3A = tpu.iota {dimensions = array<i32: 0>} : vector<4x2048xi32>
    %eq3A = vector.broadcast %broadcast_in_dim3A_43 : vector<1x2048xi32> to vector<4x2048xi32>
    %eq3A_44 = arith.cmpi eq, %eq3A, %iota3A : vector<4x2048xi32>
    %get3A_45 = arith.constant 0 : index
    %get3A_46 = arith.constant 0 : index
    %get3A_47 = vector.load %arg9[%get3A_45, %get3A_46] : memref<32x4xf32, #tpu.memory_space<vmem>>, vector<32x4xf32>
    %convert_element_type3A_48 = arith.extui %eq3A_44 : vector<4x2048xi1> to vector<4x2048xi32>
    %convert_element_type3A_49 = arith.sitofp %convert_element_type3A_48 : vector<4x2048xi32> to vector<4x2048xf32>
    %dot_general3A_50 = arith.constant dense<0.000000e+00> : vector<32x2048xf32>
    %dot_general3A_51 = tpu.matmul %get3A_47, %convert_element_type3A_49, %dot_general3A_50 {dimension_numbers = #tpu.dot_dimension_numbers<[1], [0], [0], [1], [0, 0, 1, 1], [], []>, transpose_lhs_hint = false} : vector<32x4xf32>, vector<4x2048xf32>, vector<32x2048xf32> -> vector<32x2048xf32>
    %swap3A_52 = arith.constant 0 : index
    %swap3A_53 = arith.constant 0 : index
    %swap3A_54 = vector.load %arg11[%swap3A_52, %swap3A_53] : memref<32x2048xf32, #tpu.memory_space<vmem>>, vector<32x2048xf32>
    tpu.vector_store %arg11[%swap3A_52, %swap3A_53], %dot_general3A_51 {strides = array<i32>} : memref<32x2048xf32, #tpu.memory_space<vmem>>, vector<32x2048xf32>,
    return
  }
  func.func @transform_2(%arg0: i32) -> (i32, i32) {
    %c0_i32 = arith.constant 0 : i32
    %c0_i32_0 = arith.constant 0 : i32
    return %arg0, %c0_i32 : i32, i32
  }
  func.func @transform_3(%arg0: i32) -> (i32, i32) {
    %c0_i32 = arith.constant 0 : i32
    %c0_i32_0 = arith.constant 0 : i32
    %c0_i32_1 = arith.constant 0 : i32
    return %c0_i32, %c0_i32_0 : i32, i32
  }
  func.func @transform_4(%arg0: i32) -> (i32, i32) {
    %c0_i32 = arith.constant 0 : i32
    %c0_i32_0 = arith.constant 0 : i32
    %c0_i32_1 = arith.constant 0 : i32
    return %c0_i32, %c0_i32_0 : i32, i32
  }
  func.func @transform_5(%arg0: i32) -> (i32, i32) {
    %c0_i32 = arith.constant 0 : i32
    %c0_i32_0 = arith.constant 0 : i32
    %c0_i32_1 = arith.constant 0 : i32
    return %c0_i32, %c0_i32_0 : i32, i32
  }
  func.func @transform_6(%arg0: i32) -> (i32, i32) {
    %c0_i32 = arith.constant 0 : i32
    %c0_i32_0 = arith.constant 0 : i32
    %c0_i32_1 = arith.constant 0 : i32
    return %c0_i32, %c0_i32_0 : i32, i32
  }
  func.func @transform_7(%arg0: i32) -> (i32, i32, i32) {
    %add3A = arith.constant 6 : i32
    %add3A_0 = arith.addi %add3A, %arg0 : i32
    %c0_i32 = arith.constant 0 : i32
    %c0_i32_1 = arith.constant 0 : i32
    %c0_i32_2 = arith.constant 0 : i32
    return %add3A_0, %c0_i32, %c0_i32_1 : i32, i32, i32
  }
  func.func @transform_8(%arg0: i32) -> (i32, i32) {
    %c0_i32 = arith.constant 0 : i32
    %c0_i32_0 = arith.constant 0 : i32
    %c0_i32_1 = arith.constant 0 : i32
    return %c0_i32, %c0_i32_0 : i32, i32
  }
  func.func @transform_9(%arg0: i32) -> (i32, i32) {
    %add3A = arith.constant 6 : i32
    %add3A_0 = arith.addi %add3A, %arg0 : i32
    %c0_i32 = arith.constant 0 : i32
    %c0_i32_1 = arith.constant 0 : i32
    return %add3A_0, %c0_i32 : i32, i32
  }
  func.func @transform_10(%arg0: i32) -> (i32, i32) {
    %add3A = arith.constant 6 : i32
    %add3A_0 = arith.addi %add3A, %arg0 : i32
    %c0_i32 = arith.constant 0 : i32
    %c0_i32_1 = arith.constant 0 : i32
    return %c0_i32, %add3A_0 : i32, i32
  }
}

</mosaic_0001>

<sc_bundles>
// kernel: kernel.10.cloned.1.call-start
scs
__scs_entry_jumppad:
0x0: {  	(pc) =	sbr.rel $0x88, $3  }
0x1: {  	(tag) =	ssettag $0x0;
	lr =	simm.s32 $0x1  }
0x2: {  	[smem:$0x3F99] =	sst lr;
	_ =	strace $0xD0000000  }
0x3: {  	_ = 	snop  }
0x4: {  	_ = 	snop  }
0x5: {  	_ = 	snop  }
0x6: {  	_ = 	snop  }
0x7: {  	_ = 	snop  }
__scs_overlays_trampoline_lowered:
0x8: {  	[smem:$0x3FA8] =	sst s0  }
0x9: {  	[smem:$0x3FA9] =	sst s1  }
0xa: {  	[smem:$0x3FAA] =	sst s2  }
0xb: {  	[smem:$0x3FAB] =	sst s3  }
0xc: {  	[smem:$0x3FAC] =	sst s4  }
0xd: {  	[smem:$0x3FAD] =	sst s5  }
0xe: {  	[smem:$0x3FAE] =	sst s6  }
0xf: {  	[smem:$0x3FAF] =	sst s7  }
0x10: {  	[smem:$0x3FB0] =	sst s8  }
0x11: {  	[smem:$0x3FB1] =	sst s9;
	s0 =	simm.s32 @!p0 $0x0  }
0x12: {  	s1 =	sld [smem:$0x3F97];
	s0 =	simm.s32 @p0 $0x1  }
0x13: {  	[smem:$0x3FB2] =	sst s0;
	s0 =	simm.s32 @!p1 $0x0  }
0x14: {  	s2 =	sld [smem:$0x3F96];
	s0 =	simm.s32 @p1 $0x1  }
0x15: {  	[smem:$0x3FB3] =	sst s0;
	s0 =	simm.s32 @!p2 $0x0  }
0x16: {  	s3 =	sld [smem:$0x3FDB];
	s0 =	simm.s32 @p2 $0x1  }
0x17: {  	s4 =	simm.s32 $0x1BF5;
	[smem:$0x3FB5] =	sst s0  }
0x18: {  	s0 =	sld [smem:$0x3F98];
	_ =	swait.ge [sflag:s4], $0x0  }
0x19: {  	s7 =	sld [smem:$0x3F99]  }
0x1a: {  	s8 =	sadd.s32 $0xFFFFE003, lr  }
0x1b: {  	s9 =	sadd.s32 $0xFFFFFEF7, lr;
	s5 =	simm.s32 $0xFFFFFFFF;
	p2 =	slt.u32 s8, $0xFFFFF086  }
0x1c: {  	p1 =	slt.u32 s9, $0xF7A;
	s5 =	simm.s32 @!p2 $0x0  }
0x1d: {  	s5 =	simm.s32 @p1 $0x1;
	p0 =	seq.s32 s7, s2  }
0x1e: {  	s7 =	smul.u32 @!p0 $0xF7A, s2;
	p2 =	seq.s32 @!p0 s5, $0x0  }
0x1f: {  	s9 =	smul.u32 $0xF7A, s1;
	s8 =	simm.s32 @!p0 $0x1BF5;
	p2 =	por !p2, p0  }
0x20: {  	[sflag:s8] =	ssyncset.s32 @!p0 $0xFFFFF086;
	s6 =	sadd.s32 @!p0 s3, s7;
	s7 =	simm.s32 @!p0 $0x108  }
0x21: {  	s3 =	sadd.s32 s3, s9;
	s6 =	sadd.s32 @!p0 $0x88, s6;
	s7 =	simm.s32 @p2 $0x1082  }
0x22: {  	[simem:s7], [sflag:s8] =	dma.local @!p0 [hbm:s6], $0xF7A  }
0x23: {  	s9 =	sor.u32 $0xD0000000, s2;
	s6 =	simm.s32 $0x108;
	_ =	swait.ge @!p0 [sflag:s8], $0x0  }
0x24: {  	s3 =	sadd.s32 $0x88, s3;
	s6 =	simm.s32 @!p1 $0x1082;
	[sflag:s4] =	ssyncset.s32 $0xFFFFF086  }
0x25: {  	[simem:s6], [sflag:s4] =	dma.local [hbm:s3], $0xF7A  }
0x26: {  	[smem:$0x3F99] =	sst s1;
	(tag) =	ssettag s2;
	_ =	strace s9  }
0x27: {  	s1 =	sld [smem:$0x3FA9]  }
0x28: {  	s2 =	sld [smem:$0x3FAA]  }
0x29: {  	s4 =	sld [smem:$0x3FAC]  }
0x2a: {  	p0 =	seq.s32 s5, $0x0;
	s5 =	sld [smem:$0x3FAD]  }
0x2b: {  	s6 =	sld [smem:$0x3FAE]  }
0x2c: {  	s7 =	sld [smem:$0x3FAF]  }
0x2d: {  	s3 =	simm.s32 $0x108;
	s8 =	sld [smem:$0x3FB0]  }
0x2e: {  	s3 =	simm.s32 @!p0 $0x1082;
	s9 =	sld [smem:$0x3FB1]  }
0x2f: {  	lr =	sadd.s32 s0, s3;
	s0 =	sld [smem:$0x3FA8]  }
0x30: {  	s3 =	sld [smem:$0x3FAB]  }
0x31: {  	[smem:$0x3FB4] =	sst s10  }
0x32: {  	s10 =	sld [smem:$0x3FB2];
	_ =	sdelay $0x3  }
0x33: {  	p0 =	seq.s32 s10, $0x1;
	s10 =	sld [smem:$0x3FB4];
	_ =	sdelay $0x3  }
0x34: {  	[smem:$0x3FB4] =	sst s10  }
0x35: {  	s10 =	sld [smem:$0x3FB3];
	_ =	sdelay $0x3  }
0x36: {  	p1 =	seq.s32 s10, $0x1;
	s10 =	sld [smem:$0x3FB4];
	_ =	sdelay $0x3  }
0x37: {  	[smem:$0x3FB4] =	sst s10  }
0x38: {  	s10 =	sld [smem:$0x3FB5]  }
0x39: {  	_ = 	snop;
	(pc) =	sbr.ind lr, $3  }
0x3a: {  	_ = 	snop  }
0x3b: {  	_ = 	snop  }
0x3c: {  	p2 =	seq.s32 s10, $0x1;
	s10 =	sld [smem:$0x3FB4]  }
0x3d: {  	_ =	shalt  }
0x3e: {  	_ =	shalt  }
0x3f: {  	_ =	shalt  }
0x40: {  	_ =	shalt  }
0x41: {  	_ =	shalt  }
0x42: {  	_ =	shalt  }
0x43: {  	_ =	shalt  }
0x44: {  	_ =	shalt  }
0x45: {  	_ =	shalt  }
0x46: {  	_ =	shalt  }
0x47: {  	_ =	shalt  }
0x48: {  	_ =	shalt  }
0x49: {  	_ =	shalt  }
0x4a: {  	_ =	shalt  }
0x4b: {  	_ =	shalt  }
0x4c: {  	_ =	shalt  }
0x4d: {  	_ =	shalt  }
0x4e: {  	_ =	shalt  }
0x4f: {  	_ =	shalt  }
0x50: {  	_ =	shalt  }
0x51: {  	_ =	shalt  }
0x52: {  	_ =	shalt  }
0x53: {  	_ =	shalt  }
0x54: {  	_ =	shalt  }
0x55: {  	_ =	shalt  }
0x56: {  	_ =	shalt  }
0x57: {  	_ =	shalt  }
0x58: {  	_ =	shalt  }
0x59: {  	_ =	shalt  }
0x5a: {  	_ =	shalt  }
0x5b: {  	_ =	shalt  }
0x5c: {  	_ =	shalt  }
0x5d: {  	_ =	shalt  }
0x5e: {  	_ =	shalt  }
0x5f: {  	_ =	shalt  }
0x60: {  	_ =	shalt  }
0x61: {  	_ =	shalt  }
0x62: {  	_ =	shalt  }
0x63: {  	_ =	shalt  }
0x64: {  	_ =	shalt  }
0x65: {  	_ =	shalt  }
0x66: {  	_ =	shalt  }
0x67: {  	_ =	shalt  }
0x68: {  	_ =	shalt  }
0x69: {  	_ =	shalt  }
0x6a: {  	_ =	shalt  }
0x6b: {  	_ =	shalt  }
0x6c: {  	_ =	shalt  }
0x6d: {  	_ =	shalt  }
0x6e: {  	_ =	shalt  }
0x6f: {  	_ =	shalt  }
0x70: {  	_ =	shalt  }
0x71: {  	_ =	shalt  }
0x72: {  	_ =	shalt  }
0x73: {  	_ =	shalt  }
0x74: {  	_ =	shalt  }
0x75: {  	_ =	shalt  }
0x76: {  	_ =	shalt  }
0x77: {  	_ =	shalt  }
0x78: {  	_ =	shalt  }
0x79: {  	_ =	shalt  }
0x7a: {  	_ =	shalt  }
0x7b: {  	_ =	shalt  }
0x7c: {  	_ =	shalt  }
0x7d: {  	_ =	shalt  }
0x7e: {  	_ =	shalt  }
0x7f: {  	_ =	shalt  }
0x80: {  	_ =	shalt  }
0x81: {  	_ =	shalt  }
0x82: {  	_ =	shalt  }
0x83: {  	_ =	shalt  }
0x84: {  	_ =	shalt  }
0x85: {  	_ =	shalt  }
0x86: {  	_ =	shalt  }
0x87: {  	_ =	shalt  }
.Lfunc_end0:
.L_simem_size_0:
called_computation_lowered:
.L_overlay_start_0:
0x88: {  	s2 =	sld [smem:$0x3FD9]  }
0x89: {  	s3 =	sld [smem:$0x3FFE];
	_ =	sdelay $0x1  }
0x8a: {  	s1 =	srdreg.scid  }
0x8b: {  	s0 =	sand.u32 $0x1, s1  }
0x8c: {  	s15 =	sshll.u32 s0, $0xA;
	s2 =	sadd.s32 s3, s2  }
0x8d: {  	s2 =	sadd.s32 s2, s15  }
0x8e: {  	[smem:$0x3FC0] =	sst s2  }
0x8f: {  	_ = 	snop  }
0x90: {  	s2 =	sld [smem:$0x3FD0];
	_ =	sdelay $0x1  }
0x91: {  	s16 =	sld [smem:$0x3FC9]  }
0x92: {  	s5 =	simm.s32 $0xD;
	s6 =	simm.s32 $0x10;
	s4 =	sld [smem:$0x3FC7]  }
0x93: {  	[smem:s6], [sflag:s5] =	dma.local [hbm:s2], $0x1  }
0x94: {  	_ =	swait.eq [sflag:s5], $0x1  }
0x95: {  	[sflag:s5] =	ssyncset.done $0x0  }
0x96: {  	[sflag:s5] =	ssyncadd.s32 $0xFFFFFFFF  }
0x97: {  	s17 =	sld [smem:$0x10];
	(tm) =	ssettm $0x1  }
0x98: {  	s18 =	sld [smem:$0x3FFB];
	_ =	sdelay $0x3  }
0x99: {  	_ =	strace s18  }
0x9a: {  	s5 =	sld [smem:$0x3FFC];
	_ =	sdelay $0x3  }
0x9b: {  	_ =	strace s5  }
0x9c: {  	s5 =	sld [smem:$0x3FFD];
	_ =	sdelay $0x3  }
0x9d: {  	_ =	strace s5  }
0x9e: {  	_ =	strace $0x8FFFFFFF  }
0x9f: {  	s19 =	sld [smem:$0x3FDB];
	_ =	sdelay $0x1  }
0xa0: {  	s20 =	simm.s32 $_scs_section_size  }
0xa1: {  	s7 =	simm.s32 $_size__tile_overlayer_lowered;
	s8 =	simm.s32 $_tile_overlayer_lowered  }
0xa2: {  	s23 =	simm.s32 $0x1BFF;
	s22 =	sshll.u32 s8, $0x1;
	s5 =	sadd.s32 s20, s19  }
0xa3: {  	s9 =	simm.s32 $0x0;
	s21 =	sshll.u32 s7, $0x1;
	s7 =	sadd.s32 s22, s5  }
0xa4: {  	[timem:s9], [sflag:s23] =	dma.local [hbm:s7], s21  }
0xa5: {  	_ =	swait.ge [sflag:s23], s21  }
0xa6: {  	s6 =	ssub.s32 $0x0, s21;
	[sflag:s23] =	ssyncset.done $0x0  }
0xa7: {  	[sflag:s23] =	ssyncadd.s32 s6;
	_ =	sdelay $0x1  }
0xa8: {  	s24 =	simm.s32 $0x1B8B  }
0xa9: {  	_ =	swait.ge [sflag:s24], $0x1  }
0xaa: {  	[sflag:s24] =	ssyncset.done $0x0  }
0xab: {  	s25 =	simm.s32 $0x1B8E;
	[sflag:s24] =	ssyncadd.s32 $0xFFFFFFFF  }
0xac: {  	s26 =	simm.s32 $execute0_lowered;
	[smem:$0x3FD2] =	sst s25  }
0xad: {  	s6 =	sshll.u32 s26, $0x1;
	_ =	strace $0x80000046;
	[dreg:$0x1] =	wrdreg $0xFFFFFFFF  }
0xae: {  	s28 =	simm.s32 $_size_execute0_lowered;
	s5 =	sadd.s32 s5, s6;
	[dreg:$0x0] =	wrdreg $0x0  }
0xaf: {  	s6 =	sshll.u32 s28, $0x1;
	[dreg:$0x2] =	wrdreg s5  }
0xb0: {  	[dreg:$0x3] =	wrdreg s6  }
0xb1: {  	[dreg:$0x4] =	wrdreg $0xC0  }
0xb2: {  	_ =	task [dreg:s9], $0x5FFFF  }
0xb3: {  	[dreg:$0x1] =	wrdreg $0xFFFFFFFF  }
0xb4: {  	[dreg:$0x0] =	wrdreg $0x60  }
0xb5: {  	[dreg:$0x2] =	wrdreg s4  }
0xb6: {  	[dreg:$0x3] =	wrdreg s16  }
0xb7: {  	[dreg:$0x4] =	wrdreg s17  }
0xb8: {  	[dreg:$0x5] =	wrdreg $0x9  }
0xb9: {  	_ =	task.clear_ibuf [dreg:s9], $0x6FFFF;
	_ =	strace $0x90000046  }
0xba: {  	s29 =	simm.s32 $0x9;
	_ =	strace $0x80000048  }
0xbb: {  	_ =	swait.ge [sflag:s29], $0x1  }
0xbc: {  	[sflag:s29] =	ssyncadd.s32 $0xFFFFFFFF  }
0xbd: {  	_ =	strace $0x90000048  }
0xbe: {  	_ =	sfence  }
0xbf: {  	s30 =	sld [smem:$0x0];
	_ =	sdelay $0x2  }
0xc0: {  	s31 =	sshll.u32 s1, $0xD;
	s1 =	sshrl.u32 s1, $0x2  }
0xc1: {  	s3 =	sand.u32 $0x4000, s31;
	s1 =	sadd.s32 s1, s30  }
0xc2: {  	s0 =	sor.u32 s3, s0;
	s1 =	sshll.u32 s1, $0x11  }
0xc3: {  	s0 =	sor.u32 s1, s0  }
0xc4: {  	s0 =	sadd.s32 $0x8F2B, s0  }
0xc5: {  	[sflag:s0] =	ssyncadd.remote.s32 $0x1  }
0xc6: {  	_ =	sfence.sel $0xFFFF  }
0xc7: {  	[dreg:$0x0] =	wrdreg $0xFFFFFFFF;
	(pc) =	sbr.abs _section_cstart, $3  }
0xc8: {  	[dreg:$0x1] =	wrdreg $0xFFFFFFFF  }
0xc9: {  	_ =	task.clear_ibuf [dreg:s9], $0x2FFFF;
	_ =	strace $0x9FFFFFFF  }
0xca: {  	(tm) =	ssettm $0x7FFFFFFF  }
0xcb: {  	_ =	shalt  }
tec
execute0_lowered:
.L_overlay_start_1:
0x0: {  	(tag) =	ssettag $0x1  }
0x1: {  	s2 =	srdreg.scid  }
0x2: {  	s1 =	rddreg [dreg:$0x0];
	s0 =	stileid.u32;
	s2 =	sand.u32 $0x1, s2  }
0x3: {  	s4 =	rddreg [dreg:$0x1];
	s3 =	sshll.u32 s0, $0x5;
	s5 =	sshll.u32 s2, $0x4  }
0x4: {  	s6 =	rddreg [dreg:$0x2];
	s5 =	sor.u32 s5, s3;
	s3 =	simm.s32 $0x0  }
0x5: {  	[smem:$0x7FF] =	sst s3;
	s4 =	sadd.s32 s4, s5  }
0x6: {  	s23 =	simm.s32 $0x880;
	_ =	strace $0x80000047;
	[dreg:$0x4] =	wrdreg s4  }
0x7: {  	s24 =	simm.s32 $0x1080;
	[dreg:$0x7] =	wrdreg s23  }
0x8: {  	s25 =	simm.s32 $0x1880;
	[dreg:$0x8] =	wrdreg s24  }
0x9: {  	s26 =	simm.s32 $0x2080;
	[dreg:$0x9] =	wrdreg s25  }
0xa: {  	s0 =	simm.s32 $0x2880;
	[dreg:$0xa] =	wrdreg s26  }
0xb: {  	s9 =	simm.s32 $0x5080;
	s10 =	simm.s32 $0x5880;
	[dreg:$0xb] =	wrdreg s0  }
0xc: {  	s11 =	simm.s32 $0x6080;
	s12 =	simm.s32 $0x6880;
	[dreg:$0x10] =	wrdreg s9  }
0xd: {  	s13 =	simm.s32 $0x7080;
	s14 =	simm.s32 $0x7880;
	[dreg:$0x11] =	wrdreg s10  }
0xe: {  	s15 =	simm.s32 $0x8080;
	s16 =	simm.s32 $0x8880;
	[dreg:$0x12] =	wrdreg s11  }
0xf: {  	s17 =	simm.s32 $0x9080;
	s18 =	simm.s32 $0x9880;
	[dreg:$0x13] =	wrdreg s12  }
0x10: {  	s28 =	simm.s32 $0x16080;
	s29 =	simm.s32 $0x16880;
	[dreg:$0x14] =	wrdreg s13  }
0x11: {  	s30 =	simm.s32 $0x17080;
	s31 =	simm.s32 $0x17880;
	[dreg:$0x15] =	wrdreg s14  }
0x12: {  	s2 =	ssub.s32 $0x2, s2;
	s7 =	smul.u32 $0x1800, s5;
	[dreg:$0x16] =	wrdreg s15  }
0x13: {  	s19 =	sshrl.u32 s2, $0x1;
	s8 =	smul.u32 $0x300, s5;
	[dreg:$0x17] =	wrdreg s16  }
0x14: {  	s2 =	ssub.s32 s2, s19;
	s19 =	simm.s32 $0x12080;
	[dreg:$0x18] =	wrdreg s17  }
0x15: {  	[dreg:$0x19] =	wrdreg s18;
	s4 =	sadd.s32 $0x100, s1;
	s23 =	simm.s32 $0xB880  }
0x16: {  	s24 =	simm.s32 $0xC880;
	s25 =	simm.s32 $0xD080;
	s26 =	simm.s32 $0xD880  }
0x17: {  	s9 =	simm.s32 $0x1;
	s10 =	simm.s32 $0xC080;
	s12 =	simm.s32 $0xE880  }
0x18: {  	s13 =	simm.s32 $0xF080;
	s14 =	simm.s32 $0xF880;
	s15 =	simm.s32 $0x10080  }
0x19: {  	s16 =	simm.s32 $0x10880;
	s17 =	simm.s32 $0x11080;
	[dreg:$0x1d] =	wrdreg s23  }
0x1a: {  	s18 =	simm.s32 $0x11880;
	s20 =	sshrl.u32 s7, $0x3;
	[dreg:$0x1e] =	wrdreg s24  }
0x1b: {  	s21 =	sadd.s32 s6, s8;
	s7 =	simm.s32 $0x4080;
	[dreg:$0x1f] =	wrdreg s25  }
0x1c: {  	s8 =	simm.s32 $0x4880;
	[smem:$0x7FD] =	sst s26;
	s23 =	simm.s32 $0x14080  }
0x1d: {  	s24 =	simm.s32 $0x14880;
	s25 =	simm.s32 $0x15080;
	[dreg:$0x5] =	wrdreg s21  }
0x1e: {  	s26 =	simm.s32 $0x15880;
	s5 =	sadd.s32 s6, s20;
	[dreg:$0xe] =	wrdreg s7  }
0x1f: {  	s6 =	simm.s32 $0x3880;
	[dreg:$0xf] =	wrdreg s8;
	s20 =	simm.s32 $0xA080  }
0x20: {  	s21 =	simm.s32 $0xA880;
	s7 =	simm.s32 $0x3;
	[dreg:$0xd] =	wrdreg s6  }
0x21: {  	s8 =	simm.s32 $0x80;
	s22 =	sadd.s32 $0x1800, s5;
	[dreg:$0x1a] =	wrdreg s20  }
0x22: {  	s5 =	simm.s32 $0x3080;
	[dreg:$0x1b] =	wrdreg s21;
	s6 =	smax.u32 s2, $0x1  }
0x23: {  	v2 =	vlaneseq.u32;
	s20 =	simm.s32 $0x12880;
	s21 =	simm.s32 $0x13080;
	[dreg:$0x6] =	wrdreg s22  }
0x24: {  	vm0 =	vmmov $0xffff;
	v1 =	vshrl.u32 v2, $0x3;
	s2 =	simm.s32 $0x2;
	[dreg:$0xc] =	wrdreg s5;
	s22 =	simm.s32 $0xB080  }
0x25: {  	v0 =	vand.u32 $0x7, v2;
	v2 =	vor.u32 $0x8, v2;
	v1 =	vmul.u32 $0x8, v1;
	s5 =	sadd.s32 $0x200, s1;
	[dreg:$0x1c] =	wrdreg s22;
	s22 =	simm.s32 $0x13880  }
.LBB2_1:
0x26: {  	s0 =	rddreg [dreg:$0x4]  }
0x27: {  	[tilespmem:s3], [sflag:$0x3] =	stream.linear.gather [hbm4b:s0+s3], $0x80, $0x38;
	[tilespmem:$0x18080] =	vst v63  }
0x28: {  	_ =	swait.ge [sflag:s7], $0x80  }
0x29: {  	[sflag:s7] =	ssyncset.done $0x0  }
0x2a: {  	[sflag:s7] =	ssyncadd.s32 $0xFFFFFF80  }
0x2b: {  	v3 =	vld [tilespmem:$0x0];
	_ =	sdelay $0x4  }
0x2c: {  	v4 =	vshrl.u32 v3, $0x3  }
0x2d: {  	v4 =	vmul.u32 $0x30, v4  }
0x2e: {  	v3 =	vand.u32 $0x7, v3  }
0x2f: {  	v3 =	vor.u32 v3, v4  }
0x30: {  	v4 =	vperm.xlane v3, v0;
	_ =	sdelay $0x1  }
0x31: {  	v4 =	vadd.s32 v1, v4;
	_ =	sdelay $0x3  }
0x32: {  	v3 =	vperm.xlane v3, v2  }
0x33: {  	[tilespmem:s8], [sflag:$0x1] =	stream.indirect_vreg.gather [hbm4b:s1+s3], $0x80, v4, vm0, $0xb8;
	[tilespmem:$0x18080] =	vst v63  }
0x34: {  	s0 =	rddreg [dreg:$0x7];
	v3 =	vadd.s32 v1, v3  }
0x35: {  	[tilespmem:s0], [sflag:$0x1] =	stream.indirect_vreg.gather [hbm4b:s4+s3], $0x80, v4, vm0, $0xb8;
	[tilespmem:$0x18080] =	vst v63  }
0x36: {  	s11 =	rddreg [dreg:$0x8]  }
0x37: {  	[tilespmem:s11], [sflag:$0x1] =	stream.indirect_vreg.gather [hbm4b:s5+s3], $0x80, v4, vm0, $0xb8;
	[tilespmem:$0x18080] =	vst v63  }
0x38: {  	s0 =	rddreg [dreg:$0x9]  }
0x39: {  	[tilespmem:s0], [sflag:$0x1] =	stream.indirect_vreg.gather [hbm4b:s1+s3], $0x80, v3, vm0, $0xb8;
	[tilespmem:$0x18080] =	vst v63  }
0x3a: {  	s11 =	rddreg [dreg:$0xa]  }
0x3b: {  	[tilespmem:s11], [sflag:$0x1] =	stream.indirect_vreg.gather [hbm4b:s4+s3], $0x80, v3, vm0, $0xb8;
	[tilespmem:$0x18080] =	vst v63  }
0x3c: {  	s0 =	rddreg [dreg:$0xb]  }
0x3d: {  	[tilespmem:s0], [sflag:$0x1] =	stream.indirect_vreg.gather [hbm4b:s5+s3], $0x80, v3, vm0, $0xb8;
	[tilespmem:$0x18080] =	vst v63  }
0x3e: {  	v3 =	vld [tilespmem:$0x10];
	_ =	sdelay $0x4  }
0x3f: {  	v57 =	vshrl.u32 v3, $0x3  }
0x40: {  	v4 =	vmul.u32 $0x30, v57  }
0x41: {  	v3 =	vand.u32 $0x7, v3  }
0x42: {  	v3 =	vor.u32 v3, v4  }
0x43: {  	v4 =	vperm.xlane v3, v0;
	_ =	sdelay $0x1  }
0x44: {  	v4 =	vadd.s32 v1, v4;
	_ =	sdelay $0x3  }
0x45: {  	s0 =	rddreg [dreg:$0xc];
	v3 =	vperm.xlane v3, v2  }
0x46: {  	[tilespmem:s0], [sflag:$0x1] =	stream.indirect_vreg.gather [hbm4b:s1+s3], $0x80, v4, vm0, $0xb8;
	[tilespmem:$0x18080] =	vst v63  }
0x47: {  	s11 =	rddreg [dreg:$0xd];
	v3 =	vadd.s32 v1, v3  }
0x48: {  	[tilespmem:s11], [sflag:$0x1] =	stream.indirect_vreg.gather [hbm4b:s4+s3], $0x80, v4, vm0, $0xb8;
	[tilespmem:$0x18080] =	vst v63  }
0x49: {  	s0 =	rddreg [dreg:$0xe]  }
0x4a: {  	[tilespmem:s0], [sflag:$0x1] =	stream.indirect_vreg.gather [hbm4b:s5+s3], $0x80, v4, vm0, $0xb8;
	[tilespmem:$0x18080] =	vst v63  }
0x4b: {  	s11 =	rddreg [dreg:$0xf]  }
0x4c: {  	[tilespmem:s11], [sflag:$0x1] =	stream.indirect_vreg.gather [hbm4b:s1+s3], $0x80, v3, vm0, $0xb8;
	[tilespmem:$0x18080] =	vst v63  }
0x4d: {  	s0 =	rddreg [dreg:$0x10]  }
0x4e: {  	[tilespmem:s0], [sflag:$0x1] =	stream.indirect_vreg.gather [hbm4b:s4+s3], $0x80, v3, vm0, $0xb8;
	[tilespmem:$0x18080] =	vst v63  }
0x4f: {  	s11 =	rddreg [dreg:$0x11]  }
0x50: {  	[tilespmem:s11], [sflag:$0x1] =	stream.indirect_vreg.gather [hbm4b:s5+s3], $0x80, v3, vm0, $0xb8;
	[tilespmem:$0x18080] =	vst v63  }
0x51: {  	v3 =	vld [tilespmem:$0x20];
	_ =	sdelay $0x4  }
0x52: {  	v58 =	vshrl.u32 v3, $0x3  }
0x53: {  	v4 =	vmul.u32 $0x30, v58  }
0x54: {  	v3 =	vand.u32 $0x7, v3  }
0x55: {  	v3 =	vor.u32 v3, v4  }
0x56: {  	v4 =	vperm.xlane v3, v0;
	_ =	sdelay $0x1  }
0x57: {  	v4 =	vadd.s32 v1, v4;
	_ =	sdelay $0x3  }
0x58: {  	s0 =	rddreg [dreg:$0x12];
	v3 =	vperm.xlane v3, v2  }
0x59: {  	[tilespmem:s0], [sflag:$0x1] =	stream.indirect_vreg.gather [hbm4b:s1+s3], $0x80, v4, vm0, $0xb8;
	[tilespmem:$0x18080] =	vst v63  }
0x5a: {  	s11 =	rddreg [dreg:$0x13];
	v3 =	vadd.s32 v1, v3  }
0x5b: {  	[tilespmem:s11], [sflag:$0x1] =	stream.indirect_vreg.gather [hbm4b:s4+s3], $0x80, v4, vm0, $0xb8;
	[tilespmem:$0x18080] =	vst v63  }
0x5c: {  	s0 =	rddreg [dreg:$0x14]  }
0x5d: {  	[tilespmem:s0], [sflag:$0x1] =	stream.indirect_vreg.gather [hbm4b:s5+s3], $0x80, v4, vm0, $0xb8;
	[tilespmem:$0x18080] =	vst v63  }
0x5e: {  	s11 =	rddreg [dreg:$0x15]  }
0x5f: {  	[tilespmem:s11], [sflag:$0x1] =	stream.indirect_vreg.gather [hbm4b:s1+s3], $0x80, v3, vm0, $0xb8;
	[tilespmem:$0x18080] =	vst v63  }
0x60: {  	s0 =	rddreg [dreg:$0x16]  }
0x61: {  	[tilespmem:s0], [sflag:$0x1] =	stream.indirect_vreg.gather [hbm4b:s4+s3], $0x80, v3, vm0, $0xb8;
	[tilespmem:$0x18080] =	vst v63  }
0x62: {  	s11 =	rddreg [dreg:$0x17]  }
0x63: {  	[tilespmem:s11], [sflag:$0x1] =	stream.indirect_vreg.gather [hbm4b:s5+s3], $0x80, v3, vm0, $0xb8;
	[tilespmem:$0x18080] =	vst v63  }
0x64: {  	v3 =	vld [tilespmem:$0x30];
	_ =	sdelay $0x4  }
0x65: {  	v59 =	vshrl.u32 v3, $0x3  }
0x66: {  	v4 =	vmul.u32 $0x30, v59  }
0x67: {  	v3 =	vand.u32 $0x7, v3  }
0x68: {  	v3 =	vor.u32 v3, v4  }
0x69: {  	v4 =	vperm.xlane v3, v0;
	_ =	sdelay $0x1  }
0x6a: {  	v4 =	vadd.s32 v1, v4;
	_ =	sdelay $0x3  }
0x6b: {  	s0 =	rddreg [dreg:$0x18];
	v3 =	vperm.xlane v3, v2  }
0x6c: {  	[tilespmem:s0], [sflag:$0x1] =	stream.indirect_vreg.gather [hbm4b:s1+s3], $0x80, v4, vm0, $0xb8;
	[tilespmem:$0x18080] =	vst v63  }
0x6d: {  	s11 =	rddreg [dreg:$0x19];
	v3 =	vadd.s32 v1, v3  }
0x6e: {  	[tilespmem:s11], [sflag:$0x1] =	stream.indirect_vreg.gather [hbm4b:s4+s3], $0x80, v4, vm0, $0xb8;
	[tilespmem:$0x18080] =	vst v63  }
0x6f: {  	s0 =	rddreg [dreg:$0x1a]  }
0x70: {  	[tilespmem:s0], [sflag:$0x1] =	stream.indirect_vreg.gather [hbm4b:s5+s3], $0x80, v4, vm0, $0xb8;
	[tilespmem:$0x18080] =	vst v63  }
0x71: {  	s11 =	rddreg [dreg:$0x1b]  }
0x72: {  	[tilespmem:s11], [sflag:$0x1] =	stream.indirect_vreg.gather [hbm4b:s1+s3], $0x80, v3, vm0, $0xb8;
	[tilespmem:$0x18080] =	vst v63  }
0x73: {  	s0 =	rddreg [dreg:$0x1c]  }
0x74: {  	[tilespmem:s0], [sflag:$0x1] =	stream.indirect_vreg.gather [hbm4b:s4+s3], $0x80, v3, vm0, $0xb8;
	[tilespmem:$0x18080] =	vst v63  }
0x75: {  	s11 =	rddreg [dreg:$0x1d]  }
0x76: {  	[tilespmem:s11], [sflag:$0x1] =	stream.indirect_vreg.gather [hbm4b:s5+s3], $0x80, v3, vm0, $0xb8;
	[tilespmem:$0x18080] =	vst v63  }
0x77: {  	_ =	swait.ge [sflag:s9], $0xC000  }
0x78: {  	[sflag:s9] =	ssyncset.done $0x0  }
0x79: {  	[sflag:s9] =	ssyncadd.s32 $0xFFFF4000  }
0x7a: {  	v3 =	vld [tilespmem:$0x40];
	_ =	sdelay $0x4  }
0x7b: {  	v60 =	vshrl.u32 v3, $0x3  }
0x7c: {  	v4 =	vmul.u32 $0x30, v60  }
0x7d: {  	v3 =	vand.u32 $0x7, v3  }
0x7e: {  	v3 =	vor.u32 v3, v4  }
0x7f: {  	v4 =	vperm.xlane v3, v0;
	_ =	sdelay $0x1  }
0x80: {  	v4 =	vadd.s32 v1, v4;
	_ =	sdelay $0x3  }
0x81: {  	s0 =	rddreg [dreg:$0x1e];
	v3 =	vperm.xlane v3, v2  }
0x82: {  	[tilespmem:s10], [sflag:$0x2] =	stream.indirect_vreg.gather [hbm4b:s1+s3], $0x80, v4, vm0, $0xb8;
	[tilespmem:$0x18080] =	vst v63  }
0x83: {  	s11 =	rddreg [dreg:$0x1f];
	v3 =	vadd.s32 v1, v3  }
0x84: {  	[tilespmem:s0], [sflag:$0x2] =	stream.indirect_vreg.gather [hbm4b:s4+s3], $0x80, v4, vm0, $0xb8;
	[tilespmem:$0x18080] =	vst v63  }
0x85: {  	s0 =	sld [smem:$0x7FD]  }
0x86: {  	[tilespmem:s11], [sflag:$0x2] =	stream.indirect_vreg.gather [hbm4b:s5+s3], $0x80, v4, vm0, $0xb8;
	[tilespmem:$0x18080] =	vst v63  }
0x87: {  	_ = 	snop  }
0x88: {  	[tilespmem:s0], [sflag:$0x2] =	stream.indirect_vreg.gather [hbm4b:s1+s3], $0x80, v3, vm0, $0xb8;
	[tilespmem:$0x18080] =	vst v63  }
0x89: {  	s11 =	simm.s32 $0xE080  }
0x8a: {  	[tilespmem:s11], [sflag:$0x2] =	stream.indirect_vreg.gather [hbm4b:s4+s3], $0x80, v3, vm0, $0xb8;
	[tilespmem:$0x18080] =	vst v63  }
0x8b: {  	_ = 	snop  }
0x8c: {  	[tilespmem:s12], [sflag:$0x2] =	stream.indirect_vreg.gather [hbm4b:s5+s3], $0x80, v3, vm0, $0xb8;
	[tilespmem:$0x18080] =	vst v63  }
0x8d: {  	v3 =	vld [tilespmem:$0x50];
	_ =	sdelay $0x4  }
0x8e: {  	v61 =	vshrl.u32 v3, $0x3  }
0x8f: {  	v4 =	vmul.u32 $0x30, v61  }
0x90: {  	v3 =	vand.u32 $0x7, v3  }
0x91: {  	v3 =	vor.u32 v3, v4  }
0x92: {  	v4 =	vperm.xlane v3, v0;
	_ =	sdelay $0x1  }
0x93: {  	v4 =	vadd.s32 v1, v4;
	_ =	sdelay $0x3  }
0x94: {  	v3 =	vperm.xlane v3, v2  }
0x95: {  	[tilespmem:s13], [sflag:$0x2] =	stream.indirect_vreg.gather [hbm4b:s1+s3], $0x80, v4, vm0, $0xb8;
	[tilespmem:$0x18080] =	vst v63  }
0x96: {  	v3 =	vadd.s32 v1, v3  }
0x97: {  	[tilespmem:s14], [sflag:$0x2] =	stream.indirect_vreg.gather [hbm4b:s4+s3], $0x80, v4, vm0, $0xb8;
	[tilespmem:$0x18080] =	vst v63  }
0x98: {  	_ = 	snop  }
0x99: {  	[tilespmem:s15], [sflag:$0x2] =	stream.indirect_vreg.gather [hbm4b:s5+s3], $0x80, v4, vm0, $0xb8;
	[tilespmem:$0x18080] =	vst v63  }
0x9a: {  	_ = 	snop  }
0x9b: {  	[tilespmem:s16], [sflag:$0x2] =	stream.indirect_vreg.gather [hbm4b:s1+s3], $0x80, v3, vm0, $0xb8;
	[tilespmem:$0x18080] =	vst v63  }
0x9c: {  	_ = 	snop  }
0x9d: {  	[tilespmem:s17], [sflag:$0x2] =	stream.indirect_vreg.gather [hbm4b:s4+s3], $0x80, v3, vm0, $0xb8;
	[tilespmem:$0x18080] =	vst v63  }
0x9e: {  	_ = 	snop  }
0x9f: {  	[tilespmem:s18], [sflag:$0x2] =	stream.indirect_vreg.gather [hbm4b:s5+s3], $0x80, v3, vm0, $0xb8;
	[tilespmem:$0x18080] =	vst v63  }
0xa0: {  	v3 =	vld [tilespmem:$0x60];
	_ =	sdelay $0x4  }
0xa1: {  	v62 =	vshrl.u32 v3, $0x3  }
0xa2: {  	v4 =	vmul.u32 $0x30, v62  }
0xa3: {  	v3 =	vand.u32 $0x7, v3  }
0xa4: {  	v3 =	vor.u32 v3, v4  }
0xa5: {  	v4 =	vperm.xlane v3, v0;
	_ =	sdelay $0x1  }
0xa6: {  	v4 =	vadd.s32 v1, v4;
	_ =	sdelay $0x3  }
0xa7: {  	v3 =	vperm.xlane v3, v2  }
0xa8: {  	[tilespmem:s19], [sflag:$0x2] =	stream.indirect_vreg.gather [hbm4b:s1+s3], $0x80, v4, vm0, $0xb8;
	[tilespmem:$0x18080] =	vst v63  }
0xa9: {  	v3 =	vadd.s32 v1, v3  }
0xaa: {  	[tilespmem:s20], [sflag:$0x2] =	stream.indirect_vreg.gather [hbm4b:s4+s3], $0x80, v4, vm0, $0xb8;
	[tilespmem:$0x18080] =	vst v63  }
0xab: {  	_ = 	snop  }
0xac: {  	[tilespmem:s21], [sflag:$0x2] =	stream.indirect_vreg.gather [hbm4b:s5+s3], $0x80, v4, vm0, $0xb8;
	[tilespmem:$0x18080] =	vst v63  }
0xad: {  	_ = 	snop  }
0xae: {  	[tilespmem:s22], [sflag:$0x2] =	stream.indirect_vreg.gather [hbm4b:s1+s3], $0x80, v3, vm0, $0xb8;
	[tilespmem:$0x18080] =	vst v63  }
0xaf: {  	_ = 	snop  }
0xb0: {  	[tilespmem:s23], [sflag:$0x2] =	stream.indirect_vreg.gather [hbm4b:s4+s3], $0x80, v3, vm0, $0xb8;
	[tilespmem:$0x18080] =	vst v63  }
0xb1: {  	_ = 	snop  }
0xb2: {  	[tilespmem:s24], [sflag:$0x2] =	stream.indirect_vreg.gather [hbm4b:s5+s3], $0x80, v3, vm0, $0xb8;
	[tilespmem:$0x18080] =	vst v63  }
0xb3: {  	v3 =	vld [tilespmem:$0x70];
	_ =	sdelay $0x4  }
0xb4: {  	v63 =	vshrl.u32 v3, $0x3  }
0xb5: {  	v4 =	vmul.u32 $0x30, v63  }
0xb6: {  	v3 =	vand.u32 $0x7, v3  }
0xb7: {  	v3 =	vor.u32 v3, v4  }
0xb8: {  	v4 =	vperm.xlane v3, v0;
	_ =	sdelay $0x1  }
0xb9: {  	v4 =	vadd.s32 v1, v4;
	_ =	sdelay $0x3  }
0xba: {  	v3 =	vperm.xlane v3, v2  }
0xbb: {  	[tilespmem:s25], [sflag:$0x2] =	stream.indirect_vreg.gather [hbm4b:s1+s3], $0x80, v4, vm0, $0xb8;
	[tilespmem:$0x18080] =	vst v63  }
0xbc: {  	v3 =	vadd.s32 v1, v3  }
0xbd: {  	[tilespmem:s26], [sflag:$0x2] =	stream.indirect_vreg.gather [hbm4b:s4+s3], $0x80, v4, vm0, $0xb8;
	[tilespmem:$0x18080] =	vst v63  }
0xbe: {  	_ = 	snop  }
0xbf: {  	[tilespmem:s28], [sflag:$0x2] =	stream.indirect_vreg.gather [hbm4b:s5+s3], $0x80, v4, vm0, $0xb8;
	[tilespmem:$0x18080] =	vst v63  }
0xc0: {  	_ = 	snop  }
0xc1: {  	[tilespmem:s29], [sflag:$0x2] =	stream.indirect_vreg.gather [hbm4b:s1+s3], $0x80, v3, vm0, $0xb8;
	[tilespmem:$0x18080] =	vst v63  }
0xc2: {  	_ = 	snop  }
0xc3: {  	[tilespmem:s30], [sflag:$0x2] =	stream.indirect_vreg.gather [hbm4b:s4+s3], $0x80, v3, vm0, $0xb8;
	[tilespmem:$0x18080] =	vst v63  }
0xc4: {  	_ = 	snop  }
0xc5: {  	[tilespmem:s31], [sflag:$0x2] =	stream.indirect_vreg.gather [hbm4b:s5+s3], $0x80, v3, vm0, $0xb8;
	[tilespmem:$0x18080] =	vst v63  }
0xc6: {  	s11 =	rddreg [dreg:$0x5]  }
0xc7: {  	[hbm4b:s11+s3] =	stream.linear.scatter [tilespmem:s8], [sflag:$0x3], $0xC000, $0x38;
	[tilespmem:$0x18080] =	vst v63  }
0xc8: {  	_ =	swait.ge [sflag:s7], $0xC000  }
0xc9: {  	[sflag:s7] =	ssyncset.done $0x0  }
0xca: {  	[sflag:s7] =	ssyncadd.s32 $0xFFFF4000  }
0xcb: {  	_ =	swait.ge [sflag:s2], $0xC000  }
0xcc: {  	p0 =	sne.s32 s6, $0x1;
	[sflag:s2] =	ssyncset.done $0x0  }
.Ltmp0:
0xcd: {  	s11 =	rddreg [dreg:$0x6];
	[sflag:s2] =	ssyncadd.s32 $0xFFFF4000;
	(pc) =	sbr.rel @p0 .LBB2_1-.Ltmp0, $4  }
0xce: {  	[hbm4b:s11+s3] =	stream.linear.scatter [tilespmem:s10], [sflag:$0x3], $0xC000, $0x38;
	[tilespmem:$0x18080] =	vst v63  }
0xcf: {  	_ =	swait.ge [sflag:s7], $0xC000  }
0xd0: {  	[sflag:s7] =	ssyncset.done $0x0  }
0xd1: {  	s6 =	sadd.s32 $0xFFFFFFFF, s6;
	[sflag:s7] =	ssyncadd.s32 $0xFFFF4000  }
0xd2: {  	_ =	sfence.sel $0x180000  }
0xd3: {  	[bflag:$0x0] =	sbarrier.arrive $0xFFFF  }
0xd4: {  	_ =	strace $0x90000047  }
0xd5: {  	s0 =	stileid.u32;
	[bflag:$0x2] =	sbarrier.arrive $0xFFFF  }
0xd6: {  	p0 =	sne.s32 s0, $0x0;
	s0 =	rddreg [dreg:$0x3]  }
0xd7: {  	s0 =	sadd.s32 @!p0 $0x100000, s0  }
0xd8: {  	[sflag:s0] =	ssyncadd.tile.s32 @!p0 $0x1;
	_ =	shalt  }
.Lfunc_end2:
_tile_overlayer_lowered:
.L_overlay_start_2:
0xd9: {  	(tag) =	ssettag $0x2  }
0xda: {  	s0 =	rddreg [dreg:$0x0];
	s2 =	stileid.u32  }
0xdb: {  	s1 =	rddreg [dreg:$0x1];
	p0 =	sne.s32 s2, $0x0  }
0xdc: {  	s3 =	rddreg [dreg:$0x2];
	[bflag:$0x3] =	sbarrier.arrive $0xFFFF;
	s2 =	simm.s32 @!p0 $0x1C03  }
0xdd: {  	[timem:s3], [sflag:s2] =	dma.local @!p0 [hbm:s0], s1  }
0xde: {  	s0 =	simm.s32 @!p0 $0x3  }
0xdf: {  	_ =	swait.ge @!p0 [sflag:s0], s1  }
0xe0: {  	s1 =	ssub.s32 @!p0 $0x0, s1;
	[sflag:s0] =	ssyncset.done @!p0 $0x0  }
0xe1: {  	[sflag:s0] =	ssyncadd.s32 @!p0 s1  }
0xe2: {  	[bflag:$0x3] =	sbarrier.arrive $0xFFFF  }
0xe3: {  	_ =	shalt  }

// kernel: kernel.13.cloned.1.call-start
scs
__scs_entry_jumppad:
0x0: {  	(pc) =	sbr.rel $0x88, $3  }
0x1: {  	(tag) =	ssettag $0x0;
	lr =	simm.s32 $0x1  }
0x2: {  	[smem:$0x3F99] =	sst lr;
	_ =	strace $0xD0000000  }
0x3: {  	_ = 	snop  }
0x4: {  	_ = 	snop  }
0x5: {  	_ = 	snop  }
0x6: {  	_ = 	snop  }
0x7: {  	_ = 	snop  }
__scs_overlays_trampoline_lowered:
0x8: {  	[smem:$0x3FA8] =	sst s0  }
0x9: {  	[smem:$0x3FA9] =	sst s1  }
0xa: {  	[smem:$0x3FAA] =	sst s2  }
0xb: {  	[smem:$0x3FAB] =	sst s3  }
0xc: {  	[smem:$0x3FAC] =	sst s4  }
0xd: {  	[smem:$0x3FAD] =	sst s5  }
0xe: {  	[smem:$0x3FAE] =	sst s6  }
0xf: {  	[smem:$0x3FAF] =	sst s7  }
0x10: {  	[smem:$0x3FB0] =	sst s8  }
0x11: {  	[smem:$0x3FB1] =	sst s9;
	s0 =	simm.s32 @!p0 $0x0  }
0x12: {  	s1 =	sld [smem:$0x3F97];
	s0 =	simm.s32 @p0 $0x1  }
0x13: {  	[smem:$0x3FB2] =	sst s0;
	s0 =	simm.s32 @!p1 $0x0  }
0x14: {  	s2 =	sld [smem:$0x3F96];
	s0 =	simm.s32 @p1 $0x1  }
0x15: {  	[smem:$0x3FB3] =	sst s0;
	s0 =	simm.s32 @!p2 $0x0  }
0x16: {  	s3 =	sld [smem:$0x3FDB];
	s0 =	simm.s32 @p2 $0x1  }
0x17: {  	s4 =	simm.s32 $0x1BF5;
	[smem:$0x3FB5] =	sst s0  }
0x18: {  	s0 =	sld [smem:$0x3F98];
	_ =	swait.ge [sflag:s4], $0x0  }
0x19: {  	s7 =	sld [smem:$0x3F99]  }
0x1a: {  	s8 =	sadd.s32 $0xFFFFE003, lr  }
0x1b: {  	s9 =	sadd.s32 $0xFFFFFEF7, lr;
	s5 =	simm.s32 $0xFFFFFFFF;
	p2 =	slt.u32 s8, $0xFFFFF086  }
0x1c: {  	p1 =	slt.u32 s9, $0xF7A;
	s5 =	simm.s32 @!p2 $0x0  }
0x1d: {  	s5 =	simm.s32 @p1 $0x1;
	p0 =	seq.s32 s7, s2  }
0x1e: {  	s7 =	smul.u32 @!p0 $0xF7A, s2;
	p2 =	seq.s32 @!p0 s5, $0x0  }
0x1f: {  	s9 =	smul.u32 $0xF7A, s1;
	s8 =	simm.s32 @!p0 $0x1BF5;
	p2 =	por !p2, p0  }
0x20: {  	[sflag:s8] =	ssyncset.s32 @!p0 $0xFFFFF086;
	s6 =	sadd.s32 @!p0 s3, s7;
	s7 =	simm.s32 @!p0 $0x108  }
0x21: {  	s3 =	sadd.s32 s3, s9;
	s6 =	sadd.s32 @!p0 $0x88, s6;
	s7 =	simm.s32 @p2 $0x1082  }
0x22: {  	[simem:s7], [sflag:s8] =	dma.local @!p0 [hbm:s6], $0xF7A  }
0x23: {  	s9 =	sor.u32 $0xD0000000, s2;
	s6 =	simm.s32 $0x108;
	_ =	swait.ge @!p0 [sflag:s8], $0x0  }
0x24: {  	s3 =	sadd.s32 $0x88, s3;
	s6 =	simm.s32 @!p1 $0x1082;
	[sflag:s4] =	ssyncset.s32 $0xFFFFF086  }
0x25: {  	[simem:s6], [sflag:s4] =	dma.local [hbm:s3], $0xF7A  }
0x26: {  	[smem:$0x3F99] =	sst s1;
	(tag) =	ssettag s2;
	_ =	strace s9  }
0x27: {  	s1 =	sld [smem:$0x3FA9]  }
0x28: {  	s2 =	sld [smem:$0x3FAA]  }
0x29: {  	s4 =	sld [smem:$0x3FAC]  }
0x2a: {  	p0 =	seq.s32 s5, $0x0;
	s5 =	sld [smem:$0x3FAD]  }
0x2b: {  	s6 =	sld [smem:$0x3FAE]  }
0x2c: {  	s7 =	sld [smem:$0x3FAF]  }
0x2d: {  	s3 =	simm.s32 $0x108;
	s8 =	sld [smem:$0x3FB0]  }
0x2e: {  	s3 =	simm.s32 @!p0 $0x1082;
	s9 =	sld [smem:$0x3FB1]  }
0x2f: {  	lr =	sadd.s32 s0, s3;
	s0 =	sld [smem:$0x3FA8]  }
0x30: {  	s3 =	sld [smem:$0x3FAB]  }
0x31: {  	[smem:$0x3FB4] =	sst s10  }
0x32: {  	s10 =	sld [smem:$0x3FB2];
	_ =	sdelay $0x3  }
0x33: {  	p0 =	seq.s32 s10, $0x1;
	s10 =	sld [smem:$0x3FB4];
	_ =	sdelay $0x3  }
0x34: {  	[smem:$0x3FB4] =	sst s10  }
0x35: {  	s10 =	sld [smem:$0x3FB3];
	_ =	sdelay $0x3  }
0x36: {  	p1 =	seq.s32 s10, $0x1;
	s10 =	sld [smem:$0x3FB4];
	_ =	sdelay $0x3  }
0x37: {  	[smem:$0x3FB4] =	sst s10  }
0x38: {  	s10 =	sld [smem:$0x3FB5]  }
0x39: {  	_ = 	snop;
	(pc) =	sbr.ind lr, $3  }
0x3a: {  	_ = 	snop  }
0x3b: {  	_ = 	snop  }
0x3c: {  	p2 =	seq.s32 s10, $0x1;
	s10 =	sld [smem:$0x3FB4]  }
0x3d: {  	_ =	shalt  }
0x3e: {  	_ =	shalt  }
0x3f: {  	_ =	shalt  }
0x40: {  	_ =	shalt  }
0x41: {  	_ =	shalt  }
0x42: {  	_ =	shalt  }
0x43: {  	_ =	shalt  }
0x44: {  	_ =	shalt  }
0x45: {  	_ =	shalt  }
0x46: {  	_ =	shalt  }
0x47: {  	_ =	shalt  }
0x48: {  	_ =	shalt  }
0x49: {  	_ =	shalt  }
0x4a: {  	_ =	shalt  }
0x4b: {  	_ =	shalt  }
0x4c: {  	_ =	shalt  }
0x4d: {  	_ =	shalt  }
0x4e: {  	_ =	shalt  }
0x4f: {  	_ =	shalt  }
0x50: {  	_ =	shalt  }
0x51: {  	_ =	shalt  }
0x52: {  	_ =	shalt  }
0x53: {  	_ =	shalt  }
0x54: {  	_ =	shalt  }
0x55: {  	_ =	shalt  }
0x56: {  	_ =	shalt  }
0x57: {  	_ =	shalt  }
0x58: {  	_ =	shalt  }
0x59: {  	_ =	shalt  }
0x5a: {  	_ =	shalt  }
0x5b: {  	_ =	shalt  }
0x5c: {  	_ =	shalt  }
0x5d: {  	_ =	shalt  }
0x5e: {  	_ =	shalt  }
0x5f: {  	_ =	shalt  }
0x60: {  	_ =	shalt  }
0x61: {  	_ =	shalt  }
0x62: {  	_ =	shalt  }
0x63: {  	_ =	shalt  }
0x64: {  	_ =	shalt  }
0x65: {  	_ =	shalt  }
0x66: {  	_ =	shalt  }
0x67: {  	_ =	shalt  }
0x68: {  	_ =	shalt  }
0x69: {  	_ =	shalt  }
0x6a: {  	_ =	shalt  }
0x6b: {  	_ =	shalt  }
0x6c: {  	_ =	shalt  }
0x6d: {  	_ =	shalt  }
0x6e: {  	_ =	shalt  }
0x6f: {  	_ =	shalt  }
0x70: {  	_ =	shalt  }
0x71: {  	_ =	shalt  }
0x72: {  	_ =	shalt  }
0x73: {  	_ =	shalt  }
0x74: {  	_ =	shalt  }
0x75: {  	_ =	shalt  }
0x76: {  	_ =	shalt  }
0x77: {  	_ =	shalt  }
0x78: {  	_ =	shalt  }
0x79: {  	_ =	shalt  }
0x7a: {  	_ =	shalt  }
0x7b: {  	_ =	shalt  }
0x7c: {  	_ =	shalt  }
0x7d: {  	_ =	shalt  }
0x7e: {  	_ =	shalt  }
0x7f: {  	_ =	shalt  }
0x80: {  	_ =	shalt  }
0x81: {  	_ =	shalt  }
0x82: {  	_ =	shalt  }
0x83: {  	_ =	shalt  }
0x84: {  	_ =	shalt  }
0x85: {  	_ =	shalt  }
0x86: {  	_ =	shalt  }
0x87: {  	_ =	shalt  }
.Lfunc_end0:
.L_simem_size_0:
called_computation.1_lowered:
.L_overlay_start_0:
0x88: {  	s2 =	sld [smem:$0x3FD9]  }
0x89: {  	s3 =	sld [smem:$0x3FFE];
	_ =	sdelay $0x1  }
0x8a: {  	s1 =	srdreg.scid  }
0x8b: {  	s0 =	sand.u32 $0x1, s1  }
0x8c: {  	s17 =	sshll.u32 s0, $0xA;
	s2 =	sadd.s32 s3, s2  }
0x8d: {  	s2 =	sadd.s32 s2, s17  }
0x8e: {  	[smem:$0x3FC0] =	sst s2  }
0x8f: {  	_ = 	snop  }
0x90: {  	s18 =	sld [smem:$0x3FC9]  }
0x91: {  	s4 =	sld [smem:$0x3FC7];
	(tm) =	ssettm $0x1  }
0x92: {  	s19 =	sld [smem:$0x3FFB];
	_ =	sdelay $0x3  }
0x93: {  	_ =	strace s19  }
0x94: {  	s2 =	sld [smem:$0x3FFC];
	_ =	sdelay $0x3  }
0x95: {  	_ =	strace s2  }
0x96: {  	s2 =	sld [smem:$0x3FFD];
	_ =	sdelay $0x3  }
0x97: {  	_ =	strace s2  }
0x98: {  	_ =	strace $0x8FFFFFFF  }
0x99: {  	s20 =	sld [smem:$0x3FDB];
	_ =	sdelay $0x1  }
0x9a: {  	s5 =	simm.s32 $_scs_section_size  }
0x9b: {  	s6 =	simm.s32 $_size__tile_overlayer_lowered;
	s7 =	simm.s32 $_tile_overlayer_lowered  }
0x9c: {  	s8 =	simm.s32 $0x1BFF;
	s21 =	sshll.u32 s7, $0x1;
	s5 =	sadd.s32 s5, s20  }
0x9d: {  	s22 =	simm.s32 $0x0;
	s6 =	sshll.u32 s6, $0x1;
	s7 =	sadd.s32 s21, s5  }
0x9e: {  	[timem:s22], [sflag:s8] =	dma.local [hbm:s7], s6  }
0x9f: {  	_ =	swait.ge [sflag:s8], s6  }
0xa0: {  	s6 =	ssub.s32 $0x0, s6;
	[sflag:s8] =	ssyncset.done $0x0  }
0xa1: {  	[sflag:s8] =	ssyncadd.s32 s6;
	_ =	sdelay $0x1  }
0xa2: {  	s23 =	simm.s32 $0x1B8B  }
0xa3: {  	_ =	swait.ge [sflag:s23], $0x1  }
0xa4: {  	[sflag:s23] =	ssyncset.done $0x0  }
0xa5: {  	[sflag:s23] =	ssyncadd.s32 $0xFFFFFFFF  }
0xa6: {  	s6 =	sld [smem:$0x0]  }
0xa7: {  	s7 =	sand.u32 $0xFFFFFFFE, s1  }
0xa8: {  	p0 =	sne.s32 s1, s7  }
0xa9: {  	s7 =	sshll.u32 @p0 s7, $0xE  }
0xaa: {  	s7 =	sadd.s32 @p0 $0x11B8D, s7;
	s8 =	sshll.u32 @p0 s6, $0x11  }
0xab: {  	s7 =	sor.u32 @p0 s8, s7  }
0xac: {  	[sflag:s7] =	ssyncadd.remote.s32 @p0 $0x1;
	_ =	sdelay $0x1  }
0xad: {  	s7 =	simm.s32 @p0 $0x1B8D  }
0xae: {  	_ =	swait.eq @p0 [sflag:s7], $0x1  }
0xaf: {  	[sflag:s7] =	ssyncadd.s32 @p0 $0xFFFFFFFF  }
0xb0: {  	s8 =	sshll.u32 @!p0 s1, $0xE  }
0xb1: {  	s8 =	sor.u32 @!p0 $0x4000, s8;
	s7 =	simm.s32 @!p0 $0x1B8D  }
0xb2: {  	s6 =	sshll.u32 @!p0 s6, $0x11;
	s8 =	sadd.s32 @!p0 $0x11B8D, s8;
	_ =	swait.eq @!p0 [sflag:s7], $0x1  }
0xb3: {  	s6 =	sor.u32 @!p0 s6, s8;
	[sflag:s7] =	ssyncadd.s32 @!p0 $0xFFFFFFFF  }
0xb4: {  	s25 =	simm.s32 $0x1B8E;
	s24 =	sld [smem:$0x3FFE];
	[sflag:s6] =	ssyncadd.remote.s32 @!p0 $0x1  }
0xb5: {  	s26 =	simm.s32 $execute0_lowered;
	[smem:$0x3FD2] =	sst s25  }
0xb6: {  	s7 =	sshll.u32 s26, $0x1;
	_ =	strace $0x80000049;
	[dreg:$0x1] =	wrdreg $0xFFFFFFFF  }
0xb7: {  	s28 =	simm.s32 $_size_execute0_lowered;
	s5 =	sadd.s32 s5, s7;
	[dreg:$0x0] =	wrdreg $0x0  }
0xb8: {  	s7 =	sshll.u32 s28, $0x1;
	[dreg:$0x2] =	wrdreg s5  }
0xb9: {  	[dreg:$0x3] =	wrdreg s7  }
0xba: {  	[dreg:$0x4] =	wrdreg $0xC0  }
0xbb: {  	_ =	task [dreg:s22], $0x5FFFF  }
0xbc: {  	[dreg:$0x1] =	wrdreg $0xFFFFFFFF  }
0xbd: {  	[dreg:$0x0] =	wrdreg $0x60  }
0xbe: {  	[dreg:$0x2] =	wrdreg s4  }
0xbf: {  	[dreg:$0x3] =	wrdreg s18  }
0xc0: {  	[dreg:$0x4] =	wrdreg s24  }
0xc1: {  	[dreg:$0x5] =	wrdreg $0xA  }
0xc2: {  	_ =	task.clear_ibuf [dreg:s22], $0x6FFFF;
	_ =	strace $0x90000049  }
0xc3: {  	s29 =	simm.s32 $0xA;
	_ =	strace $0x8000004B  }
0xc4: {  	_ =	swait.ge [sflag:s29], $0x1  }
0xc5: {  	[sflag:s29] =	ssyncadd.s32 $0xFFFFFFFF  }
0xc6: {  	_ =	strace $0x9000004B  }
0xc7: {  	_ =	sfence  }
0xc8: {  	s30 =	sld [smem:$0x0];
	_ =	sdelay $0x2  }
0xc9: {  	s31 =	sshll.u32 s1, $0xD;
	s1 =	sshrl.u32 s1, $0x2  }
0xca: {  	s4 =	sand.u32 $0x4000, s31;
	s1 =	sadd.s32 s1, s30  }
0xcb: {  	s0 =	sor.u32 s4, s0;
	s1 =	sshll.u32 s1, $0x11  }
0xcc: {  	s0 =	sor.u32 s1, s0  }
0xcd: {  	s0 =	sadd.s32 $0x8F2B, s0  }
0xce: {  	[sflag:s0] =	ssyncadd.remote.s32 $0x1  }
0xcf: {  	_ =	sfence.sel $0xFFFF  }
0xd0: {  	[dreg:$0x0] =	wrdreg $0xFFFFFFFF;
	(pc) =	sbr.abs _section_cstart, $3  }
0xd1: {  	[dreg:$0x1] =	wrdreg $0xFFFFFFFF  }
0xd2: {  	_ =	task.clear_ibuf [dreg:s22], $0x2FFFF;
	_ =	strace $0x9FFFFFFF  }
0xd3: {  	(tm) =	ssettm $0x7FFFFFFF  }
tec
execute0_lowered:
.L_overlay_start_1:
0x0: {  	(tag) =	ssettag $0x1  }
0x1: {  	s1 =	rddreg [dreg:$0x0]  }
0x2: {  	s4 =	rddreg [dreg:$0x1]  }
0x3: {  	s5 =	rddreg [dreg:$0x2];
	s3 =	simm.s32 $0x0  }
0x4: {  	s23 =	simm.s32 $0x880;
	[smem:$0x7FF] =	sst s3  }
0x5: {  	s24 =	simm.s32 $0x1080;
	_ =	strace $0x8000004A;
	[dreg:$0x7] =	wrdreg s23  }
0x6: {  	s25 =	simm.s32 $0x1880;
	[dreg:$0x8] =	wrdreg s24  }
0x7: {  	s0 =	stileid.u32;
	s26 =	simm.s32 $0x2080;
	[dreg:$0x9] =	wrdreg s25  }
0x8: {  	s6 =	sshll.u32 s0, $0x5;
	s0 =	simm.s32 $0x2880;
	[dreg:$0xa] =	wrdreg s26  }
0x9: {  	s8 =	simm.s32 $0x4880;
	[dreg:$0xb] =	wrdreg s0  }
0xa: {  	s9 =	simm.s32 $0x5080;
	[dreg:$0xf] =	wrdreg s8  }
0xb: {  	s10 =	simm.s32 $0x5880;
	[dreg:$0x10] =	wrdreg s9  }
0xc: {  	s11 =	simm.s32 $0x6080;
	[dreg:$0x11] =	wrdreg s10  }
0xd: {  	s2 =	srdreg.scid;
	s12 =	simm.s32 $0x6880;
	[dreg:$0x12] =	wrdreg s11  }
0xe: {  	s13 =	simm.s32 $0x7080;
	s14 =	simm.s32 $0x7880;
	[dreg:$0x13] =	wrdreg s12  }
0xf: {  	s15 =	simm.s32 $0x8080;
	s16 =	simm.s32 $0x8880;
	[dreg:$0x14] =	wrdreg s13  }
0x10: {  	s17 =	simm.s32 $0x9080;
	s18 =	simm.s32 $0x9880;
	[dreg:$0x15] =	wrdreg s14  }
0x11: {  	s20 =	simm.s32 $0xA080;
	s28 =	simm.s32 $0x16080;
	[dreg:$0x16] =	wrdreg s15  }
0x12: {  	s29 =	simm.s32 $0x16880;
	s30 =	simm.s32 $0x17080;
	[dreg:$0x17] =	wrdreg s16  }
0x13: {  	s31 =	simm.s32 $0x17880;
	s2 =	sand.u32 $0x1, s2;
	[dreg:$0x18] =	wrdreg s17  }
0x14: {  	s5 =	sadd.s32 $0x2C00, s5;
	s7 =	sshll.u32 s2, $0x4;
	[dreg:$0x19] =	wrdreg s18  }
0x15: {  	s2 =	ssub.s32 $0x2, s2;
	[dreg:$0x1a] =	wrdreg s20;
	s23 =	simm.s32 $0xB880  }
0x16: {  	s24 =	simm.s32 $0xC880;
	s25 =	simm.s32 $0xD080;
	s8 =	simm.s32 $0x80  }
0x17: {  	s26 =	simm.s32 $0xD880;
	s9 =	simm.s32 $0x1;
	s10 =	simm.s32 $0xC080  }
0x18: {  	s12 =	simm.s32 $0xE880;
	s13 =	simm.s32 $0xF080;
	s14 =	simm.s32 $0xF880  }
0x19: {  	s15 =	simm.s32 $0x10080;
	s16 =	simm.s32 $0x10880;
	[dreg:$0x1d] =	wrdreg s23  }
0x1a: {  	s17 =	simm.s32 $0x11080;
	s18 =	simm.s32 $0x11880;
	[dreg:$0x1e] =	wrdreg s24  }
0x1b: {  	s20 =	simm.s32 $0x12880;
	s6 =	sor.u32 s7, s6;
	[dreg:$0x1f] =	wrdreg s25  }
0x1c: {  	s19 =	sshrl.u32 s2, $0x1;
	[smem:$0x7FD] =	sst s26;
	s23 =	simm.s32 $0x14080  }
0x1d: {  	s24 =	simm.s32 $0x14880;
	s25 =	simm.s32 $0x15080;
	s7 =	smul.u32 $0x1800, s6  }
0x1e: {  	s26 =	simm.s32 $0x15880;
	s4 =	sadd.s32 s6, s4;
	s6 =	smul.u32 $0x300, s6  }
0x1f: {  	s2 =	ssub.s32 s2, s19;
	s19 =	simm.s32 $0x12080;
	s4 =	sadd.s32 $0x200, s4  }
0x20: {  	s7 =	sshrl.u32 s7, $0x3;
	[dreg:$0x4] =	wrdreg s4;
	s21 =	sadd.s32 s5, s6  }
0x21: {  	s6 =	simm.s32 $0x3880;
	s4 =	sadd.s32 $0x100, s1;
	[dreg:$0x5] =	wrdreg s21  }
0x22: {  	s5 =	sadd.s32 s5, s7;
	[dreg:$0xd] =	wrdreg s6;
	s7 =	simm.s32 $0x4080  }
0x23: {  	s21 =	simm.s32 $0xA880;
	s6 =	smax.u32 s2, $0x1;
	[dreg:$0xe] =	wrdreg s7  }
0x24: {  	s2 =	simm.s32 $0x2;
	s22 =	sadd.s32 $0x1800, s5;
	[dreg:$0x1b] =	wrdreg s21  }
0x25: {  	v2 =	vlaneseq.u32;
	s5 =	simm.s32 $0x3080;
	s7 =	simm.s32 $0x3;
	[dreg:$0x6] =	wrdreg s22  }
0x26: {  	vm0 =	vmmov $0xffff;
	v1 =	vshrl.u32 v2, $0x3;
	s21 =	simm.s32 $0x13080;
	[dreg:$0xc] =	wrdreg s5;
	s22 =	simm.s32 $0xB080  }
0x27: {  	v0 =	vand.u32 $0x7, v2;
	v2 =	vor.u32 $0x8, v2;
	v1 =	vmul.u32 $0x8, v1;
	s5 =	sadd.s32 $0x200, s1;
	[dreg:$0x1c] =	wrdreg s22;
	s22 =	simm.s32 $0x13880  }
.LBB2_1:
0x28: {  	s0 =	rddreg [dreg:$0x4]  }
0x29: {  	[tilespmem:s3], [sflag:$0x3] =	stream.linear.gather [hbm4b:s0+s3], $0x80, $0x38;
	[tilespmem:$0x18080] =	vst v63  }
0x2a: {  	_ =	swait.ge [sflag:s7], $0x80  }
0x2b: {  	[sflag:s7] =	ssyncset.done $0x0  }
0x2c: {  	[sflag:s7] =	ssyncadd.s32 $0xFFFFFF80  }
0x2d: {  	v3 =	vld [tilespmem:$0x0];
	_ =	sdelay $0x4  }
0x2e: {  	v4 =	vshrl.u32 v3, $0x3  }
0x2f: {  	v4 =	vmul.u32 $0x30, v4  }
0x30: {  	v3 =	vand.u32 $0x7, v3  }
0x31: {  	v3 =	vor.u32 v3, v4  }
0x32: {  	v4 =	vperm.xlane v3, v0;
	_ =	sdelay $0x1  }
0x33: {  	v4 =	vadd.s32 v1, v4;
	_ =	sdelay $0x3  }
0x34: {  	v3 =	vperm.xlane v3, v2  }
0x35: {  	[tilespmem:s8], [sflag:$0x1] =	stream.indirect_vreg.gather [hbm4b:s1+s3], $0x80, v4, vm0, $0xb8;
	[tilespmem:$0x18080] =	vst v63  }
0x36: {  	s0 =	rddreg [dreg:$0x7];
	v3 =	vadd.s32 v1, v3  }
0x37: {  	[tilespmem:s0], [sflag:$0x1] =	stream.indirect_vreg.gather [hbm4b:s4+s3], $0x80, v4, vm0, $0xb8;
	[tilespmem:$0x18080] =	vst v63  }
0x38: {  	s11 =	rddreg [dreg:$0x8]  }
0x39: {  	[tilespmem:s11], [sflag:$0x1] =	stream.indirect_vreg.gather [hbm4b:s5+s3], $0x80, v4, vm0, $0xb8;
	[tilespmem:$0x18080] =	vst v63  }
0x3a: {  	s0 =	rddreg [dreg:$0x9]  }
0x3b: {  	[tilespmem:s0], [sflag:$0x1] =	stream.indirect_vreg.gather [hbm4b:s1+s3], $0x80, v3, vm0, $0xb8;
	[tilespmem:$0x18080] =	vst v63  }
0x3c: {  	s11 =	rddreg [dreg:$0xa]  }
0x3d: {  	[tilespmem:s11], [sflag:$0x1] =	stream.indirect_vreg.gather [hbm4b:s4+s3], $0x80, v3, vm0, $0xb8;
	[tilespmem:$0x18080] =	vst v63  }
0x3e: {  	s0 =	rddreg [dreg:$0xb]  }
0x3f: {  	[tilespmem:s0], [sflag:$0x1] =	stream.indirect_vreg.gather [hbm4b:s5+s3], $0x80, v3, vm0, $0xb8;
	[tilespmem:$0x18080] =	vst v63  }
0x40: {  	v3 =	vld [tilespmem:$0x10];
	_ =	sdelay $0x4  }
0x41: {  	v57 =	vshrl.u32 v3, $0x3  }
0x42: {  	v4 =	vmul.u32 $0x30, v57  }
0x43: {  	v3 =	vand.u32 $0x7, v3  }
0x44: {  	v3 =	vor.u32 v3, v4  }
0x45: {  	v4 =	vperm.xlane v3, v0;
	_ =	sdelay $0x1  }
0x46: {  	v4 =	vadd.s32 v1, v4;
	_ =	sdelay $0x3  }
0x47: {  	s0 =	rddreg [dreg:$0xc];
	v3 =	vperm.xlane v3, v2  }
0x48: {  	[tilespmem:s0], [sflag:$0x1] =	stream.indirect_vreg.gather [hbm4b:s1+s3], $0x80, v4, vm0, $0xb8;
	[tilespmem:$0x18080] =	vst v63  }
0x49: {  	s11 =	rddreg [dreg:$0xd];
	v3 =	vadd.s32 v1, v3  }
0x4a: {  	[tilespmem:s11], [sflag:$0x1] =	stream.indirect_vreg.gather [hbm4b:s4+s3], $0x80, v4, vm0, $0xb8;
	[tilespmem:$0x18080] =	vst v63  }
0x4b: {  	s0 =	rddreg [dreg:$0xe]  }
0x4c: {  	[tilespmem:s0], [sflag:$0x1] =	stream.indirect_vreg.gather [hbm4b:s5+s3], $0x80, v4, vm0, $0xb8;
	[tilespmem:$0x18080] =	vst v63  }
0x4d: {  	s11 =	rddreg [dreg:$0xf]  }
0x4e: {  	[tilespmem:s11], [sflag:$0x1] =	stream.indirect_vreg.gather [hbm4b:s1+s3], $0x80, v3, vm0, $0xb8;
	[tilespmem:$0x18080] =	vst v63  }
0x4f: {  	s0 =	rddreg [dreg:$0x10]  }
0x50: {  	[tilespmem:s0], [sflag:$0x1] =	stream.indirect_vreg.gather [hbm4b:s4+s3], $0x80, v3, vm0, $0xb8;
	[tilespmem:$0x18080] =	vst v63  }
0x51: {  	s11 =	rddreg [dreg:$0x11]  }
0x52: {  	[tilespmem:s11], [sflag:$0x1] =	stream.indirect_vreg.gather [hbm4b:s5+s3], $0x80, v3, vm0, $0xb8;
	[tilespmem:$0x18080] =	vst v63  }
0x53: {  	v3 =	vld [tilespmem:$0x20];
	_ =	sdelay $0x4  }
0x54: {  	v58 =	vshrl.u32 v3, $0x3  }
0x55: {  	v4 =	vmul.u32 $0x30, v58  }
0x56: {  	v3 =	vand.u32 $0x7, v3  }
0x57: {  	v3 =	vor.u32 v3, v4  }
0x58: {  	v4 =	vperm.xlane v3, v0;
	_ =	sdelay $0x1  }
0x59: {  	v4 =	vadd.s32 v1, v4;
	_ =	sdelay $0x3  }
0x5a: {  	s0 =	rddreg [dreg:$0x12];
	v3 =	vperm.xlane v3, v2  }
0x5b: {  	[tilespmem:s0], [sflag:$0x1] =	stream.indirect_vreg.gather [hbm4b:s1+s3], $0x80, v4, vm0, $0xb8;
	[tilespmem:$0x18080] =	vst v63  }
0x5c: {  	s11 =	rddreg [dreg:$0x13];
	v3 =	vadd.s32 v1, v3  }
0x5d: {  	[tilespmem:s11], [sflag:$0x1] =	stream.indirect_vreg.gather [hbm4b:s4+s3], $0x80, v4, vm0, $0xb8;
	[tilespmem:$0x18080] =	vst v63  }
0x5e: {  	s0 =	rddreg [dreg:$0x14]  }
0x5f: {  	[tilespmem:s0], [sflag:$0x1] =	stream.indirect_vreg.gather [hbm4b:s5+s3], $0x80, v4, vm0, $0xb8;
	[tilespmem:$0x18080] =	vst v63  }
0x60: {  	s11 =	rddreg [dreg:$0x15]  }
0x61: {  	[tilespmem:s11], [sflag:$0x1] =	stream.indirect_vreg.gather [hbm4b:s1+s3], $0x80, v3, vm0, $0xb8;
	[tilespmem:$0x18080] =	vst v63  }
0x62: {  	s0 =	rddreg [dreg:$0x16]  }
0x63: {  	[tilespmem:s0], [sflag:$0x1] =	stream.indirect_vreg.gather [hbm4b:s4+s3], $0x80, v3, vm0, $0xb8;
	[tilespmem:$0x18080] =	vst v63  }
0x64: {  	s11 =	rddreg [dreg:$0x17]  }
0x65: {  	[tilespmem:s11], [sflag:$0x1] =	stream.indirect_vreg.gather [hbm4b:s5+s3], $0x80, v3, vm0, $0xb8;
	[tilespmem:$0x18080] =	vst v63  }
0x66: {  	v3 =	vld [tilespmem:$0x30];
	_ =	sdelay $0x4  }
0x67: {  	v59 =	vshrl.u32 v3, $0x3  }
0x68: {  	v4 =	vmul.u32 $0x30, v59  }
0x69: {  	v3 =	vand.u32 $0x7, v3  }
0x6a: {  	v3 =	vor.u32 v3, v4  }
0x6b: {  	v4 =	vperm.xlane v3, v0;
	_ =	sdelay $0x1  }
0x6c: {  	v4 =	vadd.s32 v1, v4;
	_ =	sdelay $0x3  }
0x6d: {  	s0 =	rddreg [dreg:$0x18];
	v3 =	vperm.xlane v3, v2  }
0x6e: {  	[tilespmem:s0], [sflag:$0x1] =	stream.indirect_vreg.gather [hbm4b:s1+s3], $0x80, v4, vm0, $0xb8;
	[tilespmem:$0x18080] =	vst v63  }
0x6f: {  	s11 =	rddreg [dreg:$0x19];
	v3 =	vadd.s32 v1, v3  }
0x70: {  	[tilespmem:s11], [sflag:$0x1] =	stream.indirect_vreg.gather [hbm4b:s4+s3], $0x80, v4, vm0, $0xb8;
	[tilespmem:$0x18080] =	vst v63  }
0x71: {  	s0 =	rddreg [dreg:$0x1a]  }
0x72: {  	[tilespmem:s0], [sflag:$0x1] =	stream.indirect_vreg.gather [hbm4b:s5+s3], $0x80, v4, vm0, $0xb8;
	[tilespmem:$0x18080] =	vst v63  }
0x73: {  	s11 =	rddreg [dreg:$0x1b]  }
0x74: {  	[tilespmem:s11], [sflag:$0x1] =	stream.indirect_vreg.gather [hbm4b:s1+s3], $0x80, v3, vm0, $0xb8;
	[tilespmem:$0x18080] =	vst v63  }
0x75: {  	s0 =	rddreg [dreg:$0x1c]  }
0x76: {  	[tilespmem:s0], [sflag:$0x1] =	stream.indirect_vreg.gather [hbm4b:s4+s3], $0x80, v3, vm0, $0xb8;
	[tilespmem:$0x18080] =	vst v63  }
0x77: {  	s11 =	rddreg [dreg:$0x1d]  }
0x78: {  	[tilespmem:s11], [sflag:$0x1] =	stream.indirect_vreg.gather [hbm4b:s5+s3], $0x80, v3, vm0, $0xb8;
	[tilespmem:$0x18080] =	vst v63  }
0x79: {  	_ =	swait.ge [sflag:s9], $0xC000  }
0x7a: {  	[sflag:s9] =	ssyncset.done $0x0  }
0x7b: {  	[sflag:s9] =	ssyncadd.s32 $0xFFFF4000  }
0x7c: {  	v3 =	vld [tilespmem:$0x40];
	_ =	sdelay $0x4  }
0x7d: {  	v60 =	vshrl.u32 v3, $0x3  }
0x7e: {  	v4 =	vmul.u32 $0x30, v60  }
0x7f: {  	v3 =	vand.u32 $0x7, v3  }
0x80: {  	v3 =	vor.u32 v3, v4  }
0x81: {  	v4 =	vperm.xlane v3, v0;
	_ =	sdelay $0x1  }
0x82: {  	v4 =	vadd.s32 v1, v4;
	_ =	sdelay $0x3  }
0x83: {  	s0 =	rddreg [dreg:$0x1e];
	v3 =	vperm.xlane v3, v2  }
0x84: {  	[tilespmem:s10], [sflag:$0x2] =	stream.indirect_vreg.gather [hbm4b:s1+s3], $0x80, v4, vm0, $0xb8;
	[tilespmem:$0x18080] =	vst v63  }
0x85: {  	s11 =	rddreg [dreg:$0x1f];
	v3 =	vadd.s32 v1, v3  }
0x86: {  	[tilespmem:s0], [sflag:$0x2] =	stream.indirect_vreg.gather [hbm4b:s4+s3], $0x80, v4, vm0, $0xb8;
	[tilespmem:$0x18080] =	vst v63  }
0x87: {  	s0 =	sld [smem:$0x7FD]  }
0x88: {  	[tilespmem:s11], [sflag:$0x2] =	stream.indirect_vreg.gather [hbm4b:s5+s3], $0x80, v4, vm0, $0xb8;
	[tilespmem:$0x18080] =	vst v63  }
0x89: {  	_ = 	snop  }
0x8a: {  	[tilespmem:s0], [sflag:$0x2] =	stream.indirect_vreg.gather [hbm4b:s1+s3], $0x80, v3, vm0, $0xb8;
	[tilespmem:$0x18080] =	vst v63  }
0x8b: {  	s11 =	simm.s32 $0xE080  }
0x8c: {  	[tilespmem:s11], [sflag:$0x2] =	stream.indirect_vreg.gather [hbm4b:s4+s3], $0x80, v3, vm0, $0xb8;
	[tilespmem:$0x18080] =	vst v63  }
0x8d: {  	_ = 	snop  }
0x8e: {  	[tilespmem:s12], [sflag:$0x2] =	stream.indirect_vreg.gather [hbm4b:s5+s3], $0x80, v3, vm0, $0xb8;
	[tilespmem:$0x18080] =	vst v63  }
0x8f: {  	v3 =	vld [tilespmem:$0x50];
	_ =	sdelay $0x4  }
0x90: {  	v61 =	vshrl.u32 v3, $0x3  }
0x91: {  	v4 =	vmul.u32 $0x30, v61  }
0x92: {  	v3 =	vand.u32 $0x7, v3  }
0x93: {  	v3 =	vor.u32 v3, v4  }
0x94: {  	v4 =	vperm.xlane v3, v0;
	_ =	sdelay $0x1  }
0x95: {  	v4 =	vadd.s32 v1, v4;
	_ =	sdelay $0x3  }
0x96: {  	v3 =	vperm.xlane v3, v2  }
0x97: {  	[tilespmem:s13], [sflag:$0x2] =	stream.indirect_vreg.gather [hbm4b:s1+s3], $0x80, v4, vm0, $0xb8;
	[tilespmem:$0x18080] =	vst v63  }
0x98: {  	v3 =	vadd.s32 v1, v3  }
0x99: {  	[tilespmem:s14], [sflag:$0x2] =	stream.indirect_vreg.gather [hbm4b:s4+s3], $0x80, v4, vm0, $0xb8;
	[tilespmem:$0x18080] =	vst v63  }
0x9a: {  	_ = 	snop  }
0x9b: {  	[tilespmem:s15], [sflag:$0x2] =	stream.indirect_vreg.gather [hbm4b:s5+s3], $0x80, v4, vm0, $0xb8;
	[tilespmem:$0x18080] =	vst v63  }
0x9c: {  	_ = 	snop  }
0x9d: {  	[tilespmem:s16], [sflag:$0x2] =	stream.indirect_vreg.gather [hbm4b:s1+s3], $0x80, v3, vm0, $0xb8;
	[tilespmem:$0x18080] =	vst v63  }
0x9e: {  	_ = 	snop  }
0x9f: {  	[tilespmem:s17], [sflag:$0x2] =	stream.indirect_vreg.gather [hbm4b:s4+s3], $0x80, v3, vm0, $0xb8;
	[tilespmem:$0x18080] =	vst v63  }
0xa0: {  	_ = 	snop  }
0xa1: {  	[tilespmem:s18], [sflag:$0x2] =	stream.indirect_vreg.gather [hbm4b:s5+s3], $0x80, v3, vm0, $0xb8;
	[tilespmem:$0x18080] =	vst v63  }
0xa2: {  	v3 =	vld [tilespmem:$0x60];
	_ =	sdelay $0x4  }
0xa3: {  	v62 =	vshrl.u32 v3, $0x3  }
0xa4: {  	v4 =	vmul.u32 $0x30, v62  }
0xa5: {  	v3 =	vand.u32 $0x7, v3  }
0xa6: {  	v3 =	vor.u32 v3, v4  }
0xa7: {  	v4 =	vperm.xlane v3, v0;
	_ =	sdelay $0x1  }
0xa8: {  	v4 =	vadd.s32 v1, v4;
	_ =	sdelay $0x3  }
0xa9: {  	v3 =	vperm.xlane v3, v2  }
0xaa: {  	[tilespmem:s19], [sflag:$0x2] =	stream.indirect_vreg.gather [hbm4b:s1+s3], $0x80, v4, vm0, $0xb8;
	[tilespmem:$0x18080] =	vst v63  }
0xab: {  	v3 =	vadd.s32 v1, v3  }
0xac: {  	[tilespmem:s20], [sflag:$0x2] =	stream.indirect_vreg.gather [hbm4b:s4+s3], $0x80, v4, vm0, $0xb8;
	[tilespmem:$0x18080] =	vst v63  }
0xad: {  	_ = 	snop  }
0xae: {  	[tilespmem:s21], [sflag:$0x2] =	stream.indirect_vreg.gather [hbm4b:s5+s3], $0x80, v4, vm0, $0xb8;
	[tilespmem:$0x18080] =	vst v63  }
0xaf: {  	_ = 	snop  }
0xb0: {  	[tilespmem:s22], [sflag:$0x2] =	stream.indirect_vreg.gather [hbm4b:s1+s3], $0x80, v3, vm0, $0xb8;
	[tilespmem:$0x18080] =	vst v63  }
0xb1: {  	_ = 	snop  }
0xb2: {  	[tilespmem:s23], [sflag:$0x2] =	stream.indirect_vreg.gather [hbm4b:s4+s3], $0x80, v3, vm0, $0xb8;
	[tilespmem:$0x18080] =	vst v63  }
0xb3: {  	_ = 	snop  }
0xb4: {  	[tilespmem:s24], [sflag:$0x2] =	stream.indirect_vreg.gather [hbm4b:s5+s3], $0x80, v3, vm0, $0xb8;
	[tilespmem:$0x18080] =	vst v63  }
0xb5: {  	v3 =	vld [tilespmem:$0x70];
	_ =	sdelay $0x4  }
0xb6: {  	v63 =	vshrl.u32 v3, $0x3  }
0xb7: {  	v4 =	vmul.u32 $0x30, v63  }
0xb8: {  	v3 =	vand.u32 $0x7, v3  }
0xb9: {  	v3 =	vor.u32 v3, v4  }
0xba: {  	v4 =	vperm.xlane v3, v0;
	_ =	sdelay $0x1  }
0xbb: {  	v4 =	vadd.s32 v1, v4;
	_ =	sdelay $0x3  }
0xbc: {  	v3 =	vperm.xlane v3, v2  }
0xbd: {  	[tilespmem:s25], [sflag:$0x2] =	stream.indirect_vreg.gather [hbm4b:s1+s3], $0x80, v4, vm0, $0xb8;
	[tilespmem:$0x18080] =	vst v63  }
0xbe: {  	v3 =	vadd.s32 v1, v3  }
0xbf: {  	[tilespmem:s26], [sflag:$0x2] =	stream.indirect_vreg.gather [hbm4b:s4+s3], $0x80, v4, vm0, $0xb8;
	[tilespmem:$0x18080] =	vst v63  }
0xc0: {  	_ = 	snop  }
0xc1: {  	[tilespmem:s28], [sflag:$0x2] =	stream.indirect_vreg.gather [hbm4b:s5+s3], $0x80, v4, vm0, $0xb8;
	[tilespmem:$0x18080] =	vst v63  }
0xc2: {  	_ = 	snop  }
0xc3: {  	[tilespmem:s29], [sflag:$0x2] =	stream.indirect_vreg.gather [hbm4b:s1+s3], $0x80, v3, vm0, $0xb8;
	[tilespmem:$0x18080] =	vst v63  }
0xc4: {  	_ = 	snop  }
0xc5: {  	[tilespmem:s30], [sflag:$0x2] =	stream.indirect_vreg.gather [hbm4b:s4+s3], $0x80, v3, vm0, $0xb8;
	[tilespmem:$0x18080] =	vst v63  }
0xc6: {  	_ = 	snop  }
0xc7: {  	[tilespmem:s31], [sflag:$0x2] =	stream.indirect_vreg.gather [hbm4b:s5+s3], $0x80, v3, vm0, $0xb8;
	[tilespmem:$0x18080] =	vst v63  }
0xc8: {  	s11 =	rddreg [dreg:$0x5]  }
0xc9: {  	[hbm4b:s11+s3] =	stream.linear.scatter [tilespmem:s8], [sflag:$0x3], $0xC000, $0x38;
	[tilespmem:$0x18080] =	vst v63  }
0xca: {  	_ =	swait.ge [sflag:s7], $0xC000  }
0xcb: {  	[sflag:s7] =	ssyncset.done $0x0  }
0xcc: {  	[sflag:s7] =	ssyncadd.s32 $0xFFFF4000  }
0xcd: {  	_ =	swait.ge [sflag:s2], $0xC000  }
0xce: {  	p0 =	sne.s32 s6, $0x1;
	[sflag:s2] =	ssyncset.done $0x0  }
.Ltmp0:
0xcf: {  	s11 =	rddreg [dreg:$0x6];
	[sflag:s2] =	ssyncadd.s32 $0xFFFF4000;
	(pc) =	sbr.rel @p0 .LBB2_1-.Ltmp0, $4  }
0xd0: {  	[hbm4b:s11+s3] =	stream.linear.scatter [tilespmem:s10], [sflag:$0x3], $0xC000, $0x38;
	[tilespmem:$0x18080] =	vst v63  }
0xd1: {  	_ =	swait.ge [sflag:s7], $0xC000  }
0xd2: {  	[sflag:s7] =	ssyncset.done $0x0  }
0xd3: {  	s6 =	sadd.s32 $0xFFFFFFFF, s6;
	[sflag:s7] =	ssyncadd.s32 $0xFFFF4000  }
0xd4: {  	_ =	sfence.sel $0x180000  }
0xd5: {  	[bflag:$0x0] =	sbarrier.arrive $0xFFFF  }
0xd6: {  	_ =	strace $0x9000004A  }
0xd7: {  	s0 =	stileid.u32;
	[bflag:$0x2] =	sbarrier.arrive $0xFFFF  }
0xd8: {  	p0 =	sne.s32 s0, $0x0;
	s0 =	rddreg [dreg:$0x3]  }
0xd9: {  	s0 =	sadd.s32 @!p0 $0x100000, s0  }
0xda: {  	[sflag:s0] =	ssyncadd.tile.s32 @!p0 $0x1;
	_ =	shalt  }
.Lfunc_end2:
_tile_overlayer_lowered:
.L_overlay_start_2:
0xdb: {  	(tag) =	ssettag $0x2  }
0xdc: {  	s0 =	rddreg [dreg:$0x0];
	s2 =	stileid.u32  }
0xdd: {  	s1 =	rddreg [dreg:$0x1];
	p0 =	sne.s32 s2, $0x0  }
0xde: {  	s3 =	rddreg [dreg:$0x2];
	[bflag:$0x3] =	sbarrier.arrive $0xFFFF;
	s2 =	simm.s32 @!p0 $0x1C03  }
0xdf: {  	[timem:s3], [sflag:s2] =	dma.local @!p0 [hbm:s0], s1  }
0xe0: {  	s0 =	simm.s32 @!p0 $0x3  }
0xe1: {  	_ =	swait.ge @!p0 [sflag:s0], s1  }
0xe2: {  	s1 =	ssub.s32 @!p0 $0x0, s1;
	[sflag:s0] =	ssyncset.done @!p0 $0x0  }
0xe3: {  	[sflag:s0] =	ssyncadd.s32 @!p0 s1  }
0xe4: {  	[bflag:$0x3] =	sbarrier.arrive $0xFFFF  }
0xe5: {  	_ =	shalt  }

// kernel: kernel.16.cloned.1.call-start
scs
__scs_entry_jumppad:
0x0: {  	(pc) =	sbr.rel $0x88, $3  }
0x1: {  	(tag) =	ssettag $0x0;
	lr =	simm.s32 $0x1  }
0x2: {  	[smem:$0x3F99] =	sst lr;
	_ =	strace $0xD0000000  }
0x3: {  	_ = 	snop  }
0x4: {  	_ = 	snop  }
0x5: {  	_ = 	snop  }
0x6: {  	_ = 	snop  }
0x7: {  	_ = 	snop  }
__scs_overlays_trampoline_lowered:
0x8: {  	[smem:$0x3FA8] =	sst s0  }
0x9: {  	[smem:$0x3FA9] =	sst s1  }
0xa: {  	[smem:$0x3FAA] =	sst s2  }
0xb: {  	[smem:$0x3FAB] =	sst s3  }
0xc: {  	[smem:$0x3FAC] =	sst s4  }
0xd: {  	[smem:$0x3FAD] =	sst s5  }
0xe: {  	[smem:$0x3FAE] =	sst s6  }
0xf: {  	[smem:$0x3FAF] =	sst s7  }
0x10: {  	[smem:$0x3FB0] =	sst s8  }
0x11: {  	[smem:$0x3FB1] =	sst s9;
	s0 =	simm.s32 @!p0 $0x0  }
0x12: {  	s1 =	sld [smem:$0x3F97];
	s0 =	simm.s32 @p0 $0x1  }
0x13: {  	[smem:$0x3FB2] =	sst s0;
	s0 =	simm.s32 @!p1 $0x0  }
0x14: {  	s2 =	sld [smem:$0x3F96];
	s0 =	simm.s32 @p1 $0x1  }
0x15: {  	[smem:$0x3FB3] =	sst s0;
	s0 =	simm.s32 @!p2 $0x0  }
0x16: {  	s3 =	sld [smem:$0x3FDB];
	s0 =	simm.s32 @p2 $0x1  }
0x17: {  	s4 =	simm.s32 $0x1BF5;
	[smem:$0x3FB5] =	sst s0  }
0x18: {  	s0 =	sld [smem:$0x3F98];
	_ =	swait.ge [sflag:s4], $0x0  }
0x19: {  	s7 =	sld [smem:$0x3F99]  }
0x1a: {  	s8 =	sadd.s32 $0xFFFFE003, lr  }
0x1b: {  	s9 =	sadd.s32 $0xFFFFFEF7, lr;
	s5 =	simm.s32 $0xFFFFFFFF;
	p2 =	slt.u32 s8, $0xFFFFF086  }
0x1c: {  	p1 =	slt.u32 s9, $0xF7A;
	s5 =	simm.s32 @!p2 $0x0  }
0x1d: {  	s5 =	simm.s32 @p1 $0x1;
	p0 =	seq.s32 s7, s2  }
0x1e: {  	s7 =	smul.u32 @!p0 $0xF7A, s2;
	p2 =	seq.s32 @!p0 s5, $0x0  }
0x1f: {  	s9 =	smul.u32 $0xF7A, s1;
	s8 =	simm.s32 @!p0 $0x1BF5;
	p2 =	por !p2, p0  }
0x20: {  	[sflag:s8] =	ssyncset.s32 @!p0 $0xFFFFF086;
	s6 =	sadd.s32 @!p0 s3, s7;
	s7 =	simm.s32 @!p0 $0x108  }
0x21: {  	s3 =	sadd.s32 s3, s9;
	s6 =	sadd.s32 @!p0 $0x88, s6;
	s7 =	simm.s32 @p2 $0x1082  }
0x22: {  	[simem:s7], [sflag:s8] =	dma.local @!p0 [hbm:s6], $0xF7A  }
0x23: {  	s9 =	sor.u32 $0xD0000000, s2;
	s6 =	simm.s32 $0x108;
	_ =	swait.ge @!p0 [sflag:s8], $0x0  }
0x24: {  	s3 =	sadd.s32 $0x88, s3;
	s6 =	simm.s32 @!p1 $0x1082;
	[sflag:s4] =	ssyncset.s32 $0xFFFFF086  }
0x25: {  	[simem:s6], [sflag:s4] =	dma.local [hbm:s3], $0xF7A  }
0x26: {  	[smem:$0x3F99] =	sst s1;
	(tag) =	ssettag s2;
	_ =	strace s9  }
0x27: {  	s1 =	sld [smem:$0x3FA9]  }
0x28: {  	s2 =	sld [smem:$0x3FAA]  }
0x29: {  	s4 =	sld [smem:$0x3FAC]  }
0x2a: {  	p0 =	seq.s32 s5, $0x0;
	s5 =	sld [smem:$0x3FAD]  }
0x2b: {  	s6 =	sld [smem:$0x3FAE]  }
0x2c: {  	s7 =	sld [smem:$0x3FAF]  }
0x2d: {  	s3 =	simm.s32 $0x108;
	s8 =	sld [smem:$0x3FB0]  }
0x2e: {  	s3 =	simm.s32 @!p0 $0x1082;
	s9 =	sld [smem:$0x3FB1]  }
0x2f: {  	lr =	sadd.s32 s0, s3;
	s0 =	sld [smem:$0x3FA8]  }
0x30: {  	s3 =	sld [smem:$0x3FAB]  }
0x31: {  	[smem:$0x3FB4] =	sst s10  }
0x32: {  	s10 =	sld [smem:$0x3FB2];
	_ =	sdelay $0x3  }
0x33: {  	p0 =	seq.s32 s10, $0x1;
	s10 =	sld [smem:$0x3FB4];
	_ =	sdelay $0x3  }
0x34: {  	[smem:$0x3FB4] =	sst s10  }
0x35: {  	s10 =	sld [smem:$0x3FB3];
	_ =	sdelay $0x3  }
0x36: {  	p1 =	seq.s32 s10, $0x1;
	s10 =	sld [smem:$0x3FB4];
	_ =	sdelay $0x3  }
0x37: {  	[smem:$0x3FB4] =	sst s10  }
0x38: {  	s10 =	sld [smem:$0x3FB5]  }
0x39: {  	_ = 	snop;
	(pc) =	sbr.ind lr, $3  }
0x3a: {  	_ = 	snop  }
0x3b: {  	_ = 	snop  }
0x3c: {  	p2 =	seq.s32 s10, $0x1;
	s10 =	sld [smem:$0x3FB4]  }
0x3d: {  	_ =	shalt  }
0x3e: {  	_ =	shalt  }
0x3f: {  	_ =	shalt  }
0x40: {  	_ =	shalt  }
0x41: {  	_ =	shalt  }
0x42: {  	_ =	shalt  }
0x43: {  	_ =	shalt  }
0x44: {  	_ =	shalt  }
0x45: {  	_ =	shalt  }
0x46: {  	_ =	shalt  }
0x47: {  	_ =	shalt  }
0x48: {  	_ =	shalt  }
0x49: {  	_ =	shalt  }
0x4a: {  	_ =	shalt  }
0x4b: {  	_ =	shalt  }
0x4c: {  	_ =	shalt  }
0x4d: {  	_ =	shalt  }
0x4e: {  	_ =	shalt  }
0x4f: {  	_ =	shalt  }
0x50: {  	_ =	shalt  }
0x51: {  	_ =	shalt  }
0x52: {  	_ =	shalt  }
0x53: {  	_ =	shalt  }
0x54: {  	_ =	shalt  }
0x55: {  	_ =	shalt  }
0x56: {  	_ =	shalt  }
0x57: {  	_ =	shalt  }
0x58: {  	_ =	shalt  }
0x59: {  	_ =	shalt  }
0x5a: {  	_ =	shalt  }
0x5b: {  	_ =	shalt  }
0x5c: {  	_ =	shalt  }
0x5d: {  	_ =	shalt  }
0x5e: {  	_ =	shalt  }
0x5f: {  	_ =	shalt  }
0x60: {  	_ =	shalt  }
0x61: {  	_ =	shalt  }
0x62: {  	_ =	shalt  }
0x63: {  	_ =	shalt  }
0x64: {  	_ =	shalt  }
0x65: {  	_ =	shalt  }
0x66: {  	_ =	shalt  }
0x67: {  	_ =	shalt  }
0x68: {  	_ =	shalt  }
0x69: {  	_ =	shalt  }
0x6a: {  	_ =	shalt  }
0x6b: {  	_ =	shalt  }
0x6c: {  	_ =	shalt  }
0x6d: {  	_ =	shalt  }
0x6e: {  	_ =	shalt  }
0x6f: {  	_ =	shalt  }
0x70: {  	_ =	shalt  }
0x71: {  	_ =	shalt  }
0x72: {  	_ =	shalt  }
0x73: {  	_ =	shalt  }
0x74: {  	_ =	shalt  }
0x75: {  	_ =	shalt  }
0x76: {  	_ =	shalt  }
0x77: {  	_ =	shalt  }
0x78: {  	_ =	shalt  }
0x79: {  	_ =	shalt  }
0x7a: {  	_ =	shalt  }
0x7b: {  	_ =	shalt  }
0x7c: {  	_ =	shalt  }
0x7d: {  	_ =	shalt  }
0x7e: {  	_ =	shalt  }
0x7f: {  	_ =	shalt  }
0x80: {  	_ =	shalt  }
0x81: {  	_ =	shalt  }
0x82: {  	_ =	shalt  }
0x83: {  	_ =	shalt  }
0x84: {  	_ =	shalt  }
0x85: {  	_ =	shalt  }
0x86: {  	_ =	shalt  }
0x87: {  	_ =	shalt  }
.Lfunc_end0:
.L_simem_size_0:
called_computation.2_lowered:
.L_overlay_start_0:
0x88: {  	s2 =	sld [smem:$0x3FD9]  }
0x89: {  	s3 =	sld [smem:$0x3FFE];
	_ =	sdelay $0x1  }
0x8a: {  	s1 =	srdreg.scid  }
0x8b: {  	s0 =	sand.u32 $0x1, s1  }
0x8c: {  	s17 =	sshll.u32 s0, $0xA;
	s2 =	sadd.s32 s3, s2  }
0x8d: {  	s2 =	sadd.s32 s2, s17  }
0x8e: {  	[smem:$0x3FC0] =	sst s2  }
0x8f: {  	_ = 	snop  }
0x90: {  	s18 =	sld [smem:$0x3FC9]  }
0x91: {  	s4 =	sld [smem:$0x3FC7];
	(tm) =	ssettm $0x1  }
0x92: {  	s19 =	sld [smem:$0x3FFB];
	_ =	sdelay $0x3  }
0x93: {  	_ =	strace s19  }
0x94: {  	s2 =	sld [smem:$0x3FFC];
	_ =	sdelay $0x3  }
0x95: {  	_ =	strace s2  }
0x96: {  	s2 =	sld [smem:$0x3FFD];
	_ =	sdelay $0x3  }
0x97: {  	_ =	strace s2  }
0x98: {  	_ =	strace $0x8FFFFFFF  }
0x99: {  	s20 =	sld [smem:$0x3FDB];
	_ =	sdelay $0x1  }
0x9a: {  	s5 =	simm.s32 $_scs_section_size  }
0x9b: {  	s6 =	simm.s32 $_size__tile_overlayer_lowered;
	s7 =	simm.s32 $_tile_overlayer_lowered  }
0x9c: {  	s8 =	simm.s32 $0x1BFF;
	s21 =	sshll.u32 s7, $0x1;
	s5 =	sadd.s32 s5, s20  }
0x9d: {  	s22 =	simm.s32 $0x0;
	s6 =	sshll.u32 s6, $0x1;
	s7 =	sadd.s32 s21, s5  }
0x9e: {  	[timem:s22], [sflag:s8] =	dma.local [hbm:s7], s6  }
0x9f: {  	_ =	swait.ge [sflag:s8], s6  }
0xa0: {  	s6 =	ssub.s32 $0x0, s6;
	[sflag:s8] =	ssyncset.done $0x0  }
0xa1: {  	[sflag:s8] =	ssyncadd.s32 s6;
	_ =	sdelay $0x1  }
0xa2: {  	s23 =	simm.s32 $0x1B8B  }
0xa3: {  	_ =	swait.ge [sflag:s23], $0x1  }
0xa4: {  	[sflag:s23] =	ssyncset.done $0x0  }
0xa5: {  	[sflag:s23] =	ssyncadd.s32 $0xFFFFFFFF  }
0xa6: {  	s6 =	sld [smem:$0x0]  }
0xa7: {  	s7 =	sand.u32 $0xFFFFFFFE, s1  }
0xa8: {  	p0 =	sne.s32 s1, s7  }
0xa9: {  	s7 =	sshll.u32 @p0 s7, $0xE  }
0xaa: {  	s7 =	sadd.s32 @p0 $0x11B8D, s7;
	s8 =	sshll.u32 @p0 s6, $0x11  }
0xab: {  	s7 =	sor.u32 @p0 s8, s7  }
0xac: {  	[sflag:s7] =	ssyncadd.remote.s32 @p0 $0x1;
	_ =	sdelay $0x1  }
0xad: {  	s7 =	simm.s32 @p0 $0x1B8D  }
0xae: {  	_ =	swait.eq @p0 [sflag:s7], $0x1  }
0xaf: {  	[sflag:s7] =	ssyncadd.s32 @p0 $0xFFFFFFFF  }
0xb0: {  	s8 =	sshll.u32 @!p0 s1, $0xE  }
0xb1: {  	s8 =	sor.u32 @!p0 $0x4000, s8;
	s7 =	simm.s32 @!p0 $0x1B8D  }
0xb2: {  	s6 =	sshll.u32 @!p0 s6, $0x11;
	s8 =	sadd.s32 @!p0 $0x11B8D, s8;
	_ =	swait.eq @!p0 [sflag:s7], $0x1  }
0xb3: {  	s6 =	sor.u32 @!p0 s6, s8;
	[sflag:s7] =	ssyncadd.s32 @!p0 $0xFFFFFFFF  }
0xb4: {  	s25 =	simm.s32 $0x1B8E;
	s24 =	sld [smem:$0x3FFE];
	[sflag:s6] =	ssyncadd.remote.s32 @!p0 $0x1  }
0xb5: {  	s26 =	simm.s32 $execute0_lowered;
	[smem:$0x3FD2] =	sst s25  }
0xb6: {  	s7 =	sshll.u32 s26, $0x1;
	_ =	strace $0x8000004C;
	[dreg:$0x1] =	wrdreg $0xFFFFFFFF  }
0xb7: {  	s28 =	simm.s32 $_size_execute0_lowered;
	s5 =	sadd.s32 s5, s7;
	[dreg:$0x0] =	wrdreg $0x0  }
0xb8: {  	s7 =	sshll.u32 s28, $0x1;
	[dreg:$0x2] =	wrdreg s5  }
0xb9: {  	[dreg:$0x3] =	wrdreg s7  }
0xba: {  	[dreg:$0x4] =	wrdreg $0xC0  }
0xbb: {  	_ =	task [dreg:s22], $0x5FFFF  }
0xbc: {  	[dreg:$0x1] =	wrdreg $0xFFFFFFFF  }
0xbd: {  	[dreg:$0x0] =	wrdreg $0x60  }
0xbe: {  	[dreg:$0x2] =	wrdreg s4  }
0xbf: {  	[dreg:$0x3] =	wrdreg s18  }
0xc0: {  	[dreg:$0x4] =	wrdreg s24  }
0xc1: {  	[dreg:$0x5] =	wrdreg $0xB  }
0xc2: {  	_ =	task.clear_ibuf [dreg:s22], $0x6FFFF;
	_ =	strace $0x9000004C  }
0xc3: {  	s29 =	simm.s32 $0xB;
	_ =	strace $0x8000004E  }
0xc4: {  	_ =	swait.ge [sflag:s29], $0x1  }
0xc5: {  	[sflag:s29] =	ssyncadd.s32 $0xFFFFFFFF  }
0xc6: {  	_ =	strace $0x9000004E  }
0xc7: {  	_ =	sfence  }
0xc8: {  	s30 =	sld [smem:$0x0];
	_ =	sdelay $0x2  }
0xc9: {  	s31 =	sshll.u32 s1, $0xD;
	s1 =	sshrl.u32 s1, $0x2  }
0xca: {  	s4 =	sand.u32 $0x4000, s31;
	s1 =	sadd.s32 s1, s30  }
0xcb: {  	s0 =	sor.u32 s4, s0;
	s1 =	sshll.u32 s1, $0x11  }
0xcc: {  	s0 =	sor.u32 s1, s0  }
0xcd: {  	s0 =	sadd.s32 $0x8F2B, s0  }
0xce: {  	[sflag:s0] =	ssyncadd.remote.s32 $0x1  }
0xcf: {  	_ =	sfence.sel $0xFFFF  }
0xd0: {  	[dreg:$0x0] =	wrdreg $0xFFFFFFFF;
	(pc) =	sbr.abs _section_cstart, $3  }
0xd1: {  	[dreg:$0x1] =	wrdreg $0xFFFFFFFF  }
0xd2: {  	_ =	task.clear_ibuf [dreg:s22], $0x2FFFF;
	_ =	strace $0x9FFFFFFF  }
0xd3: {  	(tm) =	ssettm $0x7FFFFFFF  }
tec
execute0_lowered:
.L_overlay_start_1:
0x0: {  	(tag) =	ssettag $0x1  }
0x1: {  	s1 =	rddreg [dreg:$0x0]  }
0x2: {  	s4 =	rddreg [dreg:$0x1]  }
0x3: {  	s5 =	rddreg [dreg:$0x2];
	s3 =	simm.s32 $0x0  }
0x4: {  	s23 =	simm.s32 $0x880;
	[smem:$0x7FF] =	sst s3  }
0x5: {  	s24 =	simm.s32 $0x1080;
	_ =	strace $0x8000004D;
	[dreg:$0x7] =	wrdreg s23  }
0x6: {  	s25 =	simm.s32 $0x1880;
	[dreg:$0x8] =	wrdreg s24  }
0x7: {  	s0 =	stileid.u32;
	s26 =	simm.s32 $0x2080;
	[dreg:$0x9] =	wrdreg s25  }
0x8: {  	s6 =	sshll.u32 s0, $0x5;
	s0 =	simm.s32 $0x2880;
	[dreg:$0xa] =	wrdreg s26  }
0x9: {  	s8 =	simm.s32 $0x4880;
	[dreg:$0xb] =	wrdreg s0  }
0xa: {  	s9 =	simm.s32 $0x5080;
	[dreg:$0xf] =	wrdreg s8  }
0xb: {  	s10 =	simm.s32 $0x5880;
	[dreg:$0x10] =	wrdreg s9  }
0xc: {  	s11 =	simm.s32 $0x6080;
	[dreg:$0x11] =	wrdreg s10  }
0xd: {  	s2 =	srdreg.scid;
	s12 =	simm.s32 $0x6880;
	[dreg:$0x12] =	wrdreg s11  }
0xe: {  	s13 =	simm.s32 $0x7080;
	s14 =	simm.s32 $0x7880;
	[dreg:$0x13] =	wrdreg s12  }
0xf: {  	s15 =	simm.s32 $0x8080;
	s16 =	simm.s32 $0x8880;
	[dreg:$0x14] =	wrdreg s13  }
0x10: {  	s17 =	simm.s32 $0x9080;
	s18 =	simm.s32 $0x9880;
	[dreg:$0x15] =	wrdreg s14  }
0x11: {  	s20 =	simm.s32 $0xA080;
	s28 =	simm.s32 $0x16080;
	[dreg:$0x16] =	wrdreg s15  }
0x12: {  	s29 =	simm.s32 $0x16880;
	s30 =	simm.s32 $0x17080;
	[dreg:$0x17] =	wrdreg s16  }
0x13: {  	s31 =	simm.s32 $0x17880;
	s2 =	sand.u32 $0x1, s2;
	[dreg:$0x18] =	wrdreg s17  }
0x14: {  	s5 =	sadd.s32 $0x62C00, s5;
	s7 =	sshll.u32 s2, $0x4;
	[dreg:$0x19] =	wrdreg s18  }
0x15: {  	s2 =	ssub.s32 $0x2, s2;
	[dreg:$0x1a] =	wrdreg s20;
	s23 =	simm.s32 $0xB880  }
0x16: {  	s24 =	simm.s32 $0xC880;
	s25 =	simm.s32 $0xD080;
	s8 =	simm.s32 $0x80  }
0x17: {  	s26 =	simm.s32 $0xD880;
	s9 =	simm.s32 $0x1;
	s10 =	simm.s32 $0xC080  }
0x18: {  	s12 =	simm.s32 $0xE880;
	s13 =	simm.s32 $0xF080;
	s14 =	simm.s32 $0xF880  }
0x19: {  	s15 =	simm.s32 $0x10080;
	s16 =	simm.s32 $0x10880;
	[dreg:$0x1d] =	wrdreg s23  }
0x1a: {  	s17 =	simm.s32 $0x11080;
	s18 =	simm.s32 $0x11880;
	[dreg:$0x1e] =	wrdreg s24  }
0x1b: {  	s20 =	simm.s32 $0x12880;
	s6 =	sor.u32 s7, s6;
	[dreg:$0x1f] =	wrdreg s25  }
0x1c: {  	s19 =	sshrl.u32 s2, $0x1;
	[smem:$0x7FD] =	sst s26;
	s23 =	simm.s32 $0x14080  }
0x1d: {  	s24 =	simm.s32 $0x14880;
	s25 =	simm.s32 $0x15080;
	s7 =	smul.u32 $0x1800, s6  }
0x1e: {  	s26 =	simm.s32 $0x15880;
	s4 =	sadd.s32 s6, s4;
	s6 =	smul.u32 $0x300, s6  }
0x1f: {  	s2 =	ssub.s32 s2, s19;
	s19 =	simm.s32 $0x12080;
	s4 =	sadd.s32 $0x400, s4  }
0x20: {  	s7 =	sshrl.u32 s7, $0x3;
	[dreg:$0x4] =	wrdreg s4;
	s21 =	sadd.s32 s5, s6  }
0x21: {  	s6 =	simm.s32 $0x3880;
	s4 =	sadd.s32 $0x100, s1;
	[dreg:$0x5] =	wrdreg s21  }
0x22: {  	s5 =	sadd.s32 s5, s7;
	[dreg:$0xd] =	wrdreg s6;
	s7 =	simm.s32 $0x4080  }
0x23: {  	s21 =	simm.s32 $0xA880;
	s6 =	smax.u32 s2, $0x1;
	[dreg:$0xe] =	wrdreg s7  }
0x24: {  	s2 =	simm.s32 $0x2;
	s22 =	sadd.s32 $0x1800, s5;
	[dreg:$0x1b] =	wrdreg s21  }
0x25: {  	v2 =	vlaneseq.u32;
	s5 =	simm.s32 $0x3080;
	s7 =	simm.s32 $0x3;
	[dreg:$0x6] =	wrdreg s22  }
0x26: {  	vm0 =	vmmov $0xffff;
	v1 =	vshrl.u32 v2, $0x3;
	s21 =	simm.s32 $0x13080;
	[dreg:$0xc] =	wrdreg s5;
	s22 =	simm.s32 $0xB080  }
0x27: {  	v0 =	vand.u32 $0x7, v2;
	v2 =	vor.u32 $0x8, v2;
	v1 =	vmul.u32 $0x8, v1;
	s5 =	sadd.s32 $0x200, s1;
	[dreg:$0x1c] =	wrdreg s22;
	s22 =	simm.s32 $0x13880  }
.LBB2_1:
0x28: {  	s0 =	rddreg [dreg:$0x4]  }
0x29: {  	[tilespmem:s3], [sflag:$0x3] =	stream.linear.gather [hbm4b:s0+s3], $0x80, $0x38;
	[tilespmem:$0x18080] =	vst v63  }
0x2a: {  	_ =	swait.ge [sflag:s7], $0x80  }
0x2b: {  	[sflag:s7] =	ssyncset.done $0x0  }
0x2c: {  	[sflag:s7] =	ssyncadd.s32 $0xFFFFFF80  }
0x2d: {  	v3 =	vld [tilespmem:$0x0];
	_ =	sdelay $0x4  }
0x2e: {  	v4 =	vshrl.u32 v3, $0x3  }
0x2f: {  	v4 =	vmul.u32 $0x30, v4  }
0x30: {  	v3 =	vand.u32 $0x7, v3  }
0x31: {  	v3 =	vor.u32 v3, v4  }
0x32: {  	v4 =	vperm.xlane v3, v0;
	_ =	sdelay $0x1  }
0x33: {  	v4 =	vadd.s32 v1, v4;
	_ =	sdelay $0x3  }
0x34: {  	v3 =	vperm.xlane v3, v2  }
0x35: {  	[tilespmem:s8], [sflag:$0x1] =	stream.indirect_vreg.gather [hbm4b:s1+s3], $0x80, v4, vm0, $0xb8;
	[tilespmem:$0x18080] =	vst v63  }
0x36: {  	s0 =	rddreg [dreg:$0x7];
	v3 =	vadd.s32 v1, v3  }
0x37: {  	[tilespmem:s0], [sflag:$0x1] =	stream.indirect_vreg.gather [hbm4b:s4+s3], $0x80, v4, vm0, $0xb8;
	[tilespmem:$0x18080] =	vst v63  }
0x38: {  	s11 =	rddreg [dreg:$0x8]  }
0x39: {  	[tilespmem:s11], [sflag:$0x1] =	stream.indirect_vreg.gather [hbm4b:s5+s3], $0x80, v4, vm0, $0xb8;
	[tilespmem:$0x18080] =	vst v63  }
0x3a: {  	s0 =	rddreg [dreg:$0x9]  }
0x3b: {  	[tilespmem:s0], [sflag:$0x1] =	stream.indirect_vreg.gather [hbm4b:s1+s3], $0x80, v3, vm0, $0xb8;
	[tilespmem:$0x18080] =	vst v63  }
0x3c: {  	s11 =	rddreg [dreg:$0xa]  }
0x3d: {  	[tilespmem:s11], [sflag:$0x1] =	stream.indirect_vreg.gather [hbm4b:s4+s3], $0x80, v3, vm0, $0xb8;
	[tilespmem:$0x18080] =	vst v63  }
0x3e: {  	s0 =	rddreg [dreg:$0xb]  }
0x3f: {  	[tilespmem:s0], [sflag:$0x1] =	stream.indirect_vreg.gather [hbm4b:s5+s3], $0x80, v3, vm0, $0xb8;
	[tilespmem:$0x18080] =	vst v63  }
0x40: {  	v3 =	vld [tilespmem:$0x10];
	_ =	sdelay $0x4  }
0x41: {  	v57 =	vshrl.u32 v3, $0x3  }
0x42: {  	v4 =	vmul.u32 $0x30, v57  }
0x43: {  	v3 =	vand.u32 $0x7, v3  }
0x44: {  	v3 =	vor.u32 v3, v4  }
0x45: {  	v4 =	vperm.xlane v3, v0;
	_ =	sdelay $0x1  }
0x46: {  	v4 =	vadd.s32 v1, v4;
	_ =	sdelay $0x3  }
0x47: {  	s0 =	rddreg [dreg:$0xc];
	v3 =	vperm.xlane v3, v2  }
0x48: {  	[tilespmem:s0], [sflag:$0x1] =	stream.indirect_vreg.gather [hbm4b:s1+s3], $0x80, v4, vm0, $0xb8;
	[tilespmem:$0x18080] =	vst v63  }
0x49: {  	s11 =	rddreg [dreg:$0xd];
	v3 =	vadd.s32 v1, v3  }
0x4a: {  	[tilespmem:s11], [sflag:$0x1] =	stream.indirect_vreg.gather [hbm4b:s4+s3], $0x80, v4, vm0, $0xb8;
	[tilespmem:$0x18080] =	vst v63  }
0x4b: {  	s0 =	rddreg [dreg:$0xe]  }
0x4c: {  	[tilespmem:s0], [sflag:$0x1] =	stream.indirect_vreg.gather [hbm4b:s5+s3], $0x80, v4, vm0, $0xb8;
	[tilespmem:$0x18080] =	vst v63  }
0x4d: {  	s11 =	rddreg [dreg:$0xf]  }
0x4e: {  	[tilespmem:s11], [sflag:$0x1] =	stream.indirect_vreg.gather [hbm4b:s1+s3], $0x80, v3, vm0, $0xb8;
	[tilespmem:$0x18080] =	vst v63  }
0x4f: {  	s0 =	rddreg [dreg:$0x10]  }
0x50: {  	[tilespmem:s0], [sflag:$0x1] =	stream.indirect_vreg.gather [hbm4b:s4+s3], $0x80, v3, vm0, $0xb8;
	[tilespmem:$0x18080] =	vst v63  }
0x51: {  	s11 =	rddreg [dreg:$0x11]  }
0x52: {  	[tilespmem:s11], [sflag:$0x1] =	stream.indirect_vreg.gather [hbm4b:s5+s3], $0x80, v3, vm0, $0xb8;
	[tilespmem:$0x18080] =	vst v63  }
0x53: {  	v3 =	vld [tilespmem:$0x20];
	_ =	sdelay $0x4  }
0x54: {  	v58 =	vshrl.u32 v3, $0x3  }
0x55: {  	v4 =	vmul.u32 $0x30, v58  }
0x56: {  	v3 =	vand.u32 $0x7, v3  }
0x57: {  	v3 =	vor.u32 v3, v4  }
0x58: {  	v4 =	vperm.xlane v3, v0;
	_ =	sdelay $0x1  }
0x59: {  	v4 =	vadd.s32 v1, v4;
	_ =	sdelay $0x3  }
0x5a: {  	s0 =	rddreg [dreg:$0x12];
	v3 =	vperm.xlane v3, v2  }
0x5b: {  	[tilespmem:s0], [sflag:$0x1] =	stream.indirect_vreg.gather [hbm4b:s1+s3], $0x80, v4, vm0, $0xb8;
	[tilespmem:$0x18080] =	vst v63  }
0x5c: {  	s11 =	rddreg [dreg:$0x13];
	v3 =	vadd.s32 v1, v3  }
0x5d: {  	[tilespmem:s11], [sflag:$0x1] =	stream.indirect_vreg.gather [hbm4b:s4+s3], $0x80, v4, vm0, $0xb8;
	[tilespmem:$0x18080] =	vst v63  }
0x5e: {  	s0 =	rddreg [dreg:$0x14]  }
0x5f: {  	[tilespmem:s0], [sflag:$0x1] =	stream.indirect_vreg.gather [hbm4b:s5+s3], $0x80, v4, vm0, $0xb8;
	[tilespmem:$0x18080] =	vst v63  }
0x60: {  	s11 =	rddreg [dreg:$0x15]  }
0x61: {  	[tilespmem:s11], [sflag:$0x1] =	stream.indirect_vreg.gather [hbm4b:s1+s3], $0x80, v3, vm0, $0xb8;
	[tilespmem:$0x18080] =	vst v63  }
0x62: {  	s0 =	rddreg [dreg:$0x16]  }
0x63: {  	[tilespmem:s0], [sflag:$0x1] =	stream.indirect_vreg.gather [hbm4b:s4+s3], $0x80, v3, vm0, $0xb8;
	[tilespmem:$0x18080] =	vst v63  }
0x64: {  	s11 =	rddreg [dreg:$0x17]  }
0x65: {  	[tilespmem:s11], [sflag:$0x1] =	stream.indirect_vreg.gather [hbm4b:s5+s3], $0x80, v3, vm0, $0xb8;
	[tilespmem:$0x18080] =	vst v63  }
0x66: {  	v3 =	vld [tilespmem:$0x30];
	_ =	sdelay $0x4  }
0x67: {  	v59 =	vshrl.u32 v3, $0x3  }
0x68: {  	v4 =	vmul.u32 $0x30, v59  }
0x69: {  	v3 =	vand.u32 $0x7, v3  }
0x6a: {  	v3 =	vor.u32 v3, v4  }
0x6b: {  	v4 =	vperm.xlane v3, v0;
	_ =	sdelay $0x1  }
0x6c: {  	v4 =	vadd.s32 v1, v4;
	_ =	sdelay $0x3  }
0x6d: {  	s0 =	rddreg [dreg:$0x18];
	v3 =	vperm.xlane v3, v2  }
0x6e: {  	[tilespmem:s0], [sflag:$0x1] =	stream.indirect_vreg.gather [hbm4b:s1+s3], $0x80, v4, vm0, $0xb8;
	[tilespmem:$0x18080] =	vst v63  }
0x6f: {  	s11 =	rddreg [dreg:$0x19];
	v3 =	vadd.s32 v1, v3  }
0x70: {  	[tilespmem:s11], [sflag:$0x1] =	stream.indirect_vreg.gather [hbm4b:s4+s3], $0x80, v4, vm0, $0xb8;
	[tilespmem:$0x18080] =	vst v63  }
0x71: {  	s0 =	rddreg [dreg:$0x1a]  }
0x72: {  	[tilespmem:s0], [sflag:$0x1] =	stream.indirect_vreg.gather [hbm4b:s5+s3], $0x80, v4, vm0, $0xb8;
	[tilespmem:$0x18080] =	vst v63  }
0x73: {  	s11 =	rddreg [dreg:$0x1b]  }
0x74: {  	[tilespmem:s11], [sflag:$0x1] =	stream.indirect_vreg.gather [hbm4b:s1+s3], $0x80, v3, vm0, $0xb8;
	[tilespmem:$0x18080] =	vst v63  }
0x75: {  	s0 =	rddreg [dreg:$0x1c]  }
0x76: {  	[tilespmem:s0], [sflag:$0x1] =	stream.indirect_vreg.gather [hbm4b:s4+s3], $0x80, v3, vm0, $0xb8;
	[tilespmem:$0x18080] =	vst v63  }
0x77: {  	s11 =	rddreg [dreg:$0x1d]  }
0x78: {  	[tilespmem:s11], [sflag:$0x1] =	stream.indirect_vreg.gather [hbm4b:s5+s3], $0x80, v3, vm0, $0xb8;
	[tilespmem:$0x18080] =	vst v63  }
0x79: {  	_ =	swait.ge [sflag:s9], $0xC000  }
0x7a: {  	[sflag:s9] =	ssyncset.done $0x0  }
0x7b: {  	[sflag:s9] =	ssyncadd.s32 $0xFFFF4000  }
0x7c: {  	v3 =	vld [tilespmem:$0x40];
	_ =	sdelay $0x4  }
0x7d: {  	v60 =	vshrl.u32 v3, $0x3  }
0x7e: {  	v4 =	vmul.u32 $0x30, v60  }
0x7f: {  	v3 =	vand.u32 $0x7, v3  }
0x80: {  	v3 =	vor.u32 v3, v4  }
0x81: {  	v4 =	vperm.xlane v3, v0;
	_ =	sdelay $0x1  }
0x82: {  	v4 =	vadd.s32 v1, v4;
	_ =	sdelay $0x3  }
0x83: {  	s0 =	rddreg [dreg:$0x1e];
	v3 =	vperm.xlane v3, v2  }
0x84: {  	[tilespmem:s10], [sflag:$0x2] =	stream.indirect_vreg.gather [hbm4b:s1+s3], $0x80, v4, vm0, $0xb8;
	[tilespmem:$0x18080] =	vst v63  }
0x85: {  	s11 =	rddreg [dreg:$0x1f];
	v3 =	vadd.s32 v1, v3  }
0x86: {  	[tilespmem:s0], [sflag:$0x2] =	stream.indirect_vreg.gather [hbm4b:s4+s3], $0x80, v4, vm0, $0xb8;
	[tilespmem:$0x18080] =	vst v63  }
0x87: {  	s0 =	sld [smem:$0x7FD]  }
0x88: {  	[tilespmem:s11], [sflag:$0x2] =	stream.indirect_vreg.gather [hbm4b:s5+s3], $0x80, v4, vm0, $0xb8;
	[tilespmem:$0x18080] =	vst v63  }
0x89: {  	_ = 	snop  }
0x8a: {  	[tilespmem:s0], [sflag:$0x2] =	stream.indirect_vreg.gather [hbm4b:s1+s3], $0x80, v3, vm0, $0xb8;
	[tilespmem:$0x18080] =	vst v63  }
0x8b: {  	s11 =	simm.s32 $0xE080  }
0x8c: {  	[tilespmem:s11], [sflag:$0x2] =	stream.indirect_vreg.gather [hbm4b:s4+s3], $0x80, v3, vm0, $0xb8;
	[tilespmem:$0x18080] =	vst v63  }
0x8d: {  	_ = 	snop  }
0x8e: {  	[tilespmem:s12], [sflag:$0x2] =	stream.indirect_vreg.gather [hbm4b:s5+s3], $0x80, v3, vm0, $0xb8;
	[tilespmem:$0x18080] =	vst v63  }
0x8f: {  	v3 =	vld [tilespmem:$0x50];
	_ =	sdelay $0x4  }
0x90: {  	v61 =	vshrl.u32 v3, $0x3  }
0x91: {  	v4 =	vmul.u32 $0x30, v61  }
0x92: {  	v3 =	vand.u32 $0x7, v3  }
0x93: {  	v3 =	vor.u32 v3, v4  }
0x94: {  	v4 =	vperm.xlane v3, v0;
	_ =	sdelay $0x1  }
0x95: {  	v4 =	vadd.s32 v1, v4;
	_ =	sdelay $0x3  }
0x96: {  	v3 =	vperm.xlane v3, v2  }
0x97: {  	[tilespmem:s13], [sflag:$0x2] =	stream.indirect_vreg.gather [hbm4b:s1+s3], $0x80, v4, vm0, $0xb8;
	[tilespmem:$0x18080] =	vst v63  }
0x98: {  	v3 =	vadd.s32 v1, v3  }
0x99: {  	[tilespmem:s14], [sflag:$0x2] =	stream.indirect_vreg.gather [hbm4b:s4+s3], $0x80, v4, vm0, $0xb8;
	[tilespmem:$0x18080] =	vst v63  }
0x9a: {  	_ = 	snop  }
0x9b: {  	[tilespmem:s15], [sflag:$0x2] =	stream.indirect_vreg.gather [hbm4b:s5+s3], $0x80, v4, vm0, $0xb8;
	[tilespmem:$0x18080] =	vst v63  }
0x9c: {  	_ = 	snop  }
0x9d: {  	[tilespmem:s16], [sflag:$0x2] =	stream.indirect_vreg.gather [hbm4b:s1+s3], $0x80, v3, vm0, $0xb8;
	[tilespmem:$0x18080] =	vst v63  }
0x9e: {  	_ = 	snop  }
0x9f: {  	[tilespmem:s17], [sflag:$0x2] =	stream.indirect_vreg.gather [hbm4b:s4+s3], $0x80, v3, vm0, $0xb8;
	[tilespmem:$0x18080] =	vst v63  }
0xa0: {  	_ = 	snop  }
0xa1: {  	[tilespmem:s18], [sflag:$0x2] =	stream.indirect_vreg.gather [hbm4b:s5+s3], $0x80, v3, vm0, $0xb8;
	[tilespmem:$0x18080] =	vst v63  }
0xa2: {  	v3 =	vld [tilespmem:$0x60];
	_ =	sdelay $0x4  }
0xa3: {  	v62 =	vshrl.u32 v3, $0x3  }
0xa4: {  	v4 =	vmul.u32 $0x30, v62  }
0xa5: {  	v3 =	vand.u32 $0x7, v3  }
0xa6: {  	v3 =	vor.u32 v3, v4  }
0xa7: {  	v4 =	vperm.xlane v3, v0;
	_ =	sdelay $0x1  }
0xa8: {  	v4 =	vadd.s32 v1, v4;
	_ =	sdelay $0x3  }
0xa9: {  	v3 =	vperm.xlane v3, v2  }
0xaa: {  	[tilespmem:s19], [sflag:$0x2] =	stream.indirect_vreg.gather [hbm4b:s1+s3], $0x80, v4, vm0, $0xb8;
	[tilespmem:$0x18080] =	vst v63  }
0xab: {  	v3 =	vadd.s32 v1, v3  }
0xac: {  	[tilespmem:s20], [sflag:$0x2] =	stream.indirect_vreg.gather [hbm4b:s4+s3], $0x80, v4, vm0, $0xb8;
	[tilespmem:$0x18080] =	vst v63  }
0xad: {  	_ = 	snop  }
0xae: {  	[tilespmem:s21], [sflag:$0x2] =	stream.indirect_vreg.gather [hbm4b:s5+s3], $0x80, v4, vm0, $0xb8;
	[tilespmem:$0x18080] =	vst v63  }
0xaf: {  	_ = 	snop  }
0xb0: {  	[tilespmem:s22], [sflag:$0x2] =	stream.indirect_vreg.gather [hbm4b:s1+s3], $0x80, v3, vm0, $0xb8;
	[tilespmem:$0x18080] =	vst v63  }
0xb1: {  	_ = 	snop  }
0xb2: {  	[tilespmem:s23], [sflag:$0x2] =	stream.indirect_vreg.gather [hbm4b:s4+s3], $0x80, v3, vm0, $0xb8;
	[tilespmem:$0x18080] =	vst v63  }
0xb3: {  	_ = 	snop  }
0xb4: {  	[tilespmem:s24], [sflag:$0x2] =	stream.indirect_vreg.gather [hbm4b:s5+s3], $0x80, v3, vm0, $0xb8;
	[tilespmem:$0x18080] =	vst v63  }
0xb5: {  	v3 =	vld [tilespmem:$0x70];
	_ =	sdelay $0x4  }
0xb6: {  	v63 =	vshrl.u32 v3, $0x3  }
0xb7: {  	v4 =	vmul.u32 $0x30, v63  }
0xb8: {  	v3 =	vand.u32 $0x7, v3  }
0xb9: {  	v3 =	vor.u32 v3, v4  }
0xba: {  	v4 =	vperm.xlane v3, v0;
	_ =	sdelay $0x1  }
0xbb: {  	v4 =	vadd.s32 v1, v4;
	_ =	sdelay $0x3  }
0xbc: {  	v3 =	vperm.xlane v3, v2  }
0xbd: {  	[tilespmem:s25], [sflag:$0x2] =	stream.indirect_vreg.gather [hbm4b:s1+s3], $0x80, v4, vm0, $0xb8;
	[tilespmem:$0x18080] =	vst v63  }
0xbe: {  	v3 =	vadd.s32 v1, v3  }
0xbf: {  	[tilespmem:s26], [sflag:$0x2] =	stream.indirect_vreg.gather [hbm4b:s4+s3], $0x80, v4, vm0, $0xb8;
	[tilespmem:$0x18080] =	vst v63  }
0xc0: {  	_ = 	snop  }
0xc1: {  	[tilespmem:s28], [sflag:$0x2] =	stream.indirect_vreg.gather [hbm4b:s5+s3], $0x80, v4, vm0, $0xb8;
	[tilespmem:$0x18080] =	vst v63  }
0xc2: {  	_ = 	snop  }
0xc3: {  	[tilespmem:s29], [sflag:$0x2] =	stream.indirect_vreg.gather [hbm4b:s1+s3], $0x80, v3, vm0, $0xb8;
	[tilespmem:$0x18080] =	vst v63  }
0xc4: {  	_ = 	snop  }
0xc5: {  	[tilespmem:s30], [sflag:$0x2] =	stream.indirect_vreg.gather [hbm4b:s4+s3], $0x80, v3, vm0, $0xb8;
	[tilespmem:$0x18080] =	vst v63  }
0xc6: {  	_ = 	snop  }
0xc7: {  	[tilespmem:s31], [sflag:$0x2] =	stream.indirect_vreg.gather [hbm4b:s5+s3], $0x80, v3, vm0, $0xb8;
	[tilespmem:$0x18080] =	vst v63  }
0xc8: {  	s11 =	rddreg [dreg:$0x5]  }
0xc9: {  	[hbm4b:s11+s3] =	stream.linear.scatter [tilespmem:s8], [sflag:$0x3], $0xC000, $0x38;
	[tilespmem:$0x18080] =	vst v63  }
0xca: {  	_ =	swait.ge [sflag:s7], $0xC000  }
0xcb: {  	[sflag:s7] =	ssyncset.done $0x0  }
0xcc: {  	[sflag:s7] =	ssyncadd.s32 $0xFFFF4000  }
0xcd: {  	_ =	swait.ge [sflag:s2], $0xC000  }
0xce: {  	p0 =	sne.s32 s6, $0x1;
	[sflag:s2] =	ssyncset.done $0x0  }
.Ltmp0:
0xcf: {  	s11 =	rddreg [dreg:$0x6];
	[sflag:s2] =	ssyncadd.s32 $0xFFFF4000;
	(pc) =	sbr.rel @p0 .LBB2_1-.Ltmp0, $4  }
0xd0: {  	[hbm4b:s11+s3] =	stream.linear.scatter [tilespmem:s10], [sflag:$0x3], $0xC000, $0x38;
	[tilespmem:$0x18080] =	vst v63  }
0xd1: {  	_ =	swait.ge [sflag:s7], $0xC000  }
0xd2: {  	[sflag:s7] =	ssyncset.done $0x0  }
0xd3: {  	s6 =	sadd.s32 $0xFFFFFFFF, s6;
	[sflag:s7] =	ssyncadd.s32 $0xFFFF4000  }
0xd4: {  	_ =	sfence.sel $0x180000  }
0xd5: {  	[bflag:$0x0] =	sbarrier.arrive $0xFFFF  }
0xd6: {  	_ =	strace $0x9000004D  }
0xd7: {  	s0 =	stileid.u32;
	[bflag:$0x2] =	sbarrier.arrive $0xFFFF  }
0xd8: {  	p0 =	sne.s32 s0, $0x0;
	s0 =	rddreg [dreg:$0x3]  }
0xd9: {  	s0 =	sadd.s32 @!p0 $0x100000, s0  }
0xda: {  	[sflag:s0] =	ssyncadd.tile.s32 @!p0 $0x1;
	_ =	shalt  }
.Lfunc_end2:
_tile_overlayer_lowered:
.L_overlay_start_2:
0xdb: {  	(tag) =	ssettag $0x2  }
0xdc: {  	s0 =	rddreg [dreg:$0x0];
	s2 =	stileid.u32  }
0xdd: {  	s1 =	rddreg [dreg:$0x1];
	p0 =	sne.s32 s2, $0x0  }
0xde: {  	s3 =	rddreg [dreg:$0x2];
	[bflag:$0x3] =	sbarrier.arrive $0xFFFF;
	s2 =	simm.s32 @!p0 $0x1C03  }
0xdf: {  	[timem:s3], [sflag:s2] =	dma.local @!p0 [hbm:s0], s1  }
0xe0: {  	s0 =	simm.s32 @!p0 $0x3  }
0xe1: {  	_ =	swait.ge @!p0 [sflag:s0], s1  }
0xe2: {  	s1 =	ssub.s32 @!p0 $0x0, s1;
	[sflag:s0] =	ssyncset.done @!p0 $0x0  }
0xe3: {  	[sflag:s0] =	ssyncadd.s32 @!p0 s1  }
0xe4: {  	[bflag:$0x3] =	sbarrier.arrive $0xFFFF  }
0xe5: {  	_ =	shalt  }

// kernel: kernel.19.cloned.1.call-start
scs
__scs_entry_jumppad:
0x0: {  	(pc) =	sbr.rel $0x88, $3  }
0x1: {  	(tag) =	ssettag $0x0;
	lr =	simm.s32 $0x1  }
0x2: {  	[smem:$0x3F99] =	sst lr;
	_ =	strace $0xD0000000  }
0x3: {  	_ = 	snop  }
0x4: {  	_ = 	snop  }
0x5: {  	_ = 	snop  }
0x6: {  	_ = 	snop  }
0x7: {  	_ = 	snop  }
__scs_overlays_trampoline_lowered:
0x8: {  	[smem:$0x3FA8] =	sst s0  }
0x9: {  	[smem:$0x3FA9] =	sst s1  }
0xa: {  	[smem:$0x3FAA] =	sst s2  }
0xb: {  	[smem:$0x3FAB] =	sst s3  }
0xc: {  	[smem:$0x3FAC] =	sst s4  }
0xd: {  	[smem:$0x3FAD] =	sst s5  }
0xe: {  	[smem:$0x3FAE] =	sst s6  }
0xf: {  	[smem:$0x3FAF] =	sst s7  }
0x10: {  	[smem:$0x3FB0] =	sst s8  }
0x11: {  	[smem:$0x3FB1] =	sst s9;
	s0 =	simm.s32 @!p0 $0x0  }
0x12: {  	s1 =	sld [smem:$0x3F97];
	s0 =	simm.s32 @p0 $0x1  }
0x13: {  	[smem:$0x3FB2] =	sst s0;
	s0 =	simm.s32 @!p1 $0x0  }
0x14: {  	s2 =	sld [smem:$0x3F96];
	s0 =	simm.s32 @p1 $0x1  }
0x15: {  	[smem:$0x3FB3] =	sst s0;
	s0 =	simm.s32 @!p2 $0x0  }
0x16: {  	s3 =	sld [smem:$0x3FDB];
	s0 =	simm.s32 @p2 $0x1  }
0x17: {  	s4 =	simm.s32 $0x1BF5;
	[smem:$0x3FB5] =	sst s0  }
0x18: {  	s0 =	sld [smem:$0x3F98];
	_ =	swait.ge [sflag:s4], $0x0  }
0x19: {  	s7 =	sld [smem:$0x3F99]  }
0x1a: {  	s8 =	sadd.s32 $0xFFFFE003, lr  }
0x1b: {  	s9 =	sadd.s32 $0xFFFFFEF7, lr;
	s5 =	simm.s32 $0xFFFFFFFF;
	p2 =	slt.u32 s8, $0xFFFFF086  }
0x1c: {  	p1 =	slt.u32 s9, $0xF7A;
	s5 =	simm.s32 @!p2 $0x0  }
0x1d: {  	s5 =	simm.s32 @p1 $0x1;
	p0 =	seq.s32 s7, s2  }
0x1e: {  	s7 =	smul.u32 @!p0 $0xF7A, s2;
	p2 =	seq.s32 @!p0 s5, $0x0  }
0x1f: {  	s9 =	smul.u32 $0xF7A, s1;
	s8 =	simm.s32 @!p0 $0x1BF5;
	p2 =	por !p2, p0  }
0x20: {  	[sflag:s8] =	ssyncset.s32 @!p0 $0xFFFFF086;
	s6 =	sadd.s32 @!p0 s3, s7;
	s7 =	simm.s32 @!p0 $0x108  }
0x21: {  	s3 =	sadd.s32 s3, s9;
	s6 =	sadd.s32 @!p0 $0x88, s6;
	s7 =	simm.s32 @p2 $0x1082  }
0x22: {  	[simem:s7], [sflag:s8] =	dma.local @!p0 [hbm:s6], $0xF7A  }
0x23: {  	s9 =	sor.u32 $0xD0000000, s2;
	s6 =	simm.s32 $0x108;
	_ =	swait.ge @!p0 [sflag:s8], $0x0  }
0x24: {  	s3 =	sadd.s32 $0x88, s3;
	s6 =	simm.s32 @!p1 $0x1082;
	[sflag:s4] =	ssyncset.s32 $0xFFFFF086  }
0x25: {  	[simem:s6], [sflag:s4] =	dma.local [hbm:s3], $0xF7A  }
0x26: {  	[smem:$0x3F99] =	sst s1;
	(tag) =	ssettag s2;
	_ =	strace s9  }
0x27: {  	s1 =	sld [smem:$0x3FA9]  }
0x28: {  	s2 =	sld [smem:$0x3FAA]  }
0x29: {  	s4 =	sld [smem:$0x3FAC]  }
0x2a: {  	p0 =	seq.s32 s5, $0x0;
	s5 =	sld [smem:$0x3FAD]  }
0x2b: {  	s6 =	sld [smem:$0x3FAE]  }
0x2c: {  	s7 =	sld [smem:$0x3FAF]  }
0x2d: {  	s3 =	simm.s32 $0x108;
	s8 =	sld [smem:$0x3FB0]  }
0x2e: {  	s3 =	simm.s32 @!p0 $0x1082;
	s9 =	sld [smem:$0x3FB1]  }
0x2f: {  	lr =	sadd.s32 s0, s3;
	s0 =	sld [smem:$0x3FA8]  }
0x30: {  	s3 =	sld [smem:$0x3FAB]  }
0x31: {  	[smem:$0x3FB4] =	sst s10  }
0x32: {  	s10 =	sld [smem:$0x3FB2];
	_ =	sdelay $0x3  }
0x33: {  	p0 =	seq.s32 s10, $0x1;
	s10 =	sld [smem:$0x3FB4];
	_ =	sdelay $0x3  }
0x34: {  	[smem:$0x3FB4] =	sst s10  }
0x35: {  	s10 =	sld [smem:$0x3FB3];
	_ =	sdelay $0x3  }
0x36: {  	p1 =	seq.s32 s10, $0x1;
	s10 =	sld [smem:$0x3FB4];
	_ =	sdelay $0x3  }
0x37: {  	[smem:$0x3FB4] =	sst s10  }
0x38: {  	s10 =	sld [smem:$0x3FB5]  }
0x39: {  	_ = 	snop;
	(pc) =	sbr.ind lr, $3  }
0x3a: {  	_ = 	snop  }
0x3b: {  	_ = 	snop  }
0x3c: {  	p2 =	seq.s32 s10, $0x1;
	s10 =	sld [smem:$0x3FB4]  }
0x3d: {  	_ =	shalt  }
0x3e: {  	_ =	shalt  }
0x3f: {  	_ =	shalt  }
0x40: {  	_ =	shalt  }
0x41: {  	_ =	shalt  }
0x42: {  	_ =	shalt  }
0x43: {  	_ =	shalt  }
0x44: {  	_ =	shalt  }
0x45: {  	_ =	shalt  }
0x46: {  	_ =	shalt  }
0x47: {  	_ =	shalt  }
0x48: {  	_ =	shalt  }
0x49: {  	_ =	shalt  }
0x4a: {  	_ =	shalt  }
0x4b: {  	_ =	shalt  }
0x4c: {  	_ =	shalt  }
0x4d: {  	_ =	shalt  }
0x4e: {  	_ =	shalt  }
0x4f: {  	_ =	shalt  }
0x50: {  	_ =	shalt  }
0x51: {  	_ =	shalt  }
0x52: {  	_ =	shalt  }
0x53: {  	_ =	shalt  }
0x54: {  	_ =	shalt  }
0x55: {  	_ =	shalt  }
0x56: {  	_ =	shalt  }
0x57: {  	_ =	shalt  }
0x58: {  	_ =	shalt  }
0x59: {  	_ =	shalt  }
0x5a: {  	_ =	shalt  }
0x5b: {  	_ =	shalt  }
0x5c: {  	_ =	shalt  }
0x5d: {  	_ =	shalt  }
0x5e: {  	_ =	shalt  }
0x5f: {  	_ =	shalt  }
0x60: {  	_ =	shalt  }
0x61: {  	_ =	shalt  }
0x62: {  	_ =	shalt  }
0x63: {  	_ =	shalt  }
0x64: {  	_ =	shalt  }
0x65: {  	_ =	shalt  }
0x66: {  	_ =	shalt  }
0x67: {  	_ =	shalt  }
0x68: {  	_ =	shalt  }
0x69: {  	_ =	shalt  }
0x6a: {  	_ =	shalt  }
0x6b: {  	_ =	shalt  }
0x6c: {  	_ =	shalt  }
0x6d: {  	_ =	shalt  }
0x6e: {  	_ =	shalt  }
0x6f: {  	_ =	shalt  }
0x70: {  	_ =	shalt  }
0x71: {  	_ =	shalt  }
0x72: {  	_ =	shalt  }
0x73: {  	_ =	shalt  }
0x74: {  	_ =	shalt  }
0x75: {  	_ =	shalt  }
0x76: {  	_ =	shalt  }
0x77: {  	_ =	shalt  }
0x78: {  	_ =	shalt  }
0x79: {  	_ =	shalt  }
0x7a: {  	_ =	shalt  }
0x7b: {  	_ =	shalt  }
0x7c: {  	_ =	shalt  }
0x7d: {  	_ =	shalt  }
0x7e: {  	_ =	shalt  }
0x7f: {  	_ =	shalt  }
0x80: {  	_ =	shalt  }
0x81: {  	_ =	shalt  }
0x82: {  	_ =	shalt  }
0x83: {  	_ =	shalt  }
0x84: {  	_ =	shalt  }
0x85: {  	_ =	shalt  }
0x86: {  	_ =	shalt  }
0x87: {  	_ =	shalt  }
.Lfunc_end0:
.L_simem_size_0:
called_computation.3_lowered:
.L_overlay_start_0:
0x88: {  	s2 =	sld [smem:$0x3FD9]  }
0x89: {  	s3 =	sld [smem:$0x3FFE];
	_ =	sdelay $0x1  }
0x8a: {  	s1 =	srdreg.scid  }
0x8b: {  	s0 =	sand.u32 $0x1, s1  }
0x8c: {  	s17 =	sshll.u32 s0, $0xA;
	s2 =	sadd.s32 s3, s2  }
0x8d: {  	s2 =	sadd.s32 s2, s17  }
0x8e: {  	[smem:$0x3FC0] =	sst s2  }
0x8f: {  	_ = 	snop  }
0x90: {  	s18 =	sld [smem:$0x3FC9]  }
0x91: {  	s4 =	sld [smem:$0x3FC7];
	(tm) =	ssettm $0x1  }
0x92: {  	s19 =	sld [smem:$0x3FFB];
	_ =	sdelay $0x3  }
0x93: {  	_ =	strace s19  }
0x94: {  	s2 =	sld [smem:$0x3FFC];
	_ =	sdelay $0x3  }
0x95: {  	_ =	strace s2  }
0x96: {  	s2 =	sld [smem:$0x3FFD];
	_ =	sdelay $0x3  }
0x97: {  	_ =	strace s2  }
0x98: {  	_ =	strace $0x8FFFFFFF  }
0x99: {  	s20 =	sld [smem:$0x3FDB];
	_ =	sdelay $0x1  }
0x9a: {  	s5 =	simm.s32 $_scs_section_size  }
0x9b: {  	s6 =	simm.s32 $_size__tile_overlayer_lowered;
	s7 =	simm.s32 $_tile_overlayer_lowered  }
0x9c: {  	s8 =	simm.s32 $0x1BFF;
	s21 =	sshll.u32 s7, $0x1;
	s5 =	sadd.s32 s5, s20  }
0x9d: {  	s22 =	simm.s32 $0x0;
	s6 =	sshll.u32 s6, $0x1;
	s7 =	sadd.s32 s21, s5  }
0x9e: {  	[timem:s22], [sflag:s8] =	dma.local [hbm:s7], s6  }
0x9f: {  	_ =	swait.ge [sflag:s8], s6  }
0xa0: {  	s6 =	ssub.s32 $0x0, s6;
	[sflag:s8] =	ssyncset.done $0x0  }
0xa1: {  	[sflag:s8] =	ssyncadd.s32 s6;
	_ =	sdelay $0x1  }
0xa2: {  	s23 =	simm.s32 $0x1B8B  }
0xa3: {  	_ =	swait.ge [sflag:s23], $0x1  }
0xa4: {  	[sflag:s23] =	ssyncset.done $0x0  }
0xa5: {  	[sflag:s23] =	ssyncadd.s32 $0xFFFFFFFF  }
0xa6: {  	s6 =	sld [smem:$0x0]  }
0xa7: {  	s7 =	sand.u32 $0xFFFFFFFE, s1  }
0xa8: {  	p0 =	sne.s32 s1, s7  }
0xa9: {  	s7 =	sshll.u32 @p0 s7, $0xE  }
0xaa: {  	s7 =	sadd.s32 @p0 $0x11B8D, s7;
	s8 =	sshll.u32 @p0 s6, $0x11  }
0xab: {  	s7 =	sor.u32 @p0 s8, s7  }
0xac: {  	[sflag:s7] =	ssyncadd.remote.s32 @p0 $0x1;
	_ =	sdelay $0x1  }
0xad: {  	s7 =	simm.s32 @p0 $0x1B8D  }
0xae: {  	_ =	swait.eq @p0 [sflag:s7], $0x1  }
0xaf: {  	[sflag:s7] =	ssyncadd.s32 @p0 $0xFFFFFFFF  }
0xb0: {  	s8 =	sshll.u32 @!p0 s1, $0xE  }
0xb1: {  	s8 =	sor.u32 @!p0 $0x4000, s8;
	s7 =	simm.s32 @!p0 $0x1B8D  }
0xb2: {  	s6 =	sshll.u32 @!p0 s6, $0x11;
	s8 =	sadd.s32 @!p0 $0x11B8D, s8;
	_ =	swait.eq @!p0 [sflag:s7], $0x1  }
0xb3: {  	s6 =	sor.u32 @!p0 s6, s8;
	[sflag:s7] =	ssyncadd.s32 @!p0 $0xFFFFFFFF  }
0xb4: {  	s25 =	simm.s32 $0x1B8E;
	s24 =	sld [smem:$0x3FFE];
	[sflag:s6] =	ssyncadd.remote.s32 @!p0 $0x1  }
0xb5: {  	s26 =	simm.s32 $execute0_lowered;
	[smem:$0x3FD2] =	sst s25  }
0xb6: {  	s7 =	sshll.u32 s26, $0x1;
	_ =	strace $0x8000004F;
	[dreg:$0x1] =	wrdreg $0xFFFFFFFF  }
0xb7: {  	s28 =	simm.s32 $_size_execute0_lowered;
	s5 =	sadd.s32 s5, s7;
	[dreg:$0x0] =	wrdreg $0x0  }
0xb8: {  	s7 =	sshll.u32 s28, $0x1;
	[dreg:$0x2] =	wrdreg s5  }
0xb9: {  	[dreg:$0x3] =	wrdreg s7  }
0xba: {  	[dreg:$0x4] =	wrdreg $0xC0  }
0xbb: {  	_ =	task [dreg:s22], $0x5FFFF  }
0xbc: {  	[dreg:$0x1] =	wrdreg $0xFFFFFFFF  }
0xbd: {  	[dreg:$0x0] =	wrdreg $0x60  }
0xbe: {  	[dreg:$0x2] =	wrdreg s4  }
0xbf: {  	[dreg:$0x3] =	wrdreg s18  }
0xc0: {  	[dreg:$0x4] =	wrdreg s24  }
0xc1: {  	[dreg:$0x5] =	wrdreg $0xC  }
0xc2: {  	_ =	task.clear_ibuf [dreg:s22], $0x6FFFF;
	_ =	strace $0x9000004F  }
0xc3: {  	s29 =	simm.s32 $0xC;
	_ =	strace $0x80000051  }
0xc4: {  	_ =	swait.ge [sflag:s29], $0x1  }
0xc5: {  	[sflag:s29] =	ssyncadd.s32 $0xFFFFFFFF  }
0xc6: {  	_ =	strace $0x90000051  }
0xc7: {  	_ =	sfence  }
0xc8: {  	s30 =	sld [smem:$0x0];
	_ =	sdelay $0x2  }
0xc9: {  	s31 =	sshll.u32 s1, $0xD;
	s1 =	sshrl.u32 s1, $0x2  }
0xca: {  	s4 =	sand.u32 $0x4000, s31;
	s1 =	sadd.s32 s1, s30  }
0xcb: {  	s0 =	sor.u32 s4, s0;
	s1 =	sshll.u32 s1, $0x11  }
0xcc: {  	s0 =	sor.u32 s1, s0  }
0xcd: {  	s0 =	sadd.s32 $0x8F2B, s0  }
0xce: {  	[sflag:s0] =	ssyncadd.remote.s32 $0x1  }
0xcf: {  	_ =	sfence.sel $0xFFFF  }
0xd0: {  	[dreg:$0x0] =	wrdreg $0xFFFFFFFF;
	(pc) =	sbr.abs _section_cstart, $3  }
0xd1: {  	[dreg:$0x1] =	wrdreg $0xFFFFFFFF  }
0xd2: {  	_ =	task.clear_ibuf [dreg:s22], $0x2FFFF;
	_ =	strace $0x9FFFFFFF  }
0xd3: {  	(tm) =	ssettm $0x7FFFFFFF  }
tec
execute0_lowered:
.L_overlay_start_1:
0x0: {  	(tag) =	ssettag $0x1  }
0x1: {  	s1 =	rddreg [dreg:$0x0]  }
0x2: {  	s4 =	rddreg [dreg:$0x1]  }
0x3: {  	s5 =	rddreg [dreg:$0x2];
	s3 =	simm.s32 $0x0  }
0x4: {  	s23 =	simm.s32 $0x880;
	[smem:$0x7FF] =	sst s3  }
0x5: {  	s24 =	simm.s32 $0x1080;
	_ =	strace $0x80000050;
	[dreg:$0x7] =	wrdreg s23  }
0x6: {  	s25 =	simm.s32 $0x1880;
	[dreg:$0x8] =	wrdreg s24  }
0x7: {  	s0 =	stileid.u32;
	s26 =	simm.s32 $0x2080;
	[dreg:$0x9] =	wrdreg s25  }
0x8: {  	s6 =	sshll.u32 s0, $0x5;
	s0 =	simm.s32 $0x2880;
	[dreg:$0xa] =	wrdreg s26  }
0x9: {  	s8 =	simm.s32 $0x4880;
	[dreg:$0xb] =	wrdreg s0  }
0xa: {  	s9 =	simm.s32 $0x5080;
	[dreg:$0xf] =	wrdreg s8  }
0xb: {  	s10 =	simm.s32 $0x5880;
	[dreg:$0x10] =	wrdreg s9  }
0xc: {  	s11 =	simm.s32 $0x6080;
	[dreg:$0x11] =	wrdreg s10  }
0xd: {  	s2 =	srdreg.scid;
	s12 =	simm.s32 $0x6880;
	[dreg:$0x12] =	wrdreg s11  }
0xe: {  	s13 =	simm.s32 $0x7080;
	s14 =	simm.s32 $0x7880;
	[dreg:$0x13] =	wrdreg s12  }
0xf: {  	s15 =	simm.s32 $0x8080;
	s16 =	simm.s32 $0x8880;
	[dreg:$0x14] =	wrdreg s13  }
0x10: {  	s17 =	simm.s32 $0x9080;
	s18 =	simm.s32 $0x9880;
	[dreg:$0x15] =	wrdreg s14  }
0x11: {  	s20 =	simm.s32 $0xA080;
	s28 =	simm.s32 $0x16080;
	[dreg:$0x16] =	wrdreg s15  }
0x12: {  	s29 =	simm.s32 $0x16880;
	s30 =	simm.s32 $0x17080;
	[dreg:$0x17] =	wrdreg s16  }
0x13: {  	s31 =	simm.s32 $0x17880;
	s2 =	sand.u32 $0x1, s2;
	[dreg:$0x18] =	wrdreg s17  }
0x14: {  	s5 =	sadd.s32 $0xC2C00, s5;
	s7 =	sshll.u32 s2, $0x4;
	[dreg:$0x19] =	wrdreg s18  }
0x15: {  	s2 =	ssub.s32 $0x2, s2;
	[dreg:$0x1a] =	wrdreg s20;
	s23 =	simm.s32 $0xB880  }
0x16: {  	s24 =	simm.s32 $0xC880;
	s25 =	simm.s32 $0xD080;
	s8 =	simm.s32 $0x80  }
0x17: {  	s26 =	simm.s32 $0xD880;
	s9 =	simm.s32 $0x1;
	s10 =	simm.s32 $0xC080  }
0x18: {  	s12 =	simm.s32 $0xE880;
	s13 =	simm.s32 $0xF080;
	s14 =	simm.s32 $0xF880  }
0x19: {  	s15 =	simm.s32 $0x10080;
	s16 =	simm.s32 $0x10880;
	[dreg:$0x1d] =	wrdreg s23  }
0x1a: {  	s17 =	simm.s32 $0x11080;
	s18 =	simm.s32 $0x11880;
	[dreg:$0x1e] =	wrdreg s24  }
0x1b: {  	s20 =	simm.s32 $0x12880;
	s6 =	sor.u32 s7, s6;
	[dreg:$0x1f] =	wrdreg s25  }
0x1c: {  	s19 =	sshrl.u32 s2, $0x1;
	[smem:$0x7FD] =	sst s26;
	s23 =	simm.s32 $0x14080  }
0x1d: {  	s24 =	simm.s32 $0x14880;
	s25 =	simm.s32 $0x15080;
	s7 =	smul.u32 $0x1800, s6  }
0x1e: {  	s26 =	simm.s32 $0x15880;
	s4 =	sadd.s32 s6, s4;
	s6 =	smul.u32 $0x300, s6  }
0x1f: {  	s2 =	ssub.s32 s2, s19;
	s19 =	simm.s32 $0x12080;
	s4 =	sadd.s32 $0x600, s4  }
0x20: {  	s7 =	sshrl.u32 s7, $0x3;
	[dreg:$0x4] =	wrdreg s4;
	s21 =	sadd.s32 s5, s6  }
0x21: {  	s6 =	simm.s32 $0x3880;
	s4 =	sadd.s32 $0x100, s1;
	[dreg:$0x5] =	wrdreg s21  }
0x22: {  	s5 =	sadd.s32 s5, s7;
	[dreg:$0xd] =	wrdreg s6;
	s7 =	simm.s32 $0x4080  }
0x23: {  	s21 =	simm.s32 $0xA880;
	s6 =	smax.u32 s2, $0x1;
	[dreg:$0xe] =	wrdreg s7  }
0x24: {  	s2 =	simm.s32 $0x2;
	s22 =	sadd.s32 $0x1800, s5;
	[dreg:$0x1b] =	wrdreg s21  }
0x25: {  	v2 =	vlaneseq.u32;
	s5 =	simm.s32 $0x3080;
	s7 =	simm.s32 $0x3;
	[dreg:$0x6] =	wrdreg s22  }
0x26: {  	vm0 =	vmmov $0xffff;
	v1 =	vshrl.u32 v2, $0x3;
	s21 =	simm.s32 $0x13080;
	[dreg:$0xc] =	wrdreg s5;
	s22 =	simm.s32 $0xB080  }
0x27: {  	v0 =	vand.u32 $0x7, v2;
	v2 =	vor.u32 $0x8, v2;
	v1 =	vmul.u32 $0x8, v1;
	s5 =	sadd.s32 $0x200, s1;
	[dreg:$0x1c] =	wrdreg s22;
	s22 =	simm.s32 $0x13880  }
.LBB2_1:
0x28: {  	s0 =	rddreg [dreg:$0x4]  }
0x29: {  	[tilespmem:s3], [sflag:$0x3] =	stream.linear.gather [hbm4b:s0+s3], $0x80, $0x38;
	[tilespmem:$0x18080] =	vst v63  }
0x2a: {  	_ =	swait.ge [sflag:s7], $0x80  }
0x2b: {  	[sflag:s7] =	ssyncset.done $0x0  }
0x2c: {  	[sflag:s7] =	ssyncadd.s32 $0xFFFFFF80  }
0x2d: {  	v3 =	vld [tilespmem:$0x0];
	_ =	sdelay $0x4  }
0x2e: {  	v4 =	vshrl.u32 v3, $0x3  }
0x2f: {  	v4 =	vmul.u32 $0x30, v4  }
0x30: {  	v3 =	vand.u32 $0x7, v3  }
0x31: {  	v3 =	vor.u32 v3, v4  }
0x32: {  	v4 =	vperm.xlane v3, v0;
	_ =	sdelay $0x1  }
0x33: {  	v4 =	vadd.s32 v1, v4;
	_ =	sdelay $0x3  }
0x34: {  	v3 =	vperm.xlane v3, v2  }
0x35: {  	[tilespmem:s8], [sflag:$0x1] =	stream.indirect_vreg.gather [hbm4b:s1+s3], $0x80, v4, vm0, $0xb8;
	[tilespmem:$0x18080] =	vst v63  }
0x36: {  	s0 =	rddreg [dreg:$0x7];
	v3 =	vadd.s32 v1, v3  }
0x37: {  	[tilespmem:s0], [sflag:$0x1] =	stream.indirect_vreg.gather [hbm4b:s4+s3], $0x80, v4, vm0, $0xb8;
	[tilespmem:$0x18080] =	vst v63  }
0x38: {  	s11 =	rddreg [dreg:$0x8]  }
0x39: {  	[tilespmem:s11], [sflag:$0x1] =	stream.indirect_vreg.gather [hbm4b:s5+s3], $0x80, v4, vm0, $0xb8;
	[tilespmem:$0x18080] =	vst v63  }
0x3a: {  	s0 =	rddreg [dreg:$0x9]  }
0x3b: {  	[tilespmem:s0], [sflag:$0x1] =	stream.indirect_vreg.gather [hbm4b:s1+s3], $0x80, v3, vm0, $0xb8;
	[tilespmem:$0x18080] =	vst v63  }
0x3c: {  	s11 =	rddreg [dreg:$0xa]  }
0x3d: {  	[tilespmem:s11], [sflag:$0x1] =	stream.indirect_vreg.gather [hbm4b:s4+s3], $0x80, v3, vm0, $0xb8;
	[tilespmem:$0x18080] =	vst v63  }
0x3e: {  	s0 =	rddreg [dreg:$0xb]  }
0x3f: {  	[tilespmem:s0], [sflag:$0x1] =	stream.indirect_vreg.gather [hbm4b:s5+s3], $0x80, v3, vm0, $0xb8;
	[tilespmem:$0x18080] =	vst v63  }
0x40: {  	v3 =	vld [tilespmem:$0x10];
	_ =	sdelay $0x4  }
0x41: {  	v57 =	vshrl.u32 v3, $0x3  }
0x42: {  	v4 =	vmul.u32 $0x30, v57  }
0x43: {  	v3 =	vand.u32 $0x7, v3  }
0x44: {  	v3 =	vor.u32 v3, v4  }
0x45: {  	v4 =	vperm.xlane v3, v0;
	_ =	sdelay $0x1  }
0x46: {  	v4 =	vadd.s32 v1, v4;
	_ =	sdelay $0x3  }
0x47: {  	s0 =	rddreg [dreg:$0xc];
	v3 =	vperm.xlane v3, v2  }
0x48: {  	[tilespmem:s0], [sflag:$0x1] =	stream.indirect_vreg.gather [hbm4b:s1+s3], $0x80, v4, vm0, $0xb8;
	[tilespmem:$0x18080] =	vst v63  }
0x49: {  	s11 =	rddreg [dreg:$0xd];
	v3 =	vadd.s32 v1, v3  }
0x4a: {  	[tilespmem:s11], [sflag:$0x1] =	stream.indirect_vreg.gather [hbm4b:s4+s3], $0x80, v4, vm0, $0xb8;
	[tilespmem:$0x18080] =	vst v63  }
0x4b: {  	s0 =	rddreg [dreg:$0xe]  }
0x4c: {  	[tilespmem:s0], [sflag:$0x1] =	stream.indirect_vreg.gather [hbm4b:s5+s3], $0x80, v4, vm0, $0xb8;
	[tilespmem:$0x18080] =	vst v63  }
0x4d: {  	s11 =	rddreg [dreg:$0xf]  }
0x4e: {  	[tilespmem:s11], [sflag:$0x1] =	stream.indirect_vreg.gather [hbm4b:s1+s3], $0x80, v3, vm0, $0xb8;
	[tilespmem:$0x18080] =	vst v63  }
0x4f: {  	s0 =	rddreg [dreg:$0x10]  }
0x50: {  	[tilespmem:s0], [sflag:$0x1] =	stream.indirect_vreg.gather [hbm4b:s4+s3], $0x80, v3, vm0, $0xb8;
	[tilespmem:$0x18080] =	vst v63  }
0x51: {  	s11 =	rddreg [dreg:$0x11]  }
0x52: {  	[tilespmem:s11], [sflag:$0x1] =	stream.indirect_vreg.gather [hbm4b:s5+s3], $0x80, v3, vm0, $0xb8;
	[tilespmem:$0x18080] =	vst v63  }
0x53: {  	v3 =	vld [tilespmem:$0x20];
	_ =	sdelay $0x4  }
0x54: {  	v58 =	vshrl.u32 v3, $0x3  }
0x55: {  	v4 =	vmul.u32 $0x30, v58  }
0x56: {  	v3 =	vand.u32 $0x7, v3  }
0x57: {  	v3 =	vor.u32 v3, v4  }
0x58: {  	v4 =	vperm.xlane v3, v0;
	_ =	sdelay $0x1  }
0x59: {  	v4 =	vadd.s32 v1, v4;
	_ =	sdelay $0x3  }
0x5a: {  	s0 =	rddreg [dreg:$0x12];
	v3 =	vperm.xlane v3, v2  }
0x5b: {  	[tilespmem:s0], [sflag:$0x1] =	stream.indirect_vreg.gather [hbm4b:s1+s3], $0x80, v4, vm0, $0xb8;
	[tilespmem:$0x18080] =	vst v63  }
0x5c: {  	s11 =	rddreg [dreg:$0x13];
	v3 =	vadd.s32 v1, v3  }
0x5d: {  	[tilespmem:s11], [sflag:$0x1] =	stream.indirect_vreg.gather [hbm4b:s4+s3], $0x80, v4, vm0, $0xb8;
	[tilespmem:$0x18080] =	vst v63  }
0x5e: {  	s0 =	rddreg [dreg:$0x14]  }
0x5f: {  	[tilespmem:s0], [sflag:$0x1] =	stream.indirect_vreg.gather [hbm4b:s5+s3], $0x80, v4, vm0, $0xb8;
	[tilespmem:$0x18080] =	vst v63  }
0x60: {  	s11 =	rddreg [dreg:$0x15]  }
0x61: {  	[tilespmem:s11], [sflag:$0x1] =	stream.indirect_vreg.gather [hbm4b:s1+s3], $0x80, v3, vm0, $0xb8;
	[tilespmem:$0x18080] =	vst v63  }
0x62: {  	s0 =	rddreg [dreg:$0x16]  }
0x63: {  	[tilespmem:s0], [sflag:$0x1] =	stream.indirect_vreg.gather [hbm4b:s4+s3], $0x80, v3, vm0, $0xb8;
	[tilespmem:$0x18080] =	vst v63  }
0x64: {  	s11 =	rddreg [dreg:$0x17]  }
0x65: {  	[tilespmem:s11], [sflag:$0x1] =	stream.indirect_vreg.gather [hbm4b:s5+s3], $0x80, v3, vm0, $0xb8;
	[tilespmem:$0x18080] =	vst v63  }
0x66: {  	v3 =	vld [tilespmem:$0x30];
	_ =	sdelay $0x4  }
0x67: {  	v59 =	vshrl.u32 v3, $0x3  }
0x68: {  	v4 =	vmul.u32 $0x30, v59  }
0x69: {  	v3 =	vand.u32 $0x7, v3  }
0x6a: {  	v3 =	vor.u32 v3, v4  }
0x6b: {  	v4 =	vperm.xlane v3, v0;
	_ =	sdelay $0x1  }
0x6c: {  	v4 =	vadd.s32 v1, v4;
	_ =	sdelay $0x3  }
0x6d: {  	s0 =	rddreg [dreg:$0x18];
	v3 =	vperm.xlane v3, v2  }
0x6e: {  	[tilespmem:s0], [sflag:$0x1] =	stream.indirect_vreg.gather [hbm4b:s1+s3], $0x80, v4, vm0, $0xb8;
	[tilespmem:$0x18080] =	vst v63  }
0x6f: {  	s11 =	rddreg [dreg:$0x19];
	v3 =	vadd.s32 v1, v3  }
0x70: {  	[tilespmem:s11], [sflag:$0x1] =	stream.indirect_vreg.gather [hbm4b:s4+s3], $0x80, v4, vm0, $0xb8;
	[tilespmem:$0x18080] =	vst v63  }
0x71: {  	s0 =	rddreg [dreg:$0x1a]  }
0x72: {  	[tilespmem:s0], [sflag:$0x1] =	stream.indirect_vreg.gather [hbm4b:s5+s3], $0x80, v4, vm0, $0xb8;
	[tilespmem:$0x18080] =	vst v63  }
0x73: {  	s11 =	rddreg [dreg:$0x1b]  }
0x74: {  	[tilespmem:s11], [sflag:$0x1] =	stream.indirect_vreg.gather [hbm4b:s1+s3], $0x80, v3, vm0, $0xb8;
	[tilespmem:$0x18080] =	vst v63  }
0x75: {  	s0 =	rddreg [dreg:$0x1c]  }
0x76: {  	[tilespmem:s0], [sflag:$0x1] =	stream.indirect_vreg.gather [hbm4b:s4+s3], $0x80, v3, vm0, $0xb8;
	[tilespmem:$0x18080] =	vst v63  }
0x77: {  	s11 =	rddreg [dreg:$0x1d]  }
0x78: {  	[tilespmem:s11], [sflag:$0x1] =	stream.indirect_vreg.gather [hbm4b:s5+s3], $0x80, v3, vm0, $0xb8;
	[tilespmem:$0x18080] =	vst v63  }
0x79: {  	_ =	swait.ge [sflag:s9], $0xC000  }
0x7a: {  	[sflag:s9] =	ssyncset.done $0x0  }
0x7b: {  	[sflag:s9] =	ssyncadd.s32 $0xFFFF4000  }
0x7c: {  	v3 =	vld [tilespmem:$0x40];
	_ =	sdelay $0x4  }
0x7d: {  	v60 =	vshrl.u32 v3, $0x3  }
0x7e: {  	v4 =	vmul.u32 $0x30, v60  }
0x7f: {  	v3 =	vand.u32 $0x7, v3  }
0x80: {  	v3 =	vor.u32 v3, v4  }
0x81: {  	v4 =	vperm.xlane v3, v0;
	_ =	sdelay $0x1  }
0x82: {  	v4 =	vadd.s32 v1, v4;
	_ =	sdelay $0x3  }
0x83: {  	s0 =	rddreg [dreg:$0x1e];
	v3 =	vperm.xlane v3, v2  }
0x84: {  	[tilespmem:s10], [sflag:$0x2] =	stream.indirect_vreg.gather [hbm4b:s1+s3], $0x80, v4, vm0, $0xb8;
	[tilespmem:$0x18080] =	vst v63  }
0x85: {  	s11 =	rddreg [dreg:$0x1f];
	v3 =	vadd.s32 v1, v3  }
0x86: {  	[tilespmem:s0], [sflag:$0x2] =	stream.indirect_vreg.gather [hbm4b:s4+s3], $0x80, v4, vm0, $0xb8;
	[tilespmem:$0x18080] =	vst v63  }
0x87: {  	s0 =	sld [smem:$0x7FD]  }
0x88: {  	[tilespmem:s11], [sflag:$0x2] =	stream.indirect_vreg.gather [hbm4b:s5+s3], $0x80, v4, vm0, $0xb8;
	[tilespmem:$0x18080] =	vst v63  }
0x89: {  	_ = 	snop  }
0x8a: {  	[tilespmem:s0], [sflag:$0x2] =	stream.indirect_vreg.gather [hbm4b:s1+s3], $0x80, v3, vm0, $0xb8;
	[tilespmem:$0x18080] =	vst v63  }
0x8b: {  	s11 =	simm.s32 $0xE080  }
0x8c: {  	[tilespmem:s11], [sflag:$0x2] =	stream.indirect_vreg.gather [hbm4b:s4+s3], $0x80, v3, vm0, $0xb8;
	[tilespmem:$0x18080] =	vst v63  }
0x8d: {  	_ = 	snop  }
0x8e: {  	[tilespmem:s12], [sflag:$0x2] =	stream.indirect_vreg.gather [hbm4b:s5+s3], $0x80, v3, vm0, $0xb8;
	[tilespmem:$0x18080] =	vst v63  }
0x8f: {  	v3 =	vld [tilespmem:$0x50];
	_ =	sdelay $0x4  }
0x90: {  	v61 =	vshrl.u32 v3, $0x3  }
0x91: {  	v4 =	vmul.u32 $0x30, v61  }
0x92: {  	v3 =	vand.u32 $0x7, v3  }
0x93: {  	v3 =	vor.u32 v3, v4  }
0x94: {  	v4 =	vperm.xlane v3, v0;
	_ =	sdelay $0x1  }
0x95: {  	v4 =	vadd.s32 v1, v4;
	_ =	sdelay $0x3  }
0x96: {  	v3 =	vperm.xlane v3, v2  }
0x97: {  	[tilespmem:s13], [sflag:$0x2] =	stream.indirect_vreg.gather [hbm4b:s1+s3], $0x80, v4, vm0, $0xb8;
	[tilespmem:$0x18080] =	vst v63  }
0x98: {  	v3 =	vadd.s32 v1, v3  }
0x99: {  	[tilespmem:s14], [sflag:$0x2] =	stream.indirect_vreg.gather [hbm4b:s4+s3], $0x80, v4, vm0, $0xb8;
	[tilespmem:$0x18080] =	vst v63  }
0x9a: {  	_ = 	snop  }
0x9b: {  	[tilespmem:s15], [sflag:$0x2] =	stream.indirect_vreg.gather [hbm4b:s5+s3], $0x80, v4, vm0, $0xb8;
	[tilespmem:$0x18080] =	vst v63  }
0x9c: {  	_ = 	snop  }
0x9d: {  	[tilespmem:s16], [sflag:$0x2] =	stream.indirect_vreg.gather [hbm4b:s1+s3], $0x80, v3, vm0, $0xb8;
	[tilespmem:$0x18080] =	vst v63  }
0x9e: {  	_ = 	snop  }
0x9f: {  	[tilespmem:s17], [sflag:$0x2] =	stream.indirect_vreg.gather [hbm4b:s4+s3], $0x80, v3, vm0, $0xb8;
	[tilespmem:$0x18080] =	vst v63  }
0xa0: {  	_ = 	snop  }
0xa1: {  	[tilespmem:s18], [sflag:$0x2] =	stream.indirect_vreg.gather [hbm4b:s5+s3], $0x80, v3, vm0, $0xb8;
	[tilespmem:$0x18080] =	vst v63  }
0xa2: {  	v3 =	vld [tilespmem:$0x60];
	_ =	sdelay $0x4  }
0xa3: {  	v62 =	vshrl.u32 v3, $0x3  }
0xa4: {  	v4 =	vmul.u32 $0x30, v62  }
0xa5: {  	v3 =	vand.u32 $0x7, v3  }
0xa6: {  	v3 =	vor.u32 v3, v4  }
0xa7: {  	v4 =	vperm.xlane v3, v0;
	_ =	sdelay $0x1  }
0xa8: {  	v4 =	vadd.s32 v1, v4;
	_ =	sdelay $0x3  }
0xa9: {  	v3 =	vperm.xlane v3, v2  }
0xaa: {  	[tilespmem:s19], [sflag:$0x2] =	stream.indirect_vreg.gather [hbm4b:s1+s3], $0x80, v4, vm0, $0xb8;
	[tilespmem:$0x18080] =	vst v63  }
0xab: {  	v3 =	vadd.s32 v1, v3  }
0xac: {  	[tilespmem:s20], [sflag:$0x2] =	stream.indirect_vreg.gather [hbm4b:s4+s3], $0x80, v4, vm0, $0xb8;
	[tilespmem:$0x18080] =	vst v63  }
0xad: {  	_ = 	snop  }
0xae: {  	[tilespmem:s21], [sflag:$0x2] =	stream.indirect_vreg.gather [hbm4b:s5+s3], $0x80, v4, vm0, $0xb8;
	[tilespmem:$0x18080] =	vst v63  }
0xaf: {  	_ = 	snop  }
0xb0: {  	[tilespmem:s22], [sflag:$0x2] =	stream.indirect_vreg.gather [hbm4b:s1+s3], $0x80, v3, vm0, $0xb8;
	[tilespmem:$0x18080] =	vst v63  }
0xb1: {  	_ = 	snop  }
0xb2: {  	[tilespmem:s23], [sflag:$0x2] =	stream.indirect_vreg.gather [hbm4b:s4+s3], $0x80, v3, vm0, $0xb8;
	[tilespmem:$0x18080] =	vst v63  }
0xb3: {  	_ = 	snop  }
0xb4: {  	[tilespmem:s24], [sflag:$0x2] =	stream.indirect_vreg.gather [hbm4b:s5+s3], $0x80, v3, vm0, $0xb8;
	[tilespmem:$0x18080] =	vst v63  }
0xb5: {  	v3 =	vld [tilespmem:$0x70];
	_ =	sdelay $0x4  }
0xb6: {  	v63 =	vshrl.u32 v3, $0x3  }
0xb7: {  	v4 =	vmul.u32 $0x30, v63  }
0xb8: {  	v3 =	vand.u32 $0x7, v3  }
0xb9: {  	v3 =	vor.u32 v3, v4  }
0xba: {  	v4 =	vperm.xlane v3, v0;
	_ =	sdelay $0x1  }
0xbb: {  	v4 =	vadd.s32 v1, v4;
	_ =	sdelay $0x3  }
0xbc: {  	v3 =	vperm.xlane v3, v2  }
0xbd: {  	[tilespmem:s25], [sflag:$0x2] =	stream.indirect_vreg.gather [hbm4b:s1+s3], $0x80, v4, vm0, $0xb8;
	[tilespmem:$0x18080] =	vst v63  }
0xbe: {  	v3 =	vadd.s32 v1, v3  }
0xbf: {  	[tilespmem:s26], [sflag:$0x2] =	stream.indirect_vreg.gather [hbm4b:s4+s3], $0x80, v4, vm0, $0xb8;
	[tilespmem:$0x18080] =	vst v63  }
0xc0: {  	_ = 	snop  }
0xc1: {  	[tilespmem:s28], [sflag:$0x2] =	stream.indirect_vreg.gather [hbm4b:s5+s3], $0x80, v4, vm0, $0xb8;
	[tilespmem:$0x18080] =	vst v63  }
0xc2: {  	_ = 	snop  }
0xc3: {  	[tilespmem:s29], [sflag:$0x2] =	stream.indirect_vreg.gather [hbm4b:s1+s3], $0x80, v3, vm0, $0xb8;
	[tilespmem:$0x18080] =	vst v63  }
0xc4: {  	_ = 	snop  }
0xc5: {  	[tilespmem:s30], [sflag:$0x2] =	stream.indirect_vreg.gather [hbm4b:s4+s3], $0x80, v3, vm0, $0xb8;
	[tilespmem:$0x18080] =	vst v63  }
0xc6: {  	_ = 	snop  }
0xc7: {  	[tilespmem:s31], [sflag:$0x2] =	stream.indirect_vreg.gather [hbm4b:s5+s3], $0x80, v3, vm0, $0xb8;
	[tilespmem:$0x18080] =	vst v63  }
0xc8: {  	s11 =	rddreg [dreg:$0x5]  }
0xc9: {  	[hbm4b:s11+s3] =	stream.linear.scatter [tilespmem:s8], [sflag:$0x3], $0xC000, $0x38;
	[tilespmem:$0x18080] =	vst v63  }
0xca: {  	_ =	swait.ge [sflag:s7], $0xC000  }
0xcb: {  	[sflag:s7] =	ssyncset.done $0x0  }
0xcc: {  	[sflag:s7] =	ssyncadd.s32 $0xFFFF4000  }
0xcd: {  	_ =	swait.ge [sflag:s2], $0xC000  }
0xce: {  	p0 =	sne.s32 s6, $0x1;
	[sflag:s2] =	ssyncset.done $0x0  }
.Ltmp0:
0xcf: {  	s11 =	rddreg [dreg:$0x6];
	[sflag:s2] =	ssyncadd.s32 $0xFFFF4000;
	(pc) =	sbr.rel @p0 .LBB2_1-.Ltmp0, $4  }
0xd0: {  	[hbm4b:s11+s3] =	stream.linear.scatter [tilespmem:s10], [sflag:$0x3], $0xC000, $0x38;
	[tilespmem:$0x18080] =	vst v63  }
0xd1: {  	_ =	swait.ge [sflag:s7], $0xC000  }
0xd2: {  	[sflag:s7] =	ssyncset.done $0x0  }
0xd3: {  	s6 =	sadd.s32 $0xFFFFFFFF, s6;
	[sflag:s7] =	ssyncadd.s32 $0xFFFF4000  }
0xd4: {  	_ =	sfence.sel $0x180000  }
0xd5: {  	[bflag:$0x0] =	sbarrier.arrive $0xFFFF  }
0xd6: {  	_ =	strace $0x90000050  }
0xd7: {  	s0 =	stileid.u32;
	[bflag:$0x2] =	sbarrier.arrive $0xFFFF  }
0xd8: {  	p0 =	sne.s32 s0, $0x0;
	s0 =	rddreg [dreg:$0x3]  }
0xd9: {  	s0 =	sadd.s32 @!p0 $0x100000, s0  }
0xda: {  	[sflag:s0] =	ssyncadd.tile.s32 @!p0 $0x1;
	_ =	shalt  }
.Lfunc_end2:
_tile_overlayer_lowered:
.L_overlay_start_2:
0xdb: {  	(tag) =	ssettag $0x2  }
0xdc: {  	s0 =	rddreg [dreg:$0x0];
	s2 =	stileid.u32  }
0xdd: {  	s1 =	rddreg [dreg:$0x1];
	p0 =	sne.s32 s2, $0x0  }
0xde: {  	s3 =	rddreg [dreg:$0x2];
	[bflag:$0x3] =	sbarrier.arrive $0xFFFF;
	s2 =	simm.s32 @!p0 $0x1C03  }
0xdf: {  	[timem:s3], [sflag:s2] =	dma.local @!p0 [hbm:s0], s1  }
0xe0: {  	s0 =	simm.s32 @!p0 $0x3  }
0xe1: {  	_ =	swait.ge @!p0 [sflag:s0], s1  }
0xe2: {  	s1 =	ssub.s32 @!p0 $0x0, s1;
	[sflag:s0] =	ssyncset.done @!p0 $0x0  }
0xe3: {  	[sflag:s0] =	ssyncadd.s32 @!p0 s1  }
0xe4: {  	[bflag:$0x3] =	sbarrier.arrive $0xFFFF  }
0xe5: {  	_ =	shalt  }

</sc_bundles>
